<compile_context>
chip_gen: v7x
topology: tpu7x:2x2x1
jax: 0.10.2.dev20260603
libtpu: 0.0.44.dev20260713+nightly
codegen_flags: <defaults>
</compile_context>

<pallas_src>
import jax
import jax.numpy as jnp
from jax import lax
from jax.experimental import pallas as pl
from jax.experimental.pallas import tpu as pltpu
from jax.experimental.pallas import tpu_sc as plsc

B = 16384
D = 64
NC = 2
NS = 16
NW = NC * NS
BPW = B // NW
OPW = BPW * D // 128
HPW = OPW // 2
LANES = 16
NSEM = 4


def _gmf_body(user_ids, movie_ids, user_table, item_table, out,
              idx_uv, idx_mv, rows_u, rows_m, sh_u, sh_m,
              sem_u, sem_m, sem_su, sem_sm, sem_b):
    sid = lax.axis_index("s")
    wid = sid * NC + lax.axis_index("c")
    base = wid * BPW

    pltpu.sync_copy(user_ids.at[pl.ds(base, BPW)], idx_uv)
    pltpu.sync_copy(movie_ids.at[pl.ds(base, BPW)], idx_mv)

    def fire_tile(ch, carry):
        vu = idx_uv[pl.ds(ch * LANES, LANES)]
        vm = idx_mv[pl.ds(ch * LANES, LANES)]
        for j in range(LANES):
            q = ch * (LANES // 2) + j // 2
            h = (j % 2) * D
            pltpu.async_copy(user_table.at[vu[j]], rows_u.at[q, pl.ds(h, D)],
                             sem_u.at[j // 4])
            pltpu.async_copy(item_table.at[vm[j]], rows_m.at[q, pl.ds(h, D)],
                             sem_m.at[j // 4])
        return carry

    def fire_shared(ch, carry):
        vu = idx_uv[pl.ds((BPW // 2) + ch * LANES, LANES)]
        vm = idx_mv[pl.ds((BPW // 2) + ch * LANES, LANES)]
        for j in range(LANES):
            q = ch * (LANES // 2) + j // 2
            h = (j % 2) * D
            pltpu.async_copy(user_table.at[vu[j]], sh_u.at[sid, q, pl.ds(h, D)],
                             sem_su)
            pltpu.async_copy(item_table.at[vm[j]], sh_m.at[sid, q, pl.ds(h, D)],
                             sem_sm)
        return carry

    lax.fori_loop(0, BPW // LANES // 2, fire_tile, 0)
    lax.fori_loop(0, BPW // LANES // 2, fire_shared, 0)

    def drain(r, carry):
        for s in range(NSEM):
            pltpu.make_async_copy(user_table.at[0], rows_u.at[0, pl.ds(0, D)],
                                  sem_u.at[s]).wait()
            pltpu.make_async_copy(item_table.at[0], rows_m.at[0, pl.ds(0, D)],
                                  sem_m.at[s]).wait()
        pltpu.make_async_copy(out.at[pl.ds(0, 2)],
                              sh_u.at[0, pl.ds(0, 2)], sem_su).wait()
        pltpu.make_async_copy(out.at[pl.ds(0, 2)],
                              sh_m.at[0, pl.ds(0, 2)], sem_sm).wait()
        return carry

    lax.fori_loop(0, BPW // NSEM // 2, drain, 0)

    pltpu.async_copy(sh_u.at[sid], rows_u.at[pl.ds(HPW, HPW)], sem_b)
    pltpu.async_copy(sh_m.at[sid], rows_m.at[pl.ds(HPW, HPW)], sem_b).wait()
    pltpu.make_async_copy(out.at[pl.ds(0, HPW)],
                          rows_u.at[pl.ds(0, HPW)], sem_b).wait()

    def mul_row(i, carry):
        for c in range(128 // LANES):
            sl = pl.ds(c * LANES, LANES)
            rows_u[i, sl] = rows_u[i, sl] * rows_m[i, sl]
        return carry

    lax.fori_loop(0, OPW, mul_row, 0)

    pltpu.sync_copy(rows_u, out.at[pl.ds(wid * OPW, OPW)])


def kernel(user_ids, movie_ids, user_table, item_table):
    mesh = plsc.VectorSubcoreMesh(core_axis_name="c", subcore_axis_name="s")
    run = pl.kernel(
        _gmf_body,
        mesh=mesh,
        compiler_params=pltpu.CompilerParams(use_tc_tiling_on_sc=True),
        out_type=jax.ShapeDtypeStruct((B * D // 128, 128), jnp.float32),
        scratch_types=[
            pltpu.VMEM((BPW,), jnp.int32),
            pltpu.VMEM((BPW,), jnp.int32),
            pltpu.VMEM((OPW, 128), jnp.float32),
            pltpu.VMEM((OPW, 128), jnp.float32),
            pltpu.VMEM_SHARED((NS, HPW, 128), jnp.float32),
            pltpu.VMEM_SHARED((NS, HPW, 128), jnp.float32),
            pltpu.SemaphoreType.DMA((NSEM,)),
            pltpu.SemaphoreType.DMA((NSEM,)),
            pltpu.SemaphoreType.DMA,
            pltpu.SemaphoreType.DMA,
            pltpu.SemaphoreType.DMA,
        ],
    )
    flat = run(user_ids.astype(jnp.int32), movie_ids.astype(jnp.int32),
               user_table, item_table)
    return flat.reshape(B, D)

# --- scband reference (transcript-rebuilt; emitter-appended) ---
"""Pipeline reference for scband-gmf-16647293239473 (READ-ONLY COPY).

The authoritative reference and input builder live on the scoring server;
editing this copy changes nothing except your own understanding.
"""

import jax, jax.numpy as jnp
import numpy as np

NUM_USERS = 1000000
NUM_MOVIES = 1000000
EMB_DIM = 64
BATCH = 16384

def setup_inputs(seed: int = 0) -> dict:
    key = jax.random.key(seed)
    k1, k2, k3, k4 = jax.random.split(key, 4)
    user_ids = jax.random.randint(k1, (BATCH,), 0, NUM_USERS, dtype=jnp.int64) if jax.config.jax_enable_x64 else jax.random.randint(k1, (BATCH,), 0, NUM_USERS, dtype=jnp.int32)
    movie_ids = jax.random.randint(k2, (BATCH,), 0, NUM_MOVIES, dtype=user_ids.dtype)
    user_table = jax.random.normal(k3, (NUM_USERS + 1, EMB_DIM), dtype=jnp.float32) * 0.02
    item_table = jax.random.normal(k4, (NUM_MOVIES + 1, EMB_DIM), dtype=jnp.float32) * 0.02
    # padding_idx=0 rows are zero-initialized in torch
    user_table = user_table.at[0].set(0.0)
    item_table = item_table.at[0].set(0.0)
    return {"user_ids": user_ids, "movie_ids": movie_ids, "user_table": user_table, "item_table": item_table}

def reference(user_ids, movie_ids, user_table, item_table):
    user_emb = jnp.take(user_table, user_ids, axis=0)
    item_emb = jnp.take(item_table, movie_ids, axis=0)
    return user_emb * item_emb

if __name__ == "__main__":
    import jax
    _d = setup_inputs()
    print(jax.jit(kernel)(*tuple(_d.values())))

</pallas_src>

<mosaic_0001>
#map = affine_map<(d0, d1) -> (0)>
#map1 = affine_map<(d0, d1) -> (0, 0)>
module attributes {stable_mosaic.version = 14 : i64} {
  func.func @_gmf_body(%arg0: i32, %arg1: i32, %arg2: memref<16384xi32, #tpu.memory_space<hbm>>, %arg3: memref<16384xi32, #tpu.memory_space<hbm>>, %arg4: memref<1000001x64xf32, #tpu.memory_space<hbm>>, %arg5: memref<1000001x64xf32, #tpu.memory_space<hbm>>, %arg6: memref<8192x128xf32, #tpu.memory_space<hbm>>, %arg7: memref<512xi32, #tpu.memory_space<vmem>>, %arg8: memref<512xi32, #tpu.memory_space<vmem>>, %arg9: memref<256x128xf32, #tpu.memory_space<vmem>>, %arg10: memref<256x128xf32, #tpu.memory_space<vmem>>, %arg11: memref<16x128x128xf32, #tpu.memory_space<vmem_shared>>, %arg12: memref<16x128x128xf32, #tpu.memory_space<vmem_shared>>, %arg13: memref<4x!tpu.dma_semaphore, #tpu.memory_space<semaphore_mem>>, %arg14: memref<4x!tpu.dma_semaphore, #tpu.memory_space<semaphore_mem>>, %arg15: memref<!tpu.dma_semaphore, #tpu.memory_space<semaphore_mem>>, %arg16: memref<!tpu.dma_semaphore, #tpu.memory_space<semaphore_mem>>, %arg17: memref<!tpu.dma_semaphore, #tpu.memory_space<semaphore_mem>>) attributes {dimension_semantics = [#tpu.dimension_semantics<core_parallel>, #tpu.dimension_semantics<subcore_parallel>], iteration_bounds = array<i64: 2, 16>, scalar_prefetch = 0 : i64, scratch_operands = 11 : i64, tpu.core_type = #tpu.core_type<sc_vector_subcore>, window_params = [{transform_indices = #map}, {transform_indices = #map}, {transform_indices = #map1}, {transform_indices = #map1}, {transform_indices = #map1}]} {
    %mul3A = arith.constant 2 : i32
    %mul3A_0 = arith.muli %arg1, %mul3A : i32
    %add3A = arith.addi %mul3A_0, %arg0 : i32
    %mul3A_1 = arith.constant 512 : i32
    %mul3A_2 = arith.muli %add3A, %mul3A_1 : i32
    "tpu.region"() ({
      %run_scoped3A = tpu.sem_alloc : memref<!tpu.dma_semaphore, #tpu.memory_space<semaphore_mem>>
      %dma_start3A_80 = tpu.memref_slice %arg2[%mul3A_2] : memref<16384xi32, #tpu.memory_space<hbm>> -> memref<512xi32, #tpu.memory_space<hbm>>
      %dma_start3A_81 = tpu.memref_slice %arg2[%mul3A_2] : memref<16384xi32, #tpu.memory_space<hbm>> -> memref<512xi32, #tpu.memory_space<hbm>>
      tpu.enqueue_dma source(%dma_start3A_81 : memref<512xi32, #tpu.memory_space<hbm>>) target(%arg7 : memref<512xi32, #tpu.memory_space<vmem>>) target_semaphore(%run_scoped3A : memref<!tpu.dma_semaphore, #tpu.memory_space<semaphore_mem>>)
      %dma_wait3A_82 = tpu.memref_slice %arg2[%mul3A_2] : memref<16384xi32, #tpu.memory_space<hbm>> -> memref<512xi32, #tpu.memory_space<hbm>>
      %dma_wait3A_83 = tpu.memref_slice %arg2[%mul3A_2] : memref<16384xi32, #tpu.memory_space<hbm>> -> memref<512xi32, #tpu.memory_space<hbm>>
      tpu.wait_dma2 semaphore(%run_scoped3A : memref<!tpu.dma_semaphore, #tpu.memory_space<semaphore_mem>>) src(%dma_wait3A_83 : memref<512xi32, #tpu.memory_space<hbm>>) dst(%arg7 : memref<512xi32, #tpu.memory_space<vmem>>)
      tpu.yield
    }) : () -> ()
    "tpu.region"() ({
      %run_scoped3A = tpu.sem_alloc : memref<!tpu.dma_semaphore, #tpu.memory_space<semaphore_mem>>
      %dma_start3A_80 = tpu.memref_slice %arg3[%mul3A_2] : memref<16384xi32, #tpu.memory_space<hbm>> -> memref<512xi32, #tpu.memory_space<hbm>>
      %dma_start3A_81 = tpu.memref_slice %arg3[%mul3A_2] : memref<16384xi32, #tpu.memory_space<hbm>> -> memref<512xi32, #tpu.memory_space<hbm>>
      tpu.enqueue_dma source(%dma_start3A_81 : memref<512xi32, #tpu.memory_space<hbm>>) target(%arg8 : memref<512xi32, #tpu.memory_space<vmem>>) target_semaphore(%run_scoped3A : memref<!tpu.dma_semaphore, #tpu.memory_space<semaphore_mem>>)
      %dma_wait3A_82 = tpu.memref_slice %arg3[%mul3A_2] : memref<16384xi32, #tpu.memory_space<hbm>> -> memref<512xi32, #tpu.memory_space<hbm>>
      %dma_wait3A_83 = tpu.memref_slice %arg3[%mul3A_2] : memref<16384xi32, #tpu.memory_space<hbm>> -> memref<512xi32, #tpu.memory_space<hbm>>
      tpu.wait_dma2 semaphore(%run_scoped3A : memref<!tpu.dma_semaphore, #tpu.memory_space<semaphore_mem>>) src(%dma_wait3A_83 : memref<512xi32, #tpu.memory_space<hbm>>) dst(%arg8 : memref<512xi32, #tpu.memory_space<vmem>>)
      tpu.yield
    }) : () -> ()
    %scan3A = arith.constant 0 : i32
    %scan3A_3 = arith.constant 0 : i32
    %scan3A_4 = arith.constant 16 : i32
    %scan3A_5 = arith.addi %scan3A_3, %scan3A_4 : i32
    %scan3A_6 = arith.constant 1 : i32
    scf.for %scan3A_80 = %scan3A_3 to %scan3A_5 step %scan3A_6  : i32 {
      %mul3A_81 = arith.constant 16 : i32
      %mul3A_82 = arith.muli %scan3A_80, %mul3A_81 : i32
      %get3A = arith.index_cast %mul3A_82 : i32 to index
      %get3A_83 = tpu.vector_load %arg7[%get3A] {strides = array<i32>} : memref<512xi32, #tpu.memory_space<vmem>>, vector<16xi32>,
      %get3A_84 = vector.shape_cast %get3A_83 : vector<16xi32> to vector<16xi32>
      %mul3A_85 = arith.constant 16 : i32
      %mul3A_86 = arith.muli %scan3A_80, %mul3A_85 : i32
      %get3A_87 = arith.index_cast %mul3A_86 : i32 to index
      %get3A_88 = tpu.vector_load %arg8[%get3A_87] {strides = array<i32>} : memref<512xi32, #tpu.memory_space<vmem>>, vector<16xi32>,
      %get3A_89 = vector.shape_cast %get3A_88 : vector<16xi32> to vector<16xi32>
      %mul3A_90 = arith.constant 8 : i32
      %mul3A_91 = arith.muli %scan3A_80, %mul3A_90 : i32
      %add3A_92 = arith.constant 0 : i32
      %add3A_93 = arith.addi %mul3A_91, %add3A_92 : i32
      %slice3A = vector.extract_strided_slice %get3A_84 {offsets = [0], sizes = [1], strides = [1]} : vector<16xi32> to vector<1xi32>
      %squeeze3A = vector.extract %slice3A[0] : i32 from vector<1xi32>
      %dma_start3A_94 = arith.constant 0 : i32
      %dma_start3A_95 = arith.constant 0 : i32
      %dma_start3A_96 = tpu.memref_slice %arg9[%add3A_93, %dma_start3A_95] : memref<256x128xf32, #tpu.memory_space<vmem>> -> memref<1x64xf32, #tpu.memory_space<vmem>>
      %dma_start3A_97 = tpu.memref_squeeze %dma_start3A_96 : memref<1x64xf32, #tpu.memory_space<vmem>> -> memref<64xf32, #tpu.memory_space<vmem>>
      %dma_start3A_98 = arith.constant 0 : i32
      %dma_start3A_99 = tpu.memref_slice %arg4[%squeeze3A, %dma_start3A_98] : memref<1000001x64xf32, #tpu.memory_space<hbm>> -> memref<1x64xf32, #tpu.memory_space<hbm>>
      %dma_start3A_100 = tpu.memref_squeeze %dma_start3A_99 : memref<1x64xf32, #tpu.memory_space<hbm>> -> memref<64xf32, #tpu.memory_space<hbm>>
      %dma_start3A_101 = tpu.memref_slice %arg13[%dma_start3A_94] : memref<4x!tpu.dma_semaphore, #tpu.memory_space<semaphore_mem>> -> memref<1x!tpu.dma_semaphore, #tpu.memory_space<semaphore_mem>>
      %dma_start3A_102 = tpu.memref_squeeze %dma_start3A_101 : memref<1x!tpu.dma_semaphore, #tpu.memory_space<semaphore_mem>> -> memref<!tpu.dma_semaphore, #tpu.memory_space<semaphore_mem>>
      %dma_start3A_103 = arith.constant 0 : i32
      %dma_start3A_104 = tpu.memref_slice %arg9[%add3A_93, %dma_start3A_103] : memref<256x128xf32, #tpu.memory_space<vmem>> -> memref<1x64xf32, #tpu.memory_space<vmem>>
      %dma_start3A_105 = tpu.memref_squeeze %dma_start3A_104 : memref<1x64xf32, #tpu.memory_space<vmem>> -> memref<64xf32, #tpu.memory_space<vmem>>
      %dma_start3A_106 = arith.constant 0 : i32
      %dma_start3A_107 = tpu.memref_slice %arg4[%squeeze3A, %dma_start3A_106] : memref<1000001x64xf32, #tpu.memory_space<hbm>> -> memref<1x64xf32, #tpu.memory_space<hbm>>
      %dma_start3A_108 = tpu.memref_squeeze %dma_start3A_107 : memref<1x64xf32, #tpu.memory_space<hbm>> -> memref<64xf32, #tpu.memory_space<hbm>>
      tpu.enqueue_dma source(%dma_start3A_108 : memref<64xf32, #tpu.memory_space<hbm>>) target(%dma_start3A_105 : memref<64xf32, #tpu.memory_space<vmem>>) target_semaphore(%dma_start3A_102 : memref<!tpu.dma_semaphore, #tpu.memory_space<semaphore_mem>>)
      %slice3A_109 = vector.extract_strided_slice %get3A_89 {offsets = [0], sizes = [1], strides = [1]} : vector<16xi32> to vector<1xi32>
      %squeeze3A_110 = vector.extract %slice3A_109[0] : i32 from vector<1xi32>
      %dma_start3A_111 = arith.constant 0 : i32
      %dma_start3A_112 = arith.constant 0 : i32
      %dma_start3A_113 = tpu.memref_slice %arg10[%add3A_93, %dma_start3A_112] : memref<256x128xf32, #tpu.memory_space<vmem>> -> memref<1x64xf32, #tpu.memory_space<vmem>>
      %dma_start3A_114 = tpu.memref_squeeze %dma_start3A_113 : memref<1x64xf32, #tpu.memory_space<vmem>> -> memref<64xf32, #tpu.memory_space<vmem>>
      %dma_start3A_115 = arith.constant 0 : i32
      %dma_start3A_116 = tpu.memref_slice %arg5[%squeeze3A_110, %dma_start3A_115] : memref<1000001x64xf32, #tpu.memory_space<hbm>> -> memref<1x64xf32, #tpu.memory_space<hbm>>
      %dma_start3A_117 = tpu.memref_squeeze %dma_start3A_116 : memref<1x64xf32, #tpu.memory_space<hbm>> -> memref<64xf32, #tpu.memory_space<hbm>>
      %dma_start3A_118 = tpu.memref_slice %arg14[%dma_start3A_111] : memref<4x!tpu.dma_semaphore, #tpu.memory_space<semaphore_mem>> -> memref<1x!tpu.dma_semaphore, #tpu.memory_space<semaphore_mem>>
      %dma_start3A_119 = tpu.memref_squeeze %dma_start3A_118 : memref<1x!tpu.dma_semaphore, #tpu.memory_space<semaphore_mem>> -> memref<!tpu.dma_semaphore, #tpu.memory_space<semaphore_mem>>
      %dma_start3A_120 = arith.constant 0 : i32
      %dma_start3A_121 = tpu.memref_slice %arg10[%add3A_93, %dma_start3A_120] : memref<256x128xf32, #tpu.memory_space<vmem>> -> memref<1x64xf32, #tpu.memory_space<vmem>>
      %dma_start3A_122 = tpu.memref_squeeze %dma_start3A_121 : memref<1x64xf32, #tpu.memory_space<vmem>> -> memref<64xf32, #tpu.memory_space<vmem>>
      %dma_start3A_123 = arith.constant 0 : i32
      %dma_start3A_124 = tpu.memref_slice %arg5[%squeeze3A_110, %dma_start3A_123] : memref<1000001x64xf32, #tpu.memory_space<hbm>> -> memref<1x64xf32, #tpu.memory_space<hbm>>
      %dma_start3A_125 = tpu.memref_squeeze %dma_start3A_124 : memref<1x64xf32, #tpu.memory_space<hbm>> -> memref<64xf32, #tpu.memory_space<hbm>>
      tpu.enqueue_dma source(%dma_start3A_125 : memref<64xf32, #tpu.memory_space<hbm>>) target(%dma_start3A_122 : memref<64xf32, #tpu.memory_space<vmem>>) target_semaphore(%dma_start3A_119 : memref<!tpu.dma_semaphore, #tpu.memory_space<semaphore_mem>>)
      %mul3A_126 = arith.constant 8 : i32
      %mul3A_127 = arith.muli %scan3A_80, %mul3A_126 : i32
      %add3A_128 = arith.constant 0 : i32
      %add3A_129 = arith.addi %mul3A_127, %add3A_128 : i32
      %slice3A_130 = vector.extract_strided_slice %get3A_84 {offsets = [1], sizes = [1], strides = [1]} : vector<16xi32> to vector<1xi32>
      %squeeze3A_131 = vector.extract %slice3A_130[0] : i32 from vector<1xi32>
      %dma_start3A_132 = arith.constant 0 : i32
      %dma_start3A_133 = arith.constant 64 : i32
      %dma_start3A_134 = tpu.memref_slice %arg9[%add3A_129, %dma_start3A_133] : memref<256x128xf32, #tpu.memory_space<vmem>> -> memref<1x64xf32, #tpu.memory_space<vmem>>
      %dma_start3A_135 = tpu.memref_squeeze %dma_start3A_134 : memref<1x64xf32, #tpu.memory_space<vmem>> -> memref<64xf32, #tpu.memory_space<vmem>>
      %dma_start3A_136 = arith.constant 0 : i32
      %dma_start3A_137 = tpu.memref_slice %arg4[%squeeze3A_131, %dma_start3A_136] : memref<1000001x64xf32, #tpu.memory_space<hbm>> -> memref<1x64xf32, #tpu.memory_space<hbm>>
      %dma_start3A_138 = tpu.memref_squeeze %dma_start3A_137 : memref<1x64xf32, #tpu.memory_space<hbm>> -> memref<64xf32, #tpu.memory_space<hbm>>
      %dma_start3A_139 = tpu.memref_slice %arg13[%dma_start3A_132] : memref<4x!tpu.dma_semaphore, #tpu.memory_space<semaphore_mem>> -> memref<1x!tpu.dma_semaphore, #tpu.memory_space<semaphore_mem>>
      %dma_start3A_140 = tpu.memref_squeeze %dma_start3A_139 : memref<1x!tpu.dma_semaphore, #tpu.memory_space<semaphore_mem>> -> memref<!tpu.dma_semaphore, #tpu.memory_space<semaphore_mem>>
      %dma_start3A_141 = arith.constant 64 : i32
      %dma_start3A_142 = tpu.memref_slice %arg9[%add3A_129, %dma_start3A_141] : memref<256x128xf32, #tpu.memory_space<vmem>> -> memref<1x64xf32, #tpu.memory_space<vmem>>
      %dma_start3A_143 = tpu.memref_squeeze %dma_start3A_142 : memref<1x64xf32, #tpu.memory_space<vmem>> -> memref<64xf32, #tpu.memory_space<vmem>>
      %dma_start3A_144 = arith.constant 0 : i32
      %dma_start3A_145 = tpu.memref_slice %arg4[%squeeze3A_131, %dma_start3A_144] : memref<1000001x64xf32, #tpu.memory_space<hbm>> -> memref<1x64xf32, #tpu.memory_space<hbm>>
      %dma_start3A_146 = tpu.memref_squeeze %dma_start3A_145 : memref<1x64xf32, #tpu.memory_space<hbm>> -> memref<64xf32, #tpu.memory_space<hbm>>
      tpu.enqueue_dma source(%dma_start3A_146 : memref<64xf32, #tpu.memory_space<hbm>>) target(%dma_start3A_143 : memref<64xf32, #tpu.memory_space<vmem>>) target_semaphore(%dma_start3A_140 : memref<!tpu.dma_semaphore, #tpu.memory_space<semaphore_mem>>)
      %slice3A_147 = vector.extract_strided_slice %get3A_89 {offsets = [1], sizes = [1], strides = [1]} : vector<16xi32> to vector<1xi32>
      %squeeze3A_148 = vector.extract %slice3A_147[0] : i32 from vector<1xi32>
      %dma_start3A_149 = arith.constant 0 : i32
      %dma_start3A_150 = arith.constant 64 : i32
      %dma_start3A_151 = tpu.memref_slice %arg10[%add3A_129, %dma_start3A_150] : memref<256x128xf32, #tpu.memory_space<vmem>> -> memref<1x64xf32, #tpu.memory_space<vmem>>
      %dma_start3A_152 = tpu.memref_squeeze %dma_start3A_151 : memref<1x64xf32, #tpu.memory_space<vmem>> -> memref<64xf32, #tpu.memory_space<vmem>>
      %dma_start3A_153 = arith.constant 0 : i32
      %dma_start3A_154 = tpu.memref_slice %arg5[%squeeze3A_148, %dma_start3A_153] : memref<1000001x64xf32, #tpu.memory_space<hbm>> -> memref<1x64xf32, #tpu.memory_space<hbm>>
      %dma_start3A_155 = tpu.memref_squeeze %dma_start3A_154 : memref<1x64xf32, #tpu.memory_space<hbm>> -> memref<64xf32, #tpu.memory_space<hbm>>
      %dma_start3A_156 = tpu.memref_slice %arg14[%dma_start3A_149] : memref<4x!tpu.dma_semaphore, #tpu.memory_space<semaphore_mem>> -> memref<1x!tpu.dma_semaphore, #tpu.memory_space<semaphore_mem>>
      %dma_start3A_157 = tpu.memref_squeeze %dma_start3A_156 : memref<1x!tpu.dma_semaphore, #tpu.memory_space<semaphore_mem>> -> memref<!tpu.dma_semaphore, #tpu.memory_space<semaphore_mem>>
      %dma_start3A_158 = arith.constant 64 : i32
      %dma_start3A_159 = tpu.memref_slice %arg10[%add3A_129, %dma_start3A_158] : memref<256x128xf32, #tpu.memory_space<vmem>> -> memref<1x64xf32, #tpu.memory_space<vmem>>
      %dma_start3A_160 = tpu.memref_squeeze %dma_start3A_159 : memref<1x64xf32, #tpu.memory_space<vmem>> -> memref<64xf32, #tpu.memory_space<vmem>>
      %dma_start3A_161 = arith.constant 0 : i32
      %dma_start3A_162 = tpu.memref_slice %arg5[%squeeze3A_148, %dma_start3A_161] : memref<1000001x64xf32, #tpu.memory_space<hbm>> -> memref<1x64xf32, #tpu.memory_space<hbm>>
      %dma_start3A_163 = tpu.memref_squeeze %dma_start3A_162 : memref<1x64xf32, #tpu.memory_space<hbm>> -> memref<64xf32, #tpu.memory_space<hbm>>
      tpu.enqueue_dma source(%dma_start3A_163 : memref<64xf32, #tpu.memory_space<hbm>>) target(%dma_start3A_160 : memref<64xf32, #tpu.memory_space<vmem>>) target_semaphore(%dma_start3A_157 : memref<!tpu.dma_semaphore, #tpu.memory_space<semaphore_mem>>)
      %mul3A_164 = arith.constant 8 : i32
      %mul3A_165 = arith.muli %scan3A_80, %mul3A_164 : i32
      %add3A_166 = arith.constant 1 : i32
      %add3A_167 = arith.addi %mul3A_165, %add3A_166 : i32
      %slice3A_168 = vector.extract_strided_slice %get3A_84 {offsets = [2], sizes = [1], strides = [1]} : vector<16xi32> to vector<1xi32>
      %squeeze3A_169 = vector.extract %slice3A_168[0] : i32 from vector<1xi32>
      %dma_start3A_170 = arith.constant 0 : i32
      %dma_start3A_171 = arith.constant 0 : i32
      %dma_start3A_172 = tpu.memref_slice %arg9[%add3A_167, %dma_start3A_171] : memref<256x128xf32, #tpu.memory_space<vmem>> -> memref<1x64xf32, #tpu.memory_space<vmem>>
      %dma_start3A_173 = tpu.memref_squeeze %dma_start3A_172 : memref<1x64xf32, #tpu.memory_space<vmem>> -> memref<64xf32, #tpu.memory_space<vmem>>
      %dma_start3A_174 = arith.constant 0 : i32
      %dma_start3A_175 = tpu.memref_slice %arg4[%squeeze3A_169, %dma_start3A_174] : memref<1000001x64xf32, #tpu.memory_space<hbm>> -> memref<1x64xf32, #tpu.memory_space<hbm>>
      %dma_start3A_176 = tpu.memref_squeeze %dma_start3A_175 : memref<1x64xf32, #tpu.memory_space<hbm>> -> memref<64xf32, #tpu.memory_space<hbm>>
      %dma_start3A_177 = tpu.memref_slice %arg13[%dma_start3A_170] : memref<4x!tpu.dma_semaphore, #tpu.memory_space<semaphore_mem>> -> memref<1x!tpu.dma_semaphore, #tpu.memory_space<semaphore_mem>>
      %dma_start3A_178 = tpu.memref_squeeze %dma_start3A_177 : memref<1x!tpu.dma_semaphore, #tpu.memory_space<semaphore_mem>> -> memref<!tpu.dma_semaphore, #tpu.memory_space<semaphore_mem>>
      %dma_start3A_179 = arith.constant 0 : i32
      %dma_start3A_180 = tpu.memref_slice %arg9[%add3A_167, %dma_start3A_179] : memref<256x128xf32, #tpu.memory_space<vmem>> -> memref<1x64xf32, #tpu.memory_space<vmem>>
      %dma_start3A_181 = tpu.memref_squeeze %dma_start3A_180 : memref<1x64xf32, #tpu.memory_space<vmem>> -> memref<64xf32, #tpu.memory_space<vmem>>
      %dma_start3A_182 = arith.constant 0 : i32
      %dma_start3A_183 = tpu.memref_slice %arg4[%squeeze3A_169, %dma_start3A_182] : memref<1000001x64xf32, #tpu.memory_space<hbm>> -> memref<1x64xf32, #tpu.memory_space<hbm>>
      %dma_start3A_184 = tpu.memref_squeeze %dma_start3A_183 : memref<1x64xf32, #tpu.memory_space<hbm>> -> memref<64xf32, #tpu.memory_space<hbm>>
      tpu.enqueue_dma source(%dma_start3A_184 : memref<64xf32, #tpu.memory_space<hbm>>) target(%dma_start3A_181 : memref<64xf32, #tpu.memory_space<vmem>>) target_semaphore(%dma_start3A_178 : memref<!tpu.dma_semaphore, #tpu.memory_space<semaphore_mem>>)
      %slice3A_185 = vector.extract_strided_slice %get3A_89 {offsets = [2], sizes = [1], strides = [1]} : vector<16xi32> to vector<1xi32>
      %squeeze3A_186 = vector.extract %slice3A_185[0] : i32 from vector<1xi32>
      %dma_start3A_187 = arith.constant 0 : i32
      %dma_start3A_188 = arith.constant 0 : i32
      %dma_start3A_189 = tpu.memref_slice %arg10[%add3A_167, %dma_start3A_188] : memref<256x128xf32, #tpu.memory_space<vmem>> -> memref<1x64xf32, #tpu.memory_space<vmem>>
      %dma_start3A_190 = tpu.memref_squeeze %dma_start3A_189 : memref<1x64xf32, #tpu.memory_space<vmem>> -> memref<64xf32, #tpu.memory_space<vmem>>
      %dma_start3A_191 = arith.constant 0 : i32
      %dma_start3A_192 = tpu.memref_slice %arg5[%squeeze3A_186, %dma_start3A_191] : memref<1000001x64xf32, #tpu.memory_space<hbm>> -> memref<1x64xf32, #tpu.memory_space<hbm>>
      %dma_start3A_193 = tpu.memref_squeeze %dma_start3A_192 : memref<1x64xf32, #tpu.memory_space<hbm>> -> memref<64xf32, #tpu.memory_space<hbm>>
      %dma_start3A_194 = tpu.memref_slice %arg14[%dma_start3A_187] : memref<4x!tpu.dma_semaphore, #tpu.memory_space<semaphore_mem>> -> memref<1x!tpu.dma_semaphore, #tpu.memory_space<semaphore_mem>>
      %dma_start3A_195 = tpu.memref_squeeze %dma_start3A_194 : memref<1x!tpu.dma_semaphore, #tpu.memory_space<semaphore_mem>> -> memref<!tpu.dma_semaphore, #tpu.memory_space<semaphore_mem>>
      %dma_start3A_196 = arith.constant 0 : i32
      %dma_start3A_197 = tpu.memref_slice %arg10[%add3A_167, %dma_start3A_196] : memref<256x128xf32, #tpu.memory_space<vmem>> -> memref<1x64xf32, #tpu.memory_space<vmem>>
      %dma_start3A_198 = tpu.memref_squeeze %dma_start3A_197 : memref<1x64xf32, #tpu.memory_space<vmem>> -> memref<64xf32, #tpu.memory_space<vmem>>
      %dma_start3A_199 = arith.constant 0 : i32
      %dma_start3A_200 = tpu.memref_slice %arg5[%squeeze3A_186, %dma_start3A_199] : memref<1000001x64xf32, #tpu.memory_space<hbm>> -> memref<1x64xf32, #tpu.memory_space<hbm>>
      %dma_start3A_201 = tpu.memref_squeeze %dma_start3A_200 : memref<1x64xf32, #tpu.memory_space<hbm>> -> memref<64xf32, #tpu.memory_space<hbm>>
      tpu.enqueue_dma source(%dma_start3A_201 : memref<64xf32, #tpu.memory_space<hbm>>) target(%dma_start3A_198 : memref<64xf32, #tpu.memory_space<vmem>>) target_semaphore(%dma_start3A_195 : memref<!tpu.dma_semaphore, #tpu.memory_space<semaphore_mem>>)
      %mul3A_202 = arith.constant 8 : i32
      %mul3A_203 = arith.muli %scan3A_80, %mul3A_202 : i32
      %add3A_204 = arith.constant 1 : i32
      %add3A_205 = arith.addi %mul3A_203, %add3A_204 : i32
      %slice3A_206 = vector.extract_strided_slice %get3A_84 {offsets = [3], sizes = [1], strides = [1]} : vector<16xi32> to vector<1xi32>
      %squeeze3A_207 = vector.extract %slice3A_206[0] : i32 from vector<1xi32>
      %dma_start3A_208 = arith.constant 0 : i32
      %dma_start3A_209 = arith.constant 64 : i32
      %dma_start3A_210 = tpu.memref_slice %arg9[%add3A_205, %dma_start3A_209] : memref<256x128xf32, #tpu.memory_space<vmem>> -> memref<1x64xf32, #tpu.memory_space<vmem>>
      %dma_start3A_211 = tpu.memref_squeeze %dma_start3A_210 : memref<1x64xf32, #tpu.memory_space<vmem>> -> memref<64xf32, #tpu.memory_space<vmem>>
      %dma_start3A_212 = arith.constant 0 : i32
      %dma_start3A_213 = tpu.memref_slice %arg4[%squeeze3A_207, %dma_start3A_212] : memref<1000001x64xf32, #tpu.memory_space<hbm>> -> memref<1x64xf32, #tpu.memory_space<hbm>>
      %dma_start3A_214 = tpu.memref_squeeze %dma_start3A_213 : memref<1x64xf32, #tpu.memory_space<hbm>> -> memref<64xf32, #tpu.memory_space<hbm>>
      %dma_start3A_215 = tpu.memref_slice %arg13[%dma_start3A_208] : memref<4x!tpu.dma_semaphore, #tpu.memory_space<semaphore_mem>> -> memref<1x!tpu.dma_semaphore, #tpu.memory_space<semaphore_mem>>
      %dma_start3A_216 = tpu.memref_squeeze %dma_start3A_215 : memref<1x!tpu.dma_semaphore, #tpu.memory_space<semaphore_mem>> -> memref<!tpu.dma_semaphore, #tpu.memory_space<semaphore_mem>>
      %dma_start3A_217 = arith.constant 64 : i32
      %dma_start3A_218 = tpu.memref_slice %arg9[%add3A_205, %dma_start3A_217] : memref<256x128xf32, #tpu.memory_space<vmem>> -> memref<1x64xf32, #tpu.memory_space<vmem>>
      %dma_start3A_219 = tpu.memref_squeeze %dma_start3A_218 : memref<1x64xf32, #tpu.memory_space<vmem>> -> memref<64xf32, #tpu.memory_space<vmem>>
      %dma_start3A_220 = arith.constant 0 : i32
      %dma_start3A_221 = tpu.memref_slice %arg4[%squeeze3A_207, %dma_start3A_220] : memref<1000001x64xf32, #tpu.memory_space<hbm>> -> memref<1x64xf32, #tpu.memory_space<hbm>>
      %dma_start3A_222 = tpu.memref_squeeze %dma_start3A_221 : memref<1x64xf32, #tpu.memory_space<hbm>> -> memref<64xf32, #tpu.memory_space<hbm>>
      tpu.enqueue_dma source(%dma_start3A_222 : memref<64xf32, #tpu.memory_space<hbm>>) target(%dma_start3A_219 : memref<64xf32, #tpu.memory_space<vmem>>) target_semaphore(%dma_start3A_216 : memref<!tpu.dma_semaphore, #tpu.memory_space<semaphore_mem>>)
      %slice3A_223 = vector.extract_strided_slice %get3A_89 {offsets = [3], sizes = [1], strides = [1]} : vector<16xi32> to vector<1xi32>
      %squeeze3A_224 = vector.extract %slice3A_223[0] : i32 from vector<1xi32>
      %dma_start3A_225 = arith.constant 0 : i32
      %dma_start3A_226 = arith.constant 64 : i32
      %dma_start3A_227 = tpu.memref_slice %arg10[%add3A_205, %dma_start3A_226] : memref<256x128xf32, #tpu.memory_space<vmem>> -> memref<1x64xf32, #tpu.memory_space<vmem>>
      %dma_start3A_228 = tpu.memref_squeeze %dma_start3A_227 : memref<1x64xf32, #tpu.memory_space<vmem>> -> memref<64xf32, #tpu.memory_space<vmem>>
      %dma_start3A_229 = arith.constant 0 : i32
      %dma_start3A_230 = tpu.memref_slice %arg5[%squeeze3A_224, %dma_start3A_229] : memref<1000001x64xf32, #tpu.memory_space<hbm>> -> memref<1x64xf32, #tpu.memory_space<hbm>>
      %dma_start3A_231 = tpu.memref_squeeze %dma_start3A_230 : memref<1x64xf32, #tpu.memory_space<hbm>> -> memref<64xf32, #tpu.memory_space<hbm>>
      %dma_start3A_232 = tpu.memref_slice %arg14[%dma_start3A_225] : memref<4x!tpu.dma_semaphore, #tpu.memory_space<semaphore_mem>> -> memref<1x!tpu.dma_semaphore, #tpu.memory_space<semaphore_mem>>
      %dma_start3A_233 = tpu.memref_squeeze %dma_start3A_232 : memref<1x!tpu.dma_semaphore, #tpu.memory_space<semaphore_mem>> -> memref<!tpu.dma_semaphore, #tpu.memory_space<semaphore_mem>>
      %dma_start3A_234 = arith.constant 64 : i32
      %dma_start3A_235 = tpu.memref_slice %arg10[%add3A_205, %dma_start3A_234] : memref<256x128xf32, #tpu.memory_space<vmem>> -> memref<1x64xf32, #tpu.memory_space<vmem>>
      %dma_start3A_236 = tpu.memref_squeeze %dma_start3A_235 : memref<1x64xf32, #tpu.memory_space<vmem>> -> memref<64xf32, #tpu.memory_space<vmem>>
      %dma_start3A_237 = arith.constant 0 : i32
      %dma_start3A_238 = tpu.memref_slice %arg5[%squeeze3A_224, %dma_start3A_237] : memref<1000001x64xf32, #tpu.memory_space<hbm>> -> memref<1x64xf32, #tpu.memory_space<hbm>>
      %dma_start3A_239 = tpu.memref_squeeze %dma_start3A_238 : memref<1x64xf32, #tpu.memory_space<hbm>> -> memref<64xf32, #tpu.memory_space<hbm>>
      tpu.enqueue_dma source(%dma_start3A_239 : memref<64xf32, #tpu.memory_space<hbm>>) target(%dma_start3A_236 : memref<64xf32, #tpu.memory_space<vmem>>) target_semaphore(%dma_start3A_233 : memref<!tpu.dma_semaphore, #tpu.memory_space<semaphore_mem>>)
      %mul3A_240 = arith.constant 8 : i32
      %mul3A_241 = arith.muli %scan3A_80, %mul3A_240 : i32
      %add3A_242 = arith.constant 2 : i32
      %add3A_243 = arith.addi %mul3A_241, %add3A_242 : i32
      %slice3A_244 = vector.extract_strided_slice %get3A_84 {offsets = [4], sizes = [1], strides = [1]} : vector<16xi32> to vector<1xi32>
      %squeeze3A_245 = vector.extract %slice3A_244[0] : i32 from vector<1xi32>
      %dma_start3A_246 = arith.constant 1 : i32
      %dma_start3A_247 = arith.constant 0 : i32
      %dma_start3A_248 = tpu.memref_slice %arg9[%add3A_243, %dma_start3A_247] : memref<256x128xf32, #tpu.memory_space<vmem>> -> memref<1x64xf32, #tpu.memory_space<vmem>>
      %dma_start3A_249 = tpu.memref_squeeze %dma_start3A_248 : memref<1x64xf32, #tpu.memory_space<vmem>> -> memref<64xf32, #tpu.memory_space<vmem>>
      %dma_start3A_250 = arith.constant 0 : i32
      %dma_start3A_251 = tpu.memref_slice %arg4[%squeeze3A_245, %dma_start3A_250] : memref<1000001x64xf32, #tpu.memory_space<hbm>> -> memref<1x64xf32, #tpu.memory_space<hbm>>
      %dma_start3A_252 = tpu.memref_squeeze %dma_start3A_251 : memref<1x64xf32, #tpu.memory_space<hbm>> -> memref<64xf32, #tpu.memory_space<hbm>>
      %dma_start3A_253 = tpu.memref_slice %arg13[%dma_start3A_246] : memref<4x!tpu.dma_semaphore, #tpu.memory_space<semaphore_mem>> -> memref<1x!tpu.dma_semaphore, #tpu.memory_space<semaphore_mem>>
      %dma_start3A_254 = tpu.memref_squeeze %dma_start3A_253 : memref<1x!tpu.dma_semaphore, #tpu.memory_space<semaphore_mem>> -> memref<!tpu.dma_semaphore, #tpu.memory_space<semaphore_mem>>
      %dma_start3A_255 = arith.constant 0 : i32
      %dma_start3A_256 = tpu.memref_slice %arg9[%add3A_243, %dma_start3A_255] : memref<256x128xf32, #tpu.memory_space<vmem>> -> memref<1x64xf32, #tpu.memory_space<vmem>>
      %dma_start3A_257 = tpu.memref_squeeze %dma_start3A_256 : memref<1x64xf32, #tpu.memory_space<vmem>> -> memref<64xf32, #tpu.memory_space<vmem>>
      %dma_start3A_258 = arith.constant 0 : i32
      %dma_start3A_259 = tpu.memref_slice %arg4[%squeeze3A_245, %dma_start3A_258] : memref<1000001x64xf32, #tpu.memory_space<hbm>> -> memref<1x64xf32, #tpu.memory_space<hbm>>
      %dma_start3A_260 = tpu.memref_squeeze %dma_start3A_259 : memref<1x64xf32, #tpu.memory_space<hbm>> -> memref<64xf32, #tpu.memory_space<hbm>>
      tpu.enqueue_dma source(%dma_start3A_260 : memref<64xf32, #tpu.memory_space<hbm>>) target(%dma_start3A_257 : memref<64xf32, #tpu.memory_space<vmem>>) target_semaphore(%dma_start3A_254 : memref<!tpu.dma_semaphore, #tpu.memory_space<semaphore_mem>>)
      %slice3A_261 = vector.extract_strided_slice %get3A_89 {offsets = [4], sizes = [1], strides = [1]} : vector<16xi32> to vector<1xi32>
      %squeeze3A_262 = vector.extract %slice3A_261[0] : i32 from vector<1xi32>
      %dma_start3A_263 = arith.constant 1 : i32
      %dma_start3A_264 = arith.constant 0 : i32
      %dma_start3A_265 = tpu.memref_slice %arg10[%add3A_243, %dma_start3A_264] : memref<256x128xf32, #tpu.memory_space<vmem>> -> memref<1x64xf32, #tpu.memory_space<vmem>>
      %dma_start3A_266 = tpu.memref_squeeze %dma_start3A_265 : memref<1x64xf32, #tpu.memory_space<vmem>> -> memref<64xf32, #tpu.memory_space<vmem>>
      %dma_start3A_267 = arith.constant 0 : i32
      %dma_start3A_268 = tpu.memref_slice %arg5[%squeeze3A_262, %dma_start3A_267] : memref<1000001x64xf32, #tpu.memory_space<hbm>> -> memref<1x64xf32, #tpu.memory_space<hbm>>
      %dma_start3A_269 = tpu.memref_squeeze %dma_start3A_268 : memref<1x64xf32, #tpu.memory_space<hbm>> -> memref<64xf32, #tpu.memory_space<hbm>>
      %dma_start3A_270 = tpu.memref_slice %arg14[%dma_start3A_263] : memref<4x!tpu.dma_semaphore, #tpu.memory_space<semaphore_mem>> -> memref<1x!tpu.dma_semaphore, #tpu.memory_space<semaphore_mem>>
      %dma_start3A_271 = tpu.memref_squeeze %dma_start3A_270 : memref<1x!tpu.dma_semaphore, #tpu.memory_space<semaphore_mem>> -> memref<!tpu.dma_semaphore, #tpu.memory_space<semaphore_mem>>
      %dma_start3A_272 = arith.constant 0 : i32
      %dma_start3A_273 = tpu.memref_slice %arg10[%add3A_243, %dma_start3A_272] : memref<256x128xf32, #tpu.memory_space<vmem>> -> memref<1x64xf32, #tpu.memory_space<vmem>>
      %dma_start3A_274 = tpu.memref_squeeze %dma_start3A_273 : memref<1x64xf32, #tpu.memory_space<vmem>> -> memref<64xf32, #tpu.memory_space<vmem>>
      %dma_start3A_275 = arith.constant 0 : i32
      %dma_start3A_276 = tpu.memref_slice %arg5[%squeeze3A_262, %dma_start3A_275] : memref<1000001x64xf32, #tpu.memory_space<hbm>> -> memref<1x64xf32, #tpu.memory_space<hbm>>
      %dma_start3A_277 = tpu.memref_squeeze %dma_start3A_276 : memref<1x64xf32, #tpu.memory_space<hbm>> -> memref<64xf32, #tpu.memory_space<hbm>>
      tpu.enqueue_dma source(%dma_start3A_277 : memref<64xf32, #tpu.memory_space<hbm>>) target(%dma_start3A_274 : memref<64xf32, #tpu.memory_space<vmem>>) target_semaphore(%dma_start3A_271 : memref<!tpu.dma_semaphore, #tpu.memory_space<semaphore_mem>>)
      %mul3A_278 = arith.constant 8 : i32
      %mul3A_279 = arith.muli %scan3A_80, %mul3A_278 : i32
      %add3A_280 = arith.constant 2 : i32
      %add3A_281 = arith.addi %mul3A_279, %add3A_280 : i32
      %slice3A_282 = vector.extract_strided_slice %get3A_84 {offsets = [5], sizes = [1], strides = [1]} : vector<16xi32> to vector<1xi32>
      %squeeze3A_283 = vector.extract %slice3A_282[0] : i32 from vector<1xi32>
      %dma_start3A_284 = arith.constant 1 : i32
      %dma_start3A_285 = arith.constant 64 : i32
      %dma_start3A_286 = tpu.memref_slice %arg9[%add3A_281, %dma_start3A_285] : memref<256x128xf32, #tpu.memory_space<vmem>> -> memref<1x64xf32, #tpu.memory_space<vmem>>
      %dma_start3A_287 = tpu.memref_squeeze %dma_start3A_286 : memref<1x64xf32, #tpu.memory_space<vmem>> -> memref<64xf32, #tpu.memory_space<vmem>>
      %dma_start3A_288 = arith.constant 0 : i32
      %dma_start3A_289 = tpu.memref_slice %arg4[%squeeze3A_283, %dma_start3A_288] : memref<1000001x64xf32, #tpu.memory_space<hbm>> -> memref<1x64xf32, #tpu.memory_space<hbm>>
      %dma_start3A_290 = tpu.memref_squeeze %dma_start3A_289 : memref<1x64xf32, #tpu.memory_space<hbm>> -> memref<64xf32, #tpu.memory_space<hbm>>
      %dma_start3A_291 = tpu.memref_slice %arg13[%dma_start3A_284] : memref<4x!tpu.dma_semaphore, #tpu.memory_space<semaphore_mem>> -> memref<1x!tpu.dma_semaphore, #tpu.memory_space<semaphore_mem>>
      %dma_start3A_292 = tpu.memref_squeeze %dma_start3A_291 : memref<1x!tpu.dma_semaphore, #tpu.memory_space<semaphore_mem>> -> memref<!tpu.dma_semaphore, #tpu.memory_space<semaphore_mem>>
      %dma_start3A_293 = arith.constant 64 : i32
      %dma_start3A_294 = tpu.memref_slice %arg9[%add3A_281, %dma_start3A_293] : memref<256x128xf32, #tpu.memory_space<vmem>> -> memref<1x64xf32, #tpu.memory_space<vmem>>
      %dma_start3A_295 = tpu.memref_squeeze %dma_start3A_294 : memref<1x64xf32, #tpu.memory_space<vmem>> -> memref<64xf32, #tpu.memory_space<vmem>>
      %dma_start3A_296 = arith.constant 0 : i32
      %dma_start3A_297 = tpu.memref_slice %arg4[%squeeze3A_283, %dma_start3A_296] : memref<1000001x64xf32, #tpu.memory_space<hbm>> -> memref<1x64xf32, #tpu.memory_space<hbm>>
      %dma_start3A_298 = tpu.memref_squeeze %dma_start3A_297 : memref<1x64xf32, #tpu.memory_space<hbm>> -> memref<64xf32, #tpu.memory_space<hbm>>
      tpu.enqueue_dma source(%dma_start3A_298 : memref<64xf32, #tpu.memory_space<hbm>>) target(%dma_start3A_295 : memref<64xf32, #tpu.memory_space<vmem>>) target_semaphore(%dma_start3A_292 : memref<!tpu.dma_semaphore, #tpu.memory_space<semaphore_mem>>)
      %slice3A_299 = vector.extract_strided_slice %get3A_89 {offsets = [5], sizes = [1], strides = [1]} : vector<16xi32> to vector<1xi32>
      %squeeze3A_300 = vector.extract %slice3A_299[0] : i32 from vector<1xi32>
      %dma_start3A_301 = arith.constant 1 : i32
      %dma_start3A_302 = arith.constant 64 : i32
      %dma_start3A_303 = tpu.memref_slice %arg10[%add3A_281, %dma_start3A_302] : memref<256x128xf32, #tpu.memory_space<vmem>> -> memref<1x64xf32, #tpu.memory_space<vmem>>
      %dma_start3A_304 = tpu.memref_squeeze %dma_start3A_303 : memref<1x64xf32, #tpu.memory_space<vmem>> -> memref<64xf32, #tpu.memory_space<vmem>>
      %dma_start3A_305 = arith.constant 0 : i32
      %dma_start3A_306 = tpu.memref_slice %arg5[%squeeze3A_300, %dma_start3A_305] : memref<1000001x64xf32, #tpu.memory_space<hbm>> -> memref<1x64xf32, #tpu.memory_space<hbm>>
      %dma_start3A_307 = tpu.memref_squeeze %dma_start3A_306 : memref<1x64xf32, #tpu.memory_space<hbm>> -> memref<64xf32, #tpu.memory_space<hbm>>
      %dma_start3A_308 = tpu.memref_slice %arg14[%dma_start3A_301] : memref<4x!tpu.dma_semaphore, #tpu.memory_space<semaphore_mem>> -> memref<1x!tpu.dma_semaphore, #tpu.memory_space<semaphore_mem>>
      %dma_start3A_309 = tpu.memref_squeeze %dma_start3A_308 : memref<1x!tpu.dma_semaphore, #tpu.memory_space<semaphore_mem>> -> memref<!tpu.dma_semaphore, #tpu.memory_space<semaphore_mem>>
      %dma_start3A_310 = arith.constant 64 : i32
      %dma_start3A_311 = tpu.memref_slice %arg10[%add3A_281, %dma_start3A_310] : memref<256x128xf32, #tpu.memory_space<vmem>> -> memref<1x64xf32, #tpu.memory_space<vmem>>
      %dma_start3A_312 = tpu.memref_squeeze %dma_start3A_311 : memref<1x64xf32, #tpu.memory_space<vmem>> -> memref<64xf32, #tpu.memory_space<vmem>>
      %dma_start3A_313 = arith.constant 0 : i32
      %dma_start3A_314 = tpu.memref_slice %arg5[%squeeze3A_300, %dma_start3A_313] : memref<1000001x64xf32, #tpu.memory_space<hbm>> -> memref<1x64xf32, #tpu.memory_space<hbm>>
      %dma_start3A_315 = tpu.memref_squeeze %dma_start3A_314 : memref<1x64xf32, #tpu.memory_space<hbm>> -> memref<64xf32, #tpu.memory_space<hbm>>
      tpu.enqueue_dma source(%dma_start3A_315 : memref<64xf32, #tpu.memory_space<hbm>>) target(%dma_start3A_312 : memref<64xf32, #tpu.memory_space<vmem>>) target_semaphore(%dma_start3A_309 : memref<!tpu.dma_semaphore, #tpu.memory_space<semaphore_mem>>)
      %mul3A_316 = arith.constant 8 : i32
      %mul3A_317 = arith.muli %scan3A_80, %mul3A_316 : i32
      %add3A_318 = arith.constant 3 : i32
      %add3A_319 = arith.addi %mul3A_317, %add3A_318 : i32
      %slice3A_320 = vector.extract_strided_slice %get3A_84 {offsets = [6], sizes = [1], strides = [1]} : vector<16xi32> to vector<1xi32>
      %squeeze3A_321 = vector.extract %slice3A_320[0] : i32 from vector<1xi32>
      %dma_start3A_322 = arith.constant 1 : i32
      %dma_start3A_323 = arith.constant 0 : i32
      %dma_start3A_324 = tpu.memref_slice %arg9[%add3A_319, %dma_start3A_323] : memref<256x128xf32, #tpu.memory_space<vmem>> -> memref<1x64xf32, #tpu.memory_space<vmem>>
      %dma_start3A_325 = tpu.memref_squeeze %dma_start3A_324 : memref<1x64xf32, #tpu.memory_space<vmem>> -> memref<64xf32, #tpu.memory_space<vmem>>
      %dma_start3A_326 = arith.constant 0 : i32
      %dma_start3A_327 = tpu.memref_slice %arg4[%squeeze3A_321, %dma_start3A_326] : memref<1000001x64xf32, #tpu.memory_space<hbm>> -> memref<1x64xf32, #tpu.memory_space<hbm>>
      %dma_start3A_328 = tpu.memref_squeeze %dma_start3A_327 : memref<1x64xf32, #tpu.memory_space<hbm>> -> memref<64xf32, #tpu.memory_space<hbm>>
      %dma_start3A_329 = tpu.memref_slice %arg13[%dma_start3A_322] : memref<4x!tpu.dma_semaphore, #tpu.memory_space<semaphore_mem>> -> memref<1x!tpu.dma_semaphore, #tpu.memory_space<semaphore_mem>>
      %dma_start3A_330 = tpu.memref_squeeze %dma_start3A_329 : memref<1x!tpu.dma_semaphore, #tpu.memory_space<semaphore_mem>> -> memref<!tpu.dma_semaphore, #tpu.memory_space<semaphore_mem>>
      %dma_start3A_331 = arith.constant 0 : i32
      %dma_start3A_332 = tpu.memref_slice %arg9[%add3A_319, %dma_start3A_331] : memref<256x128xf32, #tpu.memory_space<vmem>> -> memref<1x64xf32, #tpu.memory_space<vmem>>
      %dma_start3A_333 = tpu.memref_squeeze %dma_start3A_332 : memref<1x64xf32, #tpu.memory_space<vmem>> -> memref<64xf32, #tpu.memory_space<vmem>>
      %dma_start3A_334 = arith.constant 0 : i32
      %dma_start3A_335 = tpu.memref_slice %arg4[%squeeze3A_321, %dma_start3A_334] : memref<1000001x64xf32, #tpu.memory_space<hbm>> -> memref<1x64xf32, #tpu.memory_space<hbm>>
      %dma_start3A_336 = tpu.memref_squeeze %dma_start3A_335 : memref<1x64xf32, #tpu.memory_space<hbm>> -> memref<64xf32, #tpu.memory_space<hbm>>
      tpu.enqueue_dma source(%dma_start3A_336 : memref<64xf32, #tpu.memory_space<hbm>>) target(%dma_start3A_333 : memref<64xf32, #tpu.memory_space<vmem>>) target_semaphore(%dma_start3A_330 : memref<!tpu.dma_semaphore, #tpu.memory_space<semaphore_mem>>)
      %slice3A_337 = vector.extract_strided_slice %get3A_89 {offsets = [6], sizes = [1], strides = [1]} : vector<16xi32> to vector<1xi32>
      %squeeze3A_338 = vector.extract %slice3A_337[0] : i32 from vector<1xi32>
      %dma_start3A_339 = arith.constant 1 : i32
      %dma_start3A_340 = arith.constant 0 : i32
      %dma_start3A_341 = tpu.memref_slice %arg10[%add3A_319, %dma_start3A_340] : memref<256x128xf32, #tpu.memory_space<vmem>> -> memref<1x64xf32, #tpu.memory_space<vmem>>
      %dma_start3A_342 = tpu.memref_squeeze %dma_start3A_341 : memref<1x64xf32, #tpu.memory_space<vmem>> -> memref<64xf32, #tpu.memory_space<vmem>>
      %dma_start3A_343 = arith.constant 0 : i32
      %dma_start3A_344 = tpu.memref_slice %arg5[%squeeze3A_338, %dma_start3A_343] : memref<1000001x64xf32, #tpu.memory_space<hbm>> -> memref<1x64xf32, #tpu.memory_space<hbm>>
      %dma_start3A_345 = tpu.memref_squeeze %dma_start3A_344 : memref<1x64xf32, #tpu.memory_space<hbm>> -> memref<64xf32, #tpu.memory_space<hbm>>
      %dma_start3A_346 = tpu.memref_slice %arg14[%dma_start3A_339] : memref<4x!tpu.dma_semaphore, #tpu.memory_space<semaphore_mem>> -> memref<1x!tpu.dma_semaphore, #tpu.memory_space<semaphore_mem>>
      %dma_start3A_347 = tpu.memref_squeeze %dma_start3A_346 : memref<1x!tpu.dma_semaphore, #tpu.memory_space<semaphore_mem>> -> memref<!tpu.dma_semaphore, #tpu.memory_space<semaphore_mem>>
      %dma_start3A_348 = arith.constant 0 : i32
      %dma_start3A_349 = tpu.memref_slice %arg10[%add3A_319, %dma_start3A_348] : memref<256x128xf32, #tpu.memory_space<vmem>> -> memref<1x64xf32, #tpu.memory_space<vmem>>
      %dma_start3A_350 = tpu.memref_squeeze %dma_start3A_349 : memref<1x64xf32, #tpu.memory_space<vmem>> -> memref<64xf32, #tpu.memory_space<vmem>>
      %dma_start3A_351 = arith.constant 0 : i32
      %dma_start3A_352 = tpu.memref_slice %arg5[%squeeze3A_338, %dma_start3A_351] : memref<1000001x64xf32, #tpu.memory_space<hbm>> -> memref<1x64xf32, #tpu.memory_space<hbm>>
      %dma_start3A_353 = tpu.memref_squeeze %dma_start3A_352 : memref<1x64xf32, #tpu.memory_space<hbm>> -> memref<64xf32, #tpu.memory_space<hbm>>
      tpu.enqueue_dma source(%dma_start3A_353 : memref<64xf32, #tpu.memory_space<hbm>>) target(%dma_start3A_350 : memref<64xf32, #tpu.memory_space<vmem>>) target_semaphore(%dma_start3A_347 : memref<!tpu.dma_semaphore, #tpu.memory_space<semaphore_mem>>)
      %mul3A_354 = arith.constant 8 : i32
      %mul3A_355 = arith.muli %scan3A_80, %mul3A_354 : i32
      %add3A_356 = arith.constant 3 : i32
      %add3A_357 = arith.addi %mul3A_355, %add3A_356 : i32
      %slice3A_358 = vector.extract_strided_slice %get3A_84 {offsets = [7], sizes = [1], strides = [1]} : vector<16xi32> to vector<1xi32>
      %squeeze3A_359 = vector.extract %slice3A_358[0] : i32 from vector<1xi32>
      %dma_start3A_360 = arith.constant 1 : i32
      %dma_start3A_361 = arith.constant 64 : i32
      %dma_start3A_362 = tpu.memref_slice %arg9[%add3A_357, %dma_start3A_361] : memref<256x128xf32, #tpu.memory_space<vmem>> -> memref<1x64xf32, #tpu.memory_space<vmem>>
      %dma_start3A_363 = tpu.memref_squeeze %dma_start3A_362 : memref<1x64xf32, #tpu.memory_space<vmem>> -> memref<64xf32, #tpu.memory_space<vmem>>
      %dma_start3A_364 = arith.constant 0 : i32
      %dma_start3A_365 = tpu.memref_slice %arg4[%squeeze3A_359, %dma_start3A_364] : memref<1000001x64xf32, #tpu.memory_space<hbm>> -> memref<1x64xf32, #tpu.memory_space<hbm>>
      %dma_start3A_366 = tpu.memref_squeeze %dma_start3A_365 : memref<1x64xf32, #tpu.memory_space<hbm>> -> memref<64xf32, #tpu.memory_space<hbm>>
      %dma_start3A_367 = tpu.memref_slice %arg13[%dma_start3A_360] : memref<4x!tpu.dma_semaphore, #tpu.memory_space<semaphore_mem>> -> memref<1x!tpu.dma_semaphore, #tpu.memory_space<semaphore_mem>>
      %dma_start3A_368 = tpu.memref_squeeze %dma_start3A_367 : memref<1x!tpu.dma_semaphore, #tpu.memory_space<semaphore_mem>> -> memref<!tpu.dma_semaphore, #tpu.memory_space<semaphore_mem>>
      %dma_start3A_369 = arith.constant 64 : i32
      %dma_start3A_370 = tpu.memref_slice %arg9[%add3A_357, %dma_start3A_369] : memref<256x128xf32, #tpu.memory_space<vmem>> -> memref<1x64xf32, #tpu.memory_space<vmem>>
      %dma_start3A_371 = tpu.memref_squeeze %dma_start3A_370 : memref<1x64xf32, #tpu.memory_space<vmem>> -> memref<64xf32, #tpu.memory_space<vmem>>
      %dma_start3A_372 = arith.constant 0 : i32
      %dma_start3A_373 = tpu.memref_slice %arg4[%squeeze3A_359, %dma_start3A_372] : memref<1000001x64xf32, #tpu.memory_space<hbm>> -> memref<1x64xf32, #tpu.memory_space<hbm>>
      %dma_start3A_374 = tpu.memref_squeeze %dma_start3A_373 : memref<1x64xf32, #tpu.memory_space<hbm>> -> memref<64xf32, #tpu.memory_space<hbm>>
      tpu.enqueue_dma source(%dma_start3A_374 : memref<64xf32, #tpu.memory_space<hbm>>) target(%dma_start3A_371 : memref<64xf32, #tpu.memory_space<vmem>>) target_semaphore(%dma_start3A_368 : memref<!tpu.dma_semaphore, #tpu.memory_space<semaphore_mem>>)
      %slice3A_375 = vector.extract_strided_slice %get3A_89 {offsets = [7], sizes = [1], strides = [1]} : vector<16xi32> to vector<1xi32>
      %squeeze3A_376 = vector.extract %slice3A_375[0] : i32 from vector<1xi32>
      %dma_start3A_377 = arith.constant 1 : i32
      %dma_start3A_378 = arith.constant 64 : i32
      %dma_start3A_379 = tpu.memref_slice %arg10[%add3A_357, %dma_start3A_378] : memref<256x128xf32, #tpu.memory_space<vmem>> -> memref<1x64xf32, #tpu.memory_space<vmem>>
      %dma_start3A_380 = tpu.memref_squeeze %dma_start3A_379 : memref<1x64xf32, #tpu.memory_space<vmem>> -> memref<64xf32, #tpu.memory_space<vmem>>
      %dma_start3A_381 = arith.constant 0 : i32
      %dma_start3A_382 = tpu.memref_slice %arg5[%squeeze3A_376, %dma_start3A_381] : memref<1000001x64xf32, #tpu.memory_space<hbm>> -> memref<1x64xf32, #tpu.memory_space<hbm>>
      %dma_start3A_383 = tpu.memref_squeeze %dma_start3A_382 : memref<1x64xf32, #tpu.memory_space<hbm>> -> memref<64xf32, #tpu.memory_space<hbm>>
      %dma_start3A_384 = tpu.memref_slice %arg14[%dma_start3A_377] : memref<4x!tpu.dma_semaphore, #tpu.memory_space<semaphore_mem>> -> memref<1x!tpu.dma_semaphore, #tpu.memory_space<semaphore_mem>>
      %dma_start3A_385 = tpu.memref_squeeze %dma_start3A_384 : memref<1x!tpu.dma_semaphore, #tpu.memory_space<semaphore_mem>> -> memref<!tpu.dma_semaphore, #tpu.memory_space<semaphore_mem>>
      %dma_start3A_386 = arith.constant 64 : i32
      %dma_start3A_387 = tpu.memref_slice %arg10[%add3A_357, %dma_start3A_386] : memref<256x128xf32, #tpu.memory_space<vmem>> -> memref<1x64xf32, #tpu.memory_space<vmem>>
      %dma_start3A_388 = tpu.memref_squeeze %dma_start3A_387 : memref<1x64xf32, #tpu.memory_space<vmem>> -> memref<64xf32, #tpu.memory_space<vmem>>
      %dma_start3A_389 = arith.constant 0 : i32
      %dma_start3A_390 = tpu.memref_slice %arg5[%squeeze3A_376, %dma_start3A_389] : memref<1000001x64xf32, #tpu.memory_space<hbm>> -> memref<1x64xf32, #tpu.memory_space<hbm>>
      %dma_start3A_391 = tpu.memref_squeeze %dma_start3A_390 : memref<1x64xf32, #tpu.memory_space<hbm>> -> memref<64xf32, #tpu.memory_space<hbm>>
      tpu.enqueue_dma source(%dma_start3A_391 : memref<64xf32, #tpu.memory_space<hbm>>) target(%dma_start3A_388 : memref<64xf32, #tpu.memory_space<vmem>>) target_semaphore(%dma_start3A_385 : memref<!tpu.dma_semaphore, #tpu.memory_space<semaphore_mem>>)
      %mul3A_392 = arith.constant 8 : i32
      %mul3A_393 = arith.muli %scan3A_80, %mul3A_392 : i32
      %add3A_394 = arith.constant 4 : i32
      %add3A_395 = arith.addi %mul3A_393, %add3A_394 : i32
      %slice3A_396 = vector.extract_strided_slice %get3A_84 {offsets = [8], sizes = [1], strides = [1]} : vector<16xi32> to vector<1xi32>
      %squeeze3A_397 = vector.extract %slice3A_396[0] : i32 from vector<1xi32>
      %dma_start3A_398 = arith.constant 2 : i32
      %dma_start3A_399 = arith.constant 0 : i32
      %dma_start3A_400 = tpu.memref_slice %arg9[%add3A_395, %dma_start3A_399] : memref<256x128xf32, #tpu.memory_space<vmem>> -> memref<1x64xf32, #tpu.memory_space<vmem>>
      %dma_start3A_401 = tpu.memref_squeeze %dma_start3A_400 : memref<1x64xf32, #tpu.memory_space<vmem>> -> memref<64xf32, #tpu.memory_space<vmem>>
      %dma_start3A_402 = arith.constant 0 : i32
      %dma_start3A_403 = tpu.memref_slice %arg4[%squeeze3A_397, %dma_start3A_402] : memref<1000001x64xf32, #tpu.memory_space<hbm>> -> memref<1x64xf32, #tpu.memory_space<hbm>>
      %dma_start3A_404 = tpu.memref_squeeze %dma_start3A_403 : memref<1x64xf32, #tpu.memory_space<hbm>> -> memref<64xf32, #tpu.memory_space<hbm>>
      %dma_start3A_405 = tpu.memref_slice %arg13[%dma_start3A_398] : memref<4x!tpu.dma_semaphore, #tpu.memory_space<semaphore_mem>> -> memref<1x!tpu.dma_semaphore, #tpu.memory_space<semaphore_mem>>
      %dma_start3A_406 = tpu.memref_squeeze %dma_start3A_405 : memref<1x!tpu.dma_semaphore, #tpu.memory_space<semaphore_mem>> -> memref<!tpu.dma_semaphore, #tpu.memory_space<semaphore_mem>>
      %dma_start3A_407 = arith.constant 0 : i32
      %dma_start3A_408 = tpu.memref_slice %arg9[%add3A_395, %dma_start3A_407] : memref<256x128xf32, #tpu.memory_space<vmem>> -> memref<1x64xf32, #tpu.memory_space<vmem>>
      %dma_start3A_409 = tpu.memref_squeeze %dma_start3A_408 : memref<1x64xf32, #tpu.memory_space<vmem>> -> memref<64xf32, #tpu.memory_space<vmem>>
      %dma_start3A_410 = arith.constant 0 : i32
      %dma_start3A_411 = tpu.memref_slice %arg4[%squeeze3A_397, %dma_start3A_410] : memref<1000001x64xf32, #tpu.memory_space<hbm>> -> memref<1x64xf32, #tpu.memory_space<hbm>>
      %dma_start3A_412 = tpu.memref_squeeze %dma_start3A_411 : memref<1x64xf32, #tpu.memory_space<hbm>> -> memref<64xf32, #tpu.memory_space<hbm>>
      tpu.enqueue_dma source(%dma_start3A_412 : memref<64xf32, #tpu.memory_space<hbm>>) target(%dma_start3A_409 : memref<64xf32, #tpu.memory_space<vmem>>) target_semaphore(%dma_start3A_406 : memref<!tpu.dma_semaphore, #tpu.memory_space<semaphore_mem>>)
      %slice3A_413 = vector.extract_strided_slice %get3A_89 {offsets = [8], sizes = [1], strides = [1]} : vector<16xi32> to vector<1xi32>
      %squeeze3A_414 = vector.extract %slice3A_413[0] : i32 from vector<1xi32>
      %dma_start3A_415 = arith.constant 2 : i32
      %dma_start3A_416 = arith.constant 0 : i32
      %dma_start3A_417 = tpu.memref_slice %arg10[%add3A_395, %dma_start3A_416] : memref<256x128xf32, #tpu.memory_space<vmem>> -> memref<1x64xf32, #tpu.memory_space<vmem>>
      %dma_start3A_418 = tpu.memref_squeeze %dma_start3A_417 : memref<1x64xf32, #tpu.memory_space<vmem>> -> memref<64xf32, #tpu.memory_space<vmem>>
      %dma_start3A_419 = arith.constant 0 : i32
      %dma_start3A_420 = tpu.memref_slice %arg5[%squeeze3A_414, %dma_start3A_419] : memref<1000001x64xf32, #tpu.memory_space<hbm>> -> memref<1x64xf32, #tpu.memory_space<hbm>>
      %dma_start3A_421 = tpu.memref_squeeze %dma_start3A_420 : memref<1x64xf32, #tpu.memory_space<hbm>> -> memref<64xf32, #tpu.memory_space<hbm>>
      %dma_start3A_422 = tpu.memref_slice %arg14[%dma_start3A_415] : memref<4x!tpu.dma_semaphore, #tpu.memory_space<semaphore_mem>> -> memref<1x!tpu.dma_semaphore, #tpu.memory_space<semaphore_mem>>
      %dma_start3A_423 = tpu.memref_squeeze %dma_start3A_422 : memref<1x!tpu.dma_semaphore, #tpu.memory_space<semaphore_mem>> -> memref<!tpu.dma_semaphore, #tpu.memory_space<semaphore_mem>>
      %dma_start3A_424 = arith.constant 0 : i32
      %dma_start3A_425 = tpu.memref_slice %arg10[%add3A_395, %dma_start3A_424] : memref<256x128xf32, #tpu.memory_space<vmem>> -> memref<1x64xf32, #tpu.memory_space<vmem>>
      %dma_start3A_426 = tpu.memref_squeeze %dma_start3A_425 : memref<1x64xf32, #tpu.memory_space<vmem>> -> memref<64xf32, #tpu.memory_space<vmem>>
      %dma_start3A_427 = arith.constant 0 : i32
      %dma_start3A_428 = tpu.memref_slice %arg5[%squeeze3A_414, %dma_start3A_427] : memref<1000001x64xf32, #tpu.memory_space<hbm>> -> memref<1x64xf32, #tpu.memory_space<hbm>>
      %dma_start3A_429 = tpu.memref_squeeze %dma_start3A_428 : memref<1x64xf32, #tpu.memory_space<hbm>> -> memref<64xf32, #tpu.memory_space<hbm>>
      tpu.enqueue_dma source(%dma_start3A_429 : memref<64xf32, #tpu.memory_space<hbm>>) target(%dma_start3A_426 : memref<64xf32, #tpu.memory_space<vmem>>) target_semaphore(%dma_start3A_423 : memref<!tpu.dma_semaphore, #tpu.memory_space<semaphore_mem>>)
      %mul3A_430 = arith.constant 8 : i32
      %mul3A_431 = arith.muli %scan3A_80, %mul3A_430 : i32
      %add3A_432 = arith.constant 4 : i32
      %add3A_433 = arith.addi %mul3A_431, %add3A_432 : i32
      %slice3A_434 = vector.extract_strided_slice %get3A_84 {offsets = [9], sizes = [1], strides = [1]} : vector<16xi32> to vector<1xi32>
      %squeeze3A_435 = vector.extract %slice3A_434[0] : i32 from vector<1xi32>
      %dma_start3A_436 = arith.constant 2 : i32
      %dma_start3A_437 = arith.constant 64 : i32
      %dma_start3A_438 = tpu.memref_slice %arg9[%add3A_433, %dma_start3A_437] : memref<256x128xf32, #tpu.memory_space<vmem>> -> memref<1x64xf32, #tpu.memory_space<vmem>>
      %dma_start3A_439 = tpu.memref_squeeze %dma_start3A_438 : memref<1x64xf32, #tpu.memory_space<vmem>> -> memref<64xf32, #tpu.memory_space<vmem>>
      %dma_start3A_440 = arith.constant 0 : i32
      %dma_start3A_441 = tpu.memref_slice %arg4[%squeeze3A_435, %dma_start3A_440] : memref<1000001x64xf32, #tpu.memory_space<hbm>> -> memref<1x64xf32, #tpu.memory_space<hbm>>
      %dma_start3A_442 = tpu.memref_squeeze %dma_start3A_441 : memref<1x64xf32, #tpu.memory_space<hbm>> -> memref<64xf32, #tpu.memory_space<hbm>>
      %dma_start3A_443 = tpu.memref_slice %arg13[%dma_start3A_436] : memref<4x!tpu.dma_semaphore, #tpu.memory_space<semaphore_mem>> -> memref<1x!tpu.dma_semaphore, #tpu.memory_space<semaphore_mem>>
      %dma_start3A_444 = tpu.memref_squeeze %dma_start3A_443 : memref<1x!tpu.dma_semaphore, #tpu.memory_space<semaphore_mem>> -> memref<!tpu.dma_semaphore, #tpu.memory_space<semaphore_mem>>
      %dma_start3A_445 = arith.constant 64 : i32
      %dma_start3A_446 = tpu.memref_slice %arg9[%add3A_433, %dma_start3A_445] : memref<256x128xf32, #tpu.memory_space<vmem>> -> memref<1x64xf32, #tpu.memory_space<vmem>>
      %dma_start3A_447 = tpu.memref_squeeze %dma_start3A_446 : memref<1x64xf32, #tpu.memory_space<vmem>> -> memref<64xf32, #tpu.memory_space<vmem>>
      %dma_start3A_448 = arith.constant 0 : i32
      %dma_start3A_449 = tpu.memref_slice %arg4[%squeeze3A_435, %dma_start3A_448] : memref<1000001x64xf32, #tpu.memory_space<hbm>> -> memref<1x64xf32, #tpu.memory_space<hbm>>
      %dma_start3A_450 = tpu.memref_squeeze %dma_start3A_449 : memref<1x64xf32, #tpu.memory_space<hbm>> -> memref<64xf32, #tpu.memory_space<hbm>>
      tpu.enqueue_dma source(%dma_start3A_450 : memref<64xf32, #tpu.memory_space<hbm>>) target(%dma_start3A_447 : memref<64xf32, #tpu.memory_space<vmem>>) target_semaphore(%dma_start3A_444 : memref<!tpu.dma_semaphore, #tpu.memory_space<semaphore_mem>>)
      %slice3A_451 = vector.extract_strided_slice %get3A_89 {offsets = [9], sizes = [1], strides = [1]} : vector<16xi32> to vector<1xi32>
      %squeeze3A_452 = vector.extract %slice3A_451[0] : i32 from vector<1xi32>
      %dma_start3A_453 = arith.constant 2 : i32
      %dma_start3A_454 = arith.constant 64 : i32
      %dma_start3A_455 = tpu.memref_slice %arg10[%add3A_433, %dma_start3A_454] : memref<256x128xf32, #tpu.memory_space<vmem>> -> memref<1x64xf32, #tpu.memory_space<vmem>>
      %dma_start3A_456 = tpu.memref_squeeze %dma_start3A_455 : memref<1x64xf32, #tpu.memory_space<vmem>> -> memref<64xf32, #tpu.memory_space<vmem>>
      %dma_start3A_457 = arith.constant 0 : i32
      %dma_start3A_458 = tpu.memref_slice %arg5[%squeeze3A_452, %dma_start3A_457] : memref<1000001x64xf32, #tpu.memory_space<hbm>> -> memref<1x64xf32, #tpu.memory_space<hbm>>
      %dma_start3A_459 = tpu.memref_squeeze %dma_start3A_458 : memref<1x64xf32, #tpu.memory_space<hbm>> -> memref<64xf32, #tpu.memory_space<hbm>>
      %dma_start3A_460 = tpu.memref_slice %arg14[%dma_start3A_453] : memref<4x!tpu.dma_semaphore, #tpu.memory_space<semaphore_mem>> -> memref<1x!tpu.dma_semaphore, #tpu.memory_space<semaphore_mem>>
      %dma_start3A_461 = tpu.memref_squeeze %dma_start3A_460 : memref<1x!tpu.dma_semaphore, #tpu.memory_space<semaphore_mem>> -> memref<!tpu.dma_semaphore, #tpu.memory_space<semaphore_mem>>
      %dma_start3A_462 = arith.constant 64 : i32
      %dma_start3A_463 = tpu.memref_slice %arg10[%add3A_433, %dma_start3A_462] : memref<256x128xf32, #tpu.memory_space<vmem>> -> memref<1x64xf32, #tpu.memory_space<vmem>>
      %dma_start3A_464 = tpu.memref_squeeze %dma_start3A_463 : memref<1x64xf32, #tpu.memory_space<vmem>> -> memref<64xf32, #tpu.memory_space<vmem>>
      %dma_start3A_465 = arith.constant 0 : i32
      %dma_start3A_466 = tpu.memref_slice %arg5[%squeeze3A_452, %dma_start3A_465] : memref<1000001x64xf32, #tpu.memory_space<hbm>> -> memref<1x64xf32, #tpu.memory_space<hbm>>
      %dma_start3A_467 = tpu.memref_squeeze %dma_start3A_466 : memref<1x64xf32, #tpu.memory_space<hbm>> -> memref<64xf32, #tpu.memory_space<hbm>>
      tpu.enqueue_dma source(%dma_start3A_467 : memref<64xf32, #tpu.memory_space<hbm>>) target(%dma_start3A_464 : memref<64xf32, #tpu.memory_space<vmem>>) target_semaphore(%dma_start3A_461 : memref<!tpu.dma_semaphore, #tpu.memory_space<semaphore_mem>>)
      %mul3A_468 = arith.constant 8 : i32
      %mul3A_469 = arith.muli %scan3A_80, %mul3A_468 : i32
      %add3A_470 = arith.constant 5 : i32
      %add3A_471 = arith.addi %mul3A_469, %add3A_470 : i32
      %slice3A_472 = vector.extract_strided_slice %get3A_84 {offsets = [10], sizes = [1], strides = [1]} : vector<16xi32> to vector<1xi32>
      %squeeze3A_473 = vector.extract %slice3A_472[0] : i32 from vector<1xi32>
      %dma_start3A_474 = arith.constant 2 : i32
      %dma_start3A_475 = arith.constant 0 : i32
      %dma_start3A_476 = tpu.memref_slice %arg9[%add3A_471, %dma_start3A_475] : memref<256x128xf32, #tpu.memory_space<vmem>> -> memref<1x64xf32, #tpu.memory_space<vmem>>
      %dma_start3A_477 = tpu.memref_squeeze %dma_start3A_476 : memref<1x64xf32, #tpu.memory_space<vmem>> -> memref<64xf32, #tpu.memory_space<vmem>>
      %dma_start3A_478 = arith.constant 0 : i32
      %dma_start3A_479 = tpu.memref_slice %arg4[%squeeze3A_473, %dma_start3A_478] : memref<1000001x64xf32, #tpu.memory_space<hbm>> -> memref<1x64xf32, #tpu.memory_space<hbm>>
      %dma_start3A_480 = tpu.memref_squeeze %dma_start3A_479 : memref<1x64xf32, #tpu.memory_space<hbm>> -> memref<64xf32, #tpu.memory_space<hbm>>
      %dma_start3A_481 = tpu.memref_slice %arg13[%dma_start3A_474] : memref<4x!tpu.dma_semaphore, #tpu.memory_space<semaphore_mem>> -> memref<1x!tpu.dma_semaphore, #tpu.memory_space<semaphore_mem>>
      %dma_start3A_482 = tpu.memref_squeeze %dma_start3A_481 : memref<1x!tpu.dma_semaphore, #tpu.memory_space<semaphore_mem>> -> memref<!tpu.dma_semaphore, #tpu.memory_space<semaphore_mem>>
      %dma_start3A_483 = arith.constant 0 : i32
      %dma_start3A_484 = tpu.memref_slice %arg9[%add3A_471, %dma_start3A_483] : memref<256x128xf32, #tpu.memory_space<vmem>> -> memref<1x64xf32, #tpu.memory_space<vmem>>
      %dma_start3A_485 = tpu.memref_squeeze %dma_start3A_484 : memref<1x64xf32, #tpu.memory_space<vmem>> -> memref<64xf32, #tpu.memory_space<vmem>>
      %dma_start3A_486 = arith.constant 0 : i32
      %dma_start3A_487 = tpu.memref_slice %arg4[%squeeze3A_473, %dma_start3A_486] : memref<1000001x64xf32, #tpu.memory_space<hbm>> -> memref<1x64xf32, #tpu.memory_space<hbm>>
      %dma_start3A_488 = tpu.memref_squeeze %dma_start3A_487 : memref<1x64xf32, #tpu.memory_space<hbm>> -> memref<64xf32, #tpu.memory_space<hbm>>
      tpu.enqueue_dma source(%dma_start3A_488 : memref<64xf32, #tpu.memory_space<hbm>>) target(%dma_start3A_485 : memref<64xf32, #tpu.memory_space<vmem>>) target_semaphore(%dma_start3A_482 : memref<!tpu.dma_semaphore, #tpu.memory_space<semaphore_mem>>)
      %slice3A_489 = vector.extract_strided_slice %get3A_89 {offsets = [10], sizes = [1], strides = [1]} : vector<16xi32> to vector<1xi32>
      %squeeze3A_490 = vector.extract %slice3A_489[0] : i32 from vector<1xi32>
      %dma_start3A_491 = arith.constant 2 : i32
      %dma_start3A_492 = arith.constant 0 : i32
      %dma_start3A_493 = tpu.memref_slice %arg10[%add3A_471, %dma_start3A_492] : memref<256x128xf32, #tpu.memory_space<vmem>> -> memref<1x64xf32, #tpu.memory_space<vmem>>
      %dma_start3A_494 = tpu.memref_squeeze %dma_start3A_493 : memref<1x64xf32, #tpu.memory_space<vmem>> -> memref<64xf32, #tpu.memory_space<vmem>>
      %dma_start3A_495 = arith.constant 0 : i32
      %dma_start3A_496 = tpu.memref_slice %arg5[%squeeze3A_490, %dma_start3A_495] : memref<1000001x64xf32, #tpu.memory_space<hbm>> -> memref<1x64xf32, #tpu.memory_space<hbm>>
      %dma_start3A_497 = tpu.memref_squeeze %dma_start3A_496 : memref<1x64xf32, #tpu.memory_space<hbm>> -> memref<64xf32, #tpu.memory_space<hbm>>
      %dma_start3A_498 = tpu.memref_slice %arg14[%dma_start3A_491] : memref<4x!tpu.dma_semaphore, #tpu.memory_space<semaphore_mem>> -> memref<1x!tpu.dma_semaphore, #tpu.memory_space<semaphore_mem>>
      %dma_start3A_499 = tpu.memref_squeeze %dma_start3A_498 : memref<1x!tpu.dma_semaphore, #tpu.memory_space<semaphore_mem>> -> memref<!tpu.dma_semaphore, #tpu.memory_space<semaphore_mem>>
      %dma_start3A_500 = arith.constant 0 : i32
      %dma_start3A_501 = tpu.memref_slice %arg10[%add3A_471, %dma_start3A_500] : memref<256x128xf32, #tpu.memory_space<vmem>> -> memref<1x64xf32, #tpu.memory_space<vmem>>
      %dma_start3A_502 = tpu.memref_squeeze %dma_start3A_501 : memref<1x64xf32, #tpu.memory_space<vmem>> -> memref<64xf32, #tpu.memory_space<vmem>>
      %dma_start3A_503 = arith.constant 0 : i32
      %dma_start3A_504 = tpu.memref_slice %arg5[%squeeze3A_490, %dma_start3A_503] : memref<1000001x64xf32, #tpu.memory_space<hbm>> -> memref<1x64xf32, #tpu.memory_space<hbm>>
      %dma_start3A_505 = tpu.memref_squeeze %dma_start3A_504 : memref<1x64xf32, #tpu.memory_space<hbm>> -> memref<64xf32, #tpu.memory_space<hbm>>
      tpu.enqueue_dma source(%dma_start3A_505 : memref<64xf32, #tpu.memory_space<hbm>>) target(%dma_start3A_502 : memref<64xf32, #tpu.memory_space<vmem>>) target_semaphore(%dma_start3A_499 : memref<!tpu.dma_semaphore, #tpu.memory_space<semaphore_mem>>)
      %mul3A_506 = arith.constant 8 : i32
      %mul3A_507 = arith.muli %scan3A_80, %mul3A_506 : i32
      %add3A_508 = arith.constant 5 : i32
      %add3A_509 = arith.addi %mul3A_507, %add3A_508 : i32
      %slice3A_510 = vector.extract_strided_slice %get3A_84 {offsets = [11], sizes = [1], strides = [1]} : vector<16xi32> to vector<1xi32>
      %squeeze3A_511 = vector.extract %slice3A_510[0] : i32 from vector<1xi32>
      %dma_start3A_512 = arith.constant 2 : i32
      %dma_start3A_513 = arith.constant 64 : i32
      %dma_start3A_514 = tpu.memref_slice %arg9[%add3A_509, %dma_start3A_513] : memref<256x128xf32, #tpu.memory_space<vmem>> -> memref<1x64xf32, #tpu.memory_space<vmem>>
      %dma_start3A_515 = tpu.memref_squeeze %dma_start3A_514 : memref<1x64xf32, #tpu.memory_space<vmem>> -> memref<64xf32, #tpu.memory_space<vmem>>
      %dma_start3A_516 = arith.constant 0 : i32
      %dma_start3A_517 = tpu.memref_slice %arg4[%squeeze3A_511, %dma_start3A_516] : memref<1000001x64xf32, #tpu.memory_space<hbm>> -> memref<1x64xf32, #tpu.memory_space<hbm>>
      %dma_start3A_518 = tpu.memref_squeeze %dma_start3A_517 : memref<1x64xf32, #tpu.memory_space<hbm>> -> memref<64xf32, #tpu.memory_space<hbm>>
      %dma_start3A_519 = tpu.memref_slice %arg13[%dma_start3A_512] : memref<4x!tpu.dma_semaphore, #tpu.memory_space<semaphore_mem>> -> memref<1x!tpu.dma_semaphore, #tpu.memory_space<semaphore_mem>>
      %dma_start3A_520 = tpu.memref_squeeze %dma_start3A_519 : memref<1x!tpu.dma_semaphore, #tpu.memory_space<semaphore_mem>> -> memref<!tpu.dma_semaphore, #tpu.memory_space<semaphore_mem>>
      %dma_start3A_521 = arith.constant 64 : i32
      %dma_start3A_522 = tpu.memref_slice %arg9[%add3A_509, %dma_start3A_521] : memref<256x128xf32, #tpu.memory_space<vmem>> -> memref<1x64xf32, #tpu.memory_space<vmem>>
      %dma_start3A_523 = tpu.memref_squeeze %dma_start3A_522 : memref<1x64xf32, #tpu.memory_space<vmem>> -> memref<64xf32, #tpu.memory_space<vmem>>
      %dma_start3A_524 = arith.constant 0 : i32
      %dma_start3A_525 = tpu.memref_slice %arg4[%squeeze3A_511, %dma_start3A_524] : memref<1000001x64xf32, #tpu.memory_space<hbm>> -> memref<1x64xf32, #tpu.memory_space<hbm>>
      %dma_start3A_526 = tpu.memref_squeeze %dma_start3A_525 : memref<1x64xf32, #tpu.memory_space<hbm>> -> memref<64xf32, #tpu.memory_space<hbm>>
      tpu.enqueue_dma source(%dma_start3A_526 : memref<64xf32, #tpu.memory_space<hbm>>) target(%dma_start3A_523 : memref<64xf32, #tpu.memory_space<vmem>>) target_semaphore(%dma_start3A_520 : memref<!tpu.dma_semaphore, #tpu.memory_space<semaphore_mem>>)
      %slice3A_527 = vector.extract_strided_slice %get3A_89 {offsets = [11], sizes = [1], strides = [1]} : vector<16xi32> to vector<1xi32>
      %squeeze3A_528 = vector.extract %slice3A_527[0] : i32 from vector<1xi32>
      %dma_start3A_529 = arith.constant 2 : i32
      %dma_start3A_530 = arith.constant 64 : i32
      %dma_start3A_531 = tpu.memref_slice %arg10[%add3A_509, %dma_start3A_530] : memref<256x128xf32, #tpu.memory_space<vmem>> -> memref<1x64xf32, #tpu.memory_space<vmem>>
      %dma_start3A_532 = tpu.memref_squeeze %dma_start3A_531 : memref<1x64xf32, #tpu.memory_space<vmem>> -> memref<64xf32, #tpu.memory_space<vmem>>
      %dma_start3A_533 = arith.constant 0 : i32
      %dma_start3A_534 = tpu.memref_slice %arg5[%squeeze3A_528, %dma_start3A_533] : memref<1000001x64xf32, #tpu.memory_space<hbm>> -> memref<1x64xf32, #tpu.memory_space<hbm>>
      %dma_start3A_535 = tpu.memref_squeeze %dma_start3A_534 : memref<1x64xf32, #tpu.memory_space<hbm>> -> memref<64xf32, #tpu.memory_space<hbm>>
      %dma_start3A_536 = tpu.memref_slice %arg14[%dma_start3A_529] : memref<4x!tpu.dma_semaphore, #tpu.memory_space<semaphore_mem>> -> memref<1x!tpu.dma_semaphore, #tpu.memory_space<semaphore_mem>>
      %dma_start3A_537 = tpu.memref_squeeze %dma_start3A_536 : memref<1x!tpu.dma_semaphore, #tpu.memory_space<semaphore_mem>> -> memref<!tpu.dma_semaphore, #tpu.memory_space<semaphore_mem>>
      %dma_start3A_538 = arith.constant 64 : i32
      %dma_start3A_539 = tpu.memref_slice %arg10[%add3A_509, %dma_start3A_538] : memref<256x128xf32, #tpu.memory_space<vmem>> -> memref<1x64xf32, #tpu.memory_space<vmem>>
      %dma_start3A_540 = tpu.memref_squeeze %dma_start3A_539 : memref<1x64xf32, #tpu.memory_space<vmem>> -> memref<64xf32, #tpu.memory_space<vmem>>
      %dma_start3A_541 = arith.constant 0 : i32
      %dma_start3A_542 = tpu.memref_slice %arg5[%squeeze3A_528, %dma_start3A_541] : memref<1000001x64xf32, #tpu.memory_space<hbm>> -> memref<1x64xf32, #tpu.memory_space<hbm>>
      %dma_start3A_543 = tpu.memref_squeeze %dma_start3A_542 : memref<1x64xf32, #tpu.memory_space<hbm>> -> memref<64xf32, #tpu.memory_space<hbm>>
      tpu.enqueue_dma source(%dma_start3A_543 : memref<64xf32, #tpu.memory_space<hbm>>) target(%dma_start3A_540 : memref<64xf32, #tpu.memory_space<vmem>>) target_semaphore(%dma_start3A_537 : memref<!tpu.dma_semaphore, #tpu.memory_space<semaphore_mem>>)
      %mul3A_544 = arith.constant 8 : i32
      %mul3A_545 = arith.muli %scan3A_80, %mul3A_544 : i32
      %add3A_546 = arith.constant 6 : i32
      %add3A_547 = arith.addi %mul3A_545, %add3A_546 : i32
      %slice3A_548 = vector.extract_strided_slice %get3A_84 {offsets = [12], sizes = [1], strides = [1]} : vector<16xi32> to vector<1xi32>
      %squeeze3A_549 = vector.extract %slice3A_548[0] : i32 from vector<1xi32>
      %dma_start3A_550 = arith.constant 3 : i32
      %dma_start3A_551 = arith.constant 0 : i32
      %dma_start3A_552 = tpu.memref_slice %arg9[%add3A_547, %dma_start3A_551] : memref<256x128xf32, #tpu.memory_space<vmem>> -> memref<1x64xf32, #tpu.memory_space<vmem>>
      %dma_start3A_553 = tpu.memref_squeeze %dma_start3A_552 : memref<1x64xf32, #tpu.memory_space<vmem>> -> memref<64xf32, #tpu.memory_space<vmem>>
      %dma_start3A_554 = arith.constant 0 : i32
      %dma_start3A_555 = tpu.memref_slice %arg4[%squeeze3A_549, %dma_start3A_554] : memref<1000001x64xf32, #tpu.memory_space<hbm>> -> memref<1x64xf32, #tpu.memory_space<hbm>>
      %dma_start3A_556 = tpu.memref_squeeze %dma_start3A_555 : memref<1x64xf32, #tpu.memory_space<hbm>> -> memref<64xf32, #tpu.memory_space<hbm>>
      %dma_start3A_557 = tpu.memref_slice %arg13[%dma_start3A_550] : memref<4x!tpu.dma_semaphore, #tpu.memory_space<semaphore_mem>> -> memref<1x!tpu.dma_semaphore, #tpu.memory_space<semaphore_mem>>
      %dma_start3A_558 = tpu.memref_squeeze %dma_start3A_557 : memref<1x!tpu.dma_semaphore, #tpu.memory_space<semaphore_mem>> -> memref<!tpu.dma_semaphore, #tpu.memory_space<semaphore_mem>>
      %dma_start3A_559 = arith.constant 0 : i32
      %dma_start3A_560 = tpu.memref_slice %arg9[%add3A_547, %dma_start3A_559] : memref<256x128xf32, #tpu.memory_space<vmem>> -> memref<1x64xf32, #tpu.memory_space<vmem>>
      %dma_start3A_561 = tpu.memref_squeeze %dma_start3A_560 : memref<1x64xf32, #tpu.memory_space<vmem>> -> memref<64xf32, #tpu.memory_space<vmem>>
      %dma_start3A_562 = arith.constant 0 : i32
      %dma_start3A_563 = tpu.memref_slice %arg4[%squeeze3A_549, %dma_start3A_562] : memref<1000001x64xf32, #tpu.memory_space<hbm>> -> memref<1x64xf32, #tpu.memory_space<hbm>>
      %dma_start3A_564 = tpu.memref_squeeze %dma_start3A_563 : memref<1x64xf32, #tpu.memory_space<hbm>> -> memref<64xf32, #tpu.memory_space<hbm>>
      tpu.enqueue_dma source(%dma_start3A_564 : memref<64xf32, #tpu.memory_space<hbm>>) target(%dma_start3A_561 : memref<64xf32, #tpu.memory_space<vmem>>) target_semaphore(%dma_start3A_558 : memref<!tpu.dma_semaphore, #tpu.memory_space<semaphore_mem>>)
      %slice3A_565 = vector.extract_strided_slice %get3A_89 {offsets = [12], sizes = [1], strides = [1]} : vector<16xi32> to vector<1xi32>
      %squeeze3A_566 = vector.extract %slice3A_565[0] : i32 from vector<1xi32>
      %dma_start3A_567 = arith.constant 3 : i32
      %dma_start3A_568 = arith.constant 0 : i32
      %dma_start3A_569 = tpu.memref_slice %arg10[%add3A_547, %dma_start3A_568] : memref<256x128xf32, #tpu.memory_space<vmem>> -> memref<1x64xf32, #tpu.memory_space<vmem>>
      %dma_start3A_570 = tpu.memref_squeeze %dma_start3A_569 : memref<1x64xf32, #tpu.memory_space<vmem>> -> memref<64xf32, #tpu.memory_space<vmem>>
      %dma_start3A_571 = arith.constant 0 : i32
      %dma_start3A_572 = tpu.memref_slice %arg5[%squeeze3A_566, %dma_start3A_571] : memref<1000001x64xf32, #tpu.memory_space<hbm>> -> memref<1x64xf32, #tpu.memory_space<hbm>>
      %dma_start3A_573 = tpu.memref_squeeze %dma_start3A_572 : memref<1x64xf32, #tpu.memory_space<hbm>> -> memref<64xf32, #tpu.memory_space<hbm>>
      %dma_start3A_574 = tpu.memref_slice %arg14[%dma_start3A_567] : memref<4x!tpu.dma_semaphore, #tpu.memory_space<semaphore_mem>> -> memref<1x!tpu.dma_semaphore, #tpu.memory_space<semaphore_mem>>
      %dma_start3A_575 = tpu.memref_squeeze %dma_start3A_574 : memref<1x!tpu.dma_semaphore, #tpu.memory_space<semaphore_mem>> -> memref<!tpu.dma_semaphore, #tpu.memory_space<semaphore_mem>>
      %dma_start3A_576 = arith.constant 0 : i32
      %dma_start3A_577 = tpu.memref_slice %arg10[%add3A_547, %dma_start3A_576] : memref<256x128xf32, #tpu.memory_space<vmem>> -> memref<1x64xf32, #tpu.memory_space<vmem>>
      %dma_start3A_578 = tpu.memref_squeeze %dma_start3A_577 : memref<1x64xf32, #tpu.memory_space<vmem>> -> memref<64xf32, #tpu.memory_space<vmem>>
      %dma_start3A_579 = arith.constant 0 : i32
      %dma_start3A_580 = tpu.memref_slice %arg5[%squeeze3A_566, %dma_start3A_579] : memref<1000001x64xf32, #tpu.memory_space<hbm>> -> memref<1x64xf32, #tpu.memory_space<hbm>>
      %dma_start3A_581 = tpu.memref_squeeze %dma_start3A_580 : memref<1x64xf32, #tpu.memory_space<hbm>> -> memref<64xf32, #tpu.memory_space<hbm>>
      tpu.enqueue_dma source(%dma_start3A_581 : memref<64xf32, #tpu.memory_space<hbm>>) target(%dma_start3A_578 : memref<64xf32, #tpu.memory_space<vmem>>) target_semaphore(%dma_start3A_575 : memref<!tpu.dma_semaphore, #tpu.memory_space<semaphore_mem>>)
      %mul3A_582 = arith.constant 8 : i32
      %mul3A_583 = arith.muli %scan3A_80, %mul3A_582 : i32
      %add3A_584 = arith.constant 6 : i32
      %add3A_585 = arith.addi %mul3A_583, %add3A_584 : i32
      %slice3A_586 = vector.extract_strided_slice %get3A_84 {offsets = [13], sizes = [1], strides = [1]} : vector<16xi32> to vector<1xi32>
      %squeeze3A_587 = vector.extract %slice3A_586[0] : i32 from vector<1xi32>
      %dma_start3A_588 = arith.constant 3 : i32
      %dma_start3A_589 = arith.constant 64 : i32
      %dma_start3A_590 = tpu.memref_slice %arg9[%add3A_585, %dma_start3A_589] : memref<256x128xf32, #tpu.memory_space<vmem>> -> memref<1x64xf32, #tpu.memory_space<vmem>>
      %dma_start3A_591 = tpu.memref_squeeze %dma_start3A_590 : memref<1x64xf32, #tpu.memory_space<vmem>> -> memref<64xf32, #tpu.memory_space<vmem>>
      %dma_start3A_592 = arith.constant 0 : i32
      %dma_start3A_593 = tpu.memref_slice %arg4[%squeeze3A_587, %dma_start3A_592] : memref<1000001x64xf32, #tpu.memory_space<hbm>> -> memref<1x64xf32, #tpu.memory_space<hbm>>
      %dma_start3A_594 = tpu.memref_squeeze %dma_start3A_593 : memref<1x64xf32, #tpu.memory_space<hbm>> -> memref<64xf32, #tpu.memory_space<hbm>>
      %dma_start3A_595 = tpu.memref_slice %arg13[%dma_start3A_588] : memref<4x!tpu.dma_semaphore, #tpu.memory_space<semaphore_mem>> -> memref<1x!tpu.dma_semaphore, #tpu.memory_space<semaphore_mem>>
      %dma_start3A_596 = tpu.memref_squeeze %dma_start3A_595 : memref<1x!tpu.dma_semaphore, #tpu.memory_space<semaphore_mem>> -> memref<!tpu.dma_semaphore, #tpu.memory_space<semaphore_mem>>
      %dma_start3A_597 = arith.constant 64 : i32
      %dma_start3A_598 = tpu.memref_slice %arg9[%add3A_585, %dma_start3A_597] : memref<256x128xf32, #tpu.memory_space<vmem>> -> memref<1x64xf32, #tpu.memory_space<vmem>>
      %dma_start3A_599 = tpu.memref_squeeze %dma_start3A_598 : memref<1x64xf32, #tpu.memory_space<vmem>> -> memref<64xf32, #tpu.memory_space<vmem>>
      %dma_start3A_600 = arith.constant 0 : i32
      %dma_start3A_601 = tpu.memref_slice %arg4[%squeeze3A_587, %dma_start3A_600] : memref<1000001x64xf32, #tpu.memory_space<hbm>> -> memref<1x64xf32, #tpu.memory_space<hbm>>
      %dma_start3A_602 = tpu.memref_squeeze %dma_start3A_601 : memref<1x64xf32, #tpu.memory_space<hbm>> -> memref<64xf32, #tpu.memory_space<hbm>>
      tpu.enqueue_dma source(%dma_start3A_602 : memref<64xf32, #tpu.memory_space<hbm>>) target(%dma_start3A_599 : memref<64xf32, #tpu.memory_space<vmem>>) target_semaphore(%dma_start3A_596 : memref<!tpu.dma_semaphore, #tpu.memory_space<semaphore_mem>>)
      %slice3A_603 = vector.extract_strided_slice %get3A_89 {offsets = [13], sizes = [1], strides = [1]} : vector<16xi32> to vector<1xi32>
      %squeeze3A_604 = vector.extract %slice3A_603[0] : i32 from vector<1xi32>
      %dma_start3A_605 = arith.constant 3 : i32
      %dma_start3A_606 = arith.constant 64 : i32
      %dma_start3A_607 = tpu.memref_slice %arg10[%add3A_585, %dma_start3A_606] : memref<256x128xf32, #tpu.memory_space<vmem>> -> memref<1x64xf32, #tpu.memory_space<vmem>>
      %dma_start3A_608 = tpu.memref_squeeze %dma_start3A_607 : memref<1x64xf32, #tpu.memory_space<vmem>> -> memref<64xf32, #tpu.memory_space<vmem>>
      %dma_start3A_609 = arith.constant 0 : i32
      %dma_start3A_610 = tpu.memref_slice %arg5[%squeeze3A_604, %dma_start3A_609] : memref<1000001x64xf32, #tpu.memory_space<hbm>> -> memref<1x64xf32, #tpu.memory_space<hbm>>
      %dma_start3A_611 = tpu.memref_squeeze %dma_start3A_610 : memref<1x64xf32, #tpu.memory_space<hbm>> -> memref<64xf32, #tpu.memory_space<hbm>>
      %dma_start3A_612 = tpu.memref_slice %arg14[%dma_start3A_605] : memref<4x!tpu.dma_semaphore, #tpu.memory_space<semaphore_mem>> -> memref<1x!tpu.dma_semaphore, #tpu.memory_space<semaphore_mem>>
      %dma_start3A_613 = tpu.memref_squeeze %dma_start3A_612 : memref<1x!tpu.dma_semaphore, #tpu.memory_space<semaphore_mem>> -> memref<!tpu.dma_semaphore, #tpu.memory_space<semaphore_mem>>
      %dma_start3A_614 = arith.constant 64 : i32
      %dma_start3A_615 = tpu.memref_slice %arg10[%add3A_585, %dma_start3A_614] : memref<256x128xf32, #tpu.memory_space<vmem>> -> memref<1x64xf32, #tpu.memory_space<vmem>>
      %dma_start3A_616 = tpu.memref_squeeze %dma_start3A_615 : memref<1x64xf32, #tpu.memory_space<vmem>> -> memref<64xf32, #tpu.memory_space<vmem>>
      %dma_start3A_617 = arith.constant 0 : i32
      %dma_start3A_618 = tpu.memref_slice %arg5[%squeeze3A_604, %dma_start3A_617] : memref<1000001x64xf32, #tpu.memory_space<hbm>> -> memref<1x64xf32, #tpu.memory_space<hbm>>
      %dma_start3A_619 = tpu.memref_squeeze %dma_start3A_618 : memref<1x64xf32, #tpu.memory_space<hbm>> -> memref<64xf32, #tpu.memory_space<hbm>>
      tpu.enqueue_dma source(%dma_start3A_619 : memref<64xf32, #tpu.memory_space<hbm>>) target(%dma_start3A_616 : memref<64xf32, #tpu.memory_space<vmem>>) target_semaphore(%dma_start3A_613 : memref<!tpu.dma_semaphore, #tpu.memory_space<semaphore_mem>>)
      %mul3A_620 = arith.constant 8 : i32
      %mul3A_621 = arith.muli %scan3A_80, %mul3A_620 : i32
      %add3A_622 = arith.constant 7 : i32
      %add3A_623 = arith.addi %mul3A_621, %add3A_622 : i32
      %slice3A_624 = vector.extract_strided_slice %get3A_84 {offsets = [14], sizes = [1], strides = [1]} : vector<16xi32> to vector<1xi32>
      %squeeze3A_625 = vector.extract %slice3A_624[0] : i32 from vector<1xi32>
      %dma_start3A_626 = arith.constant 3 : i32
      %dma_start3A_627 = arith.constant 0 : i32
      %dma_start3A_628 = tpu.memref_slice %arg9[%add3A_623, %dma_start3A_627] : memref<256x128xf32, #tpu.memory_space<vmem>> -> memref<1x64xf32, #tpu.memory_space<vmem>>
      %dma_start3A_629 = tpu.memref_squeeze %dma_start3A_628 : memref<1x64xf32, #tpu.memory_space<vmem>> -> memref<64xf32, #tpu.memory_space<vmem>>
      %dma_start3A_630 = arith.constant 0 : i32
      %dma_start3A_631 = tpu.memref_slice %arg4[%squeeze3A_625, %dma_start3A_630] : memref<1000001x64xf32, #tpu.memory_space<hbm>> -> memref<1x64xf32, #tpu.memory_space<hbm>>
      %dma_start3A_632 = tpu.memref_squeeze %dma_start3A_631 : memref<1x64xf32, #tpu.memory_space<hbm>> -> memref<64xf32, #tpu.memory_space<hbm>>
      %dma_start3A_633 = tpu.memref_slice %arg13[%dma_start3A_626] : memref<4x!tpu.dma_semaphore, #tpu.memory_space<semaphore_mem>> -> memref<1x!tpu.dma_semaphore, #tpu.memory_space<semaphore_mem>>
      %dma_start3A_634 = tpu.memref_squeeze %dma_start3A_633 : memref<1x!tpu.dma_semaphore, #tpu.memory_space<semaphore_mem>> -> memref<!tpu.dma_semaphore, #tpu.memory_space<semaphore_mem>>
      %dma_start3A_635 = arith.constant 0 : i32
      %dma_start3A_636 = tpu.memref_slice %arg9[%add3A_623, %dma_start3A_635] : memref<256x128xf32, #tpu.memory_space<vmem>> -> memref<1x64xf32, #tpu.memory_space<vmem>>
      %dma_start3A_637 = tpu.memref_squeeze %dma_start3A_636 : memref<1x64xf32, #tpu.memory_space<vmem>> -> memref<64xf32, #tpu.memory_space<vmem>>
      %dma_start3A_638 = arith.constant 0 : i32
      %dma_start3A_639 = tpu.memref_slice %arg4[%squeeze3A_625, %dma_start3A_638] : memref<1000001x64xf32, #tpu.memory_space<hbm>> -> memref<1x64xf32, #tpu.memory_space<hbm>>
      %dma_start3A_640 = tpu.memref_squeeze %dma_start3A_639 : memref<1x64xf32, #tpu.memory_space<hbm>> -> memref<64xf32, #tpu.memory_space<hbm>>
      tpu.enqueue_dma source(%dma_start3A_640 : memref<64xf32, #tpu.memory_space<hbm>>) target(%dma_start3A_637 : memref<64xf32, #tpu.memory_space<vmem>>) target_semaphore(%dma_start3A_634 : memref<!tpu.dma_semaphore, #tpu.memory_space<semaphore_mem>>)
      %slice3A_641 = vector.extract_strided_slice %get3A_89 {offsets = [14], sizes = [1], strides = [1]} : vector<16xi32> to vector<1xi32>
      %squeeze3A_642 = vector.extract %slice3A_641[0] : i32 from vector<1xi32>
      %dma_start3A_643 = arith.constant 3 : i32
      %dma_start3A_644 = arith.constant 0 : i32
      %dma_start3A_645 = tpu.memref_slice %arg10[%add3A_623, %dma_start3A_644] : memref<256x128xf32, #tpu.memory_space<vmem>> -> memref<1x64xf32, #tpu.memory_space<vmem>>
      %dma_start3A_646 = tpu.memref_squeeze %dma_start3A_645 : memref<1x64xf32, #tpu.memory_space<vmem>> -> memref<64xf32, #tpu.memory_space<vmem>>
      %dma_start3A_647 = arith.constant 0 : i32
      %dma_start3A_648 = tpu.memref_slice %arg5[%squeeze3A_642, %dma_start3A_647] : memref<1000001x64xf32, #tpu.memory_space<hbm>> -> memref<1x64xf32, #tpu.memory_space<hbm>>
      %dma_start3A_649 = tpu.memref_squeeze %dma_start3A_648 : memref<1x64xf32, #tpu.memory_space<hbm>> -> memref<64xf32, #tpu.memory_space<hbm>>
      %dma_start3A_650 = tpu.memref_slice %arg14[%dma_start3A_643] : memref<4x!tpu.dma_semaphore, #tpu.memory_space<semaphore_mem>> -> memref<1x!tpu.dma_semaphore, #tpu.memory_space<semaphore_mem>>
      %dma_start3A_651 = tpu.memref_squeeze %dma_start3A_650 : memref<1x!tpu.dma_semaphore, #tpu.memory_space<semaphore_mem>> -> memref<!tpu.dma_semaphore, #tpu.memory_space<semaphore_mem>>
      %dma_start3A_652 = arith.constant 0 : i32
      %dma_start3A_653 = tpu.memref_slice %arg10[%add3A_623, %dma_start3A_652] : memref<256x128xf32, #tpu.memory_space<vmem>> -> memref<1x64xf32, #tpu.memory_space<vmem>>
      %dma_start3A_654 = tpu.memref_squeeze %dma_start3A_653 : memref<1x64xf32, #tpu.memory_space<vmem>> -> memref<64xf32, #tpu.memory_space<vmem>>
      %dma_start3A_655 = arith.constant 0 : i32
      %dma_start3A_656 = tpu.memref_slice %arg5[%squeeze3A_642, %dma_start3A_655] : memref<1000001x64xf32, #tpu.memory_space<hbm>> -> memref<1x64xf32, #tpu.memory_space<hbm>>
      %dma_start3A_657 = tpu.memref_squeeze %dma_start3A_656 : memref<1x64xf32, #tpu.memory_space<hbm>> -> memref<64xf32, #tpu.memory_space<hbm>>
      tpu.enqueue_dma source(%dma_start3A_657 : memref<64xf32, #tpu.memory_space<hbm>>) target(%dma_start3A_654 : memref<64xf32, #tpu.memory_space<vmem>>) target_semaphore(%dma_start3A_651 : memref<!tpu.dma_semaphore, #tpu.memory_space<semaphore_mem>>)
      %mul3A_658 = arith.constant 8 : i32
      %mul3A_659 = arith.muli %scan3A_80, %mul3A_658 : i32
      %add3A_660 = arith.constant 7 : i32
      %add3A_661 = arith.addi %mul3A_659, %add3A_660 : i32
      %slice3A_662 = vector.extract_strided_slice %get3A_84 {offsets = [15], sizes = [1], strides = [1]} : vector<16xi32> to vector<1xi32>
      %squeeze3A_663 = vector.extract %slice3A_662[0] : i32 from vector<1xi32>
      %dma_start3A_664 = arith.constant 3 : i32
      %dma_start3A_665 = arith.constant 64 : i32
      %dma_start3A_666 = tpu.memref_slice %arg9[%add3A_661, %dma_start3A_665] : memref<256x128xf32, #tpu.memory_space<vmem>> -> memref<1x64xf32, #tpu.memory_space<vmem>>
      %dma_start3A_667 = tpu.memref_squeeze %dma_start3A_666 : memref<1x64xf32, #tpu.memory_space<vmem>> -> memref<64xf32, #tpu.memory_space<vmem>>
      %dma_start3A_668 = arith.constant 0 : i32
      %dma_start3A_669 = tpu.memref_slice %arg4[%squeeze3A_663, %dma_start3A_668] : memref<1000001x64xf32, #tpu.memory_space<hbm>> -> memref<1x64xf32, #tpu.memory_space<hbm>>
      %dma_start3A_670 = tpu.memref_squeeze %dma_start3A_669 : memref<1x64xf32, #tpu.memory_space<hbm>> -> memref<64xf32, #tpu.memory_space<hbm>>
      %dma_start3A_671 = tpu.memref_slice %arg13[%dma_start3A_664] : memref<4x!tpu.dma_semaphore, #tpu.memory_space<semaphore_mem>> -> memref<1x!tpu.dma_semaphore, #tpu.memory_space<semaphore_mem>>
      %dma_start3A_672 = tpu.memref_squeeze %dma_start3A_671 : memref<1x!tpu.dma_semaphore, #tpu.memory_space<semaphore_mem>> -> memref<!tpu.dma_semaphore, #tpu.memory_space<semaphore_mem>>
      %dma_start3A_673 = arith.constant 64 : i32
      %dma_start3A_674 = tpu.memref_slice %arg9[%add3A_661, %dma_start3A_673] : memref<256x128xf32, #tpu.memory_space<vmem>> -> memref<1x64xf32, #tpu.memory_space<vmem>>
      %dma_start3A_675 = tpu.memref_squeeze %dma_start3A_674 : memref<1x64xf32, #tpu.memory_space<vmem>> -> memref<64xf32, #tpu.memory_space<vmem>>
      %dma_start3A_676 = arith.constant 0 : i32
      %dma_start3A_677 = tpu.memref_slice %arg4[%squeeze3A_663, %dma_start3A_676] : memref<1000001x64xf32, #tpu.memory_space<hbm>> -> memref<1x64xf32, #tpu.memory_space<hbm>>
      %dma_start3A_678 = tpu.memref_squeeze %dma_start3A_677 : memref<1x64xf32, #tpu.memory_space<hbm>> -> memref<64xf32, #tpu.memory_space<hbm>>
      tpu.enqueue_dma source(%dma_start3A_678 : memref<64xf32, #tpu.memory_space<hbm>>) target(%dma_start3A_675 : memref<64xf32, #tpu.memory_space<vmem>>) target_semaphore(%dma_start3A_672 : memref<!tpu.dma_semaphore, #tpu.memory_space<semaphore_mem>>)
      %slice3A_679 = vector.extract_strided_slice %get3A_89 {offsets = [15], sizes = [1], strides = [1]} : vector<16xi32> to vector<1xi32>
      %squeeze3A_680 = vector.extract %slice3A_679[0] : i32 from vector<1xi32>
      %dma_start3A_681 = arith.constant 3 : i32
      %dma_start3A_682 = arith.constant 64 : i32
      %dma_start3A_683 = tpu.memref_slice %arg10[%add3A_661, %dma_start3A_682] : memref<256x128xf32, #tpu.memory_space<vmem>> -> memref<1x64xf32, #tpu.memory_space<vmem>>
      %dma_start3A_684 = tpu.memref_squeeze %dma_start3A_683 : memref<1x64xf32, #tpu.memory_space<vmem>> -> memref<64xf32, #tpu.memory_space<vmem>>
      %dma_start3A_685 = arith.constant 0 : i32
      %dma_start3A_686 = tpu.memref_slice %arg5[%squeeze3A_680, %dma_start3A_685] : memref<1000001x64xf32, #tpu.memory_space<hbm>> -> memref<1x64xf32, #tpu.memory_space<hbm>>
      %dma_start3A_687 = tpu.memref_squeeze %dma_start3A_686 : memref<1x64xf32, #tpu.memory_space<hbm>> -> memref<64xf32, #tpu.memory_space<hbm>>
      %dma_start3A_688 = tpu.memref_slice %arg14[%dma_start3A_681] : memref<4x!tpu.dma_semaphore, #tpu.memory_space<semaphore_mem>> -> memref<1x!tpu.dma_semaphore, #tpu.memory_space<semaphore_mem>>
      %dma_start3A_689 = tpu.memref_squeeze %dma_start3A_688 : memref<1x!tpu.dma_semaphore, #tpu.memory_space<semaphore_mem>> -> memref<!tpu.dma_semaphore, #tpu.memory_space<semaphore_mem>>
      %dma_start3A_690 = arith.constant 64 : i32
      %dma_start3A_691 = tpu.memref_slice %arg10[%add3A_661, %dma_start3A_690] : memref<256x128xf32, #tpu.memory_space<vmem>> -> memref<1x64xf32, #tpu.memory_space<vmem>>
      %dma_start3A_692 = tpu.memref_squeeze %dma_start3A_691 : memref<1x64xf32, #tpu.memory_space<vmem>> -> memref<64xf32, #tpu.memory_space<vmem>>
      %dma_start3A_693 = arith.constant 0 : i32
      %dma_start3A_694 = tpu.memref_slice %arg5[%squeeze3A_680, %dma_start3A_693] : memref<1000001x64xf32, #tpu.memory_space<hbm>> -> memref<1x64xf32, #tpu.memory_space<hbm>>
      %dma_start3A_695 = tpu.memref_squeeze %dma_start3A_694 : memref<1x64xf32, #tpu.memory_space<hbm>> -> memref<64xf32, #tpu.memory_space<hbm>>
      tpu.enqueue_dma source(%dma_start3A_695 : memref<64xf32, #tpu.memory_space<hbm>>) target(%dma_start3A_692 : memref<64xf32, #tpu.memory_space<vmem>>) target_semaphore(%dma_start3A_689 : memref<!tpu.dma_semaphore, #tpu.memory_space<semaphore_mem>>)
    }
    %scan3A_7 = arith.constant 16 : i32
    %scan3A_8 = arith.constant 0 : i32
    %scan3A_9 = arith.constant 0 : i32
    %scan3A_10 = arith.constant 16 : i32
    %scan3A_11 = arith.addi %scan3A_9, %scan3A_10 : i32
    %scan3A_12 = arith.constant 1 : i32
    scf.for %scan3A_80 = %scan3A_9 to %scan3A_11 step %scan3A_12  : i32 {
      %mul3A_81 = arith.constant 16 : i32
      %mul3A_82 = arith.muli %scan3A_80, %mul3A_81 : i32
      %add3A_83 = arith.constant 256 : i32
      %add3A_84 = arith.addi %add3A_83, %mul3A_82 : i32
      %get3A = arith.index_cast %add3A_84 : i32 to index
      %get3A_85 = tpu.vector_load %arg7[%get3A] {strides = array<i32>} : memref<512xi32, #tpu.memory_space<vmem>>, vector<16xi32>,
      %get3A_86 = vector.shape_cast %get3A_85 : vector<16xi32> to vector<16xi32>
      %mul3A_87 = arith.constant 16 : i32
      %mul3A_88 = arith.muli %scan3A_80, %mul3A_87 : i32
      %add3A_89 = arith.constant 256 : i32
      %add3A_90 = arith.addi %add3A_89, %mul3A_88 : i32
      %get3A_91 = arith.index_cast %add3A_90 : i32 to index
      %get3A_92 = tpu.vector_load %arg8[%get3A_91] {strides = array<i32>} : memref<512xi32, #tpu.memory_space<vmem>>, vector<16xi32>,
      %get3A_93 = vector.shape_cast %get3A_92 : vector<16xi32> to vector<16xi32>
      %mul3A_94 = arith.constant 8 : i32
      %mul3A_95 = arith.muli %scan3A_80, %mul3A_94 : i32
      %add3A_96 = arith.constant 0 : i32
      %add3A_97 = arith.addi %mul3A_95, %add3A_96 : i32
      %slice3A = vector.extract_strided_slice %get3A_86 {offsets = [0], sizes = [1], strides = [1]} : vector<16xi32> to vector<1xi32>
      %squeeze3A = vector.extract %slice3A[0] : i32 from vector<1xi32>
      %dma_start3A_98 = arith.constant 0 : i32
      %dma_start3A_99 = tpu.memref_slice %arg11[%arg1, %add3A_97, %dma_start3A_98] : memref<16x128x128xf32, #tpu.memory_space<vmem_shared>> -> memref<1x1x64xf32, #tpu.memory_space<vmem_shared>>
      %dma_start3A_100 = tpu.memref_squeeze %dma_start3A_99 : memref<1x1x64xf32, #tpu.memory_space<vmem_shared>> -> memref<64xf32, #tpu.memory_space<vmem_shared>>
      %dma_start3A_101 = arith.constant 0 : i32
      %dma_start3A_102 = tpu.memref_slice %arg4[%squeeze3A, %dma_start3A_101] : memref<1000001x64xf32, #tpu.memory_space<hbm>> -> memref<1x64xf32, #tpu.memory_space<hbm>>
      %dma_start3A_103 = tpu.memref_squeeze %dma_start3A_102 : memref<1x64xf32, #tpu.memory_space<hbm>> -> memref<64xf32, #tpu.memory_space<hbm>>
      tpu.enqueue_dma source(%dma_start3A_103 : memref<64xf32, #tpu.memory_space<hbm>>) target(%dma_start3A_100 : memref<64xf32, #tpu.memory_space<vmem_shared>>) target_semaphore(%arg15 : memref<!tpu.dma_semaphore, #tpu.memory_space<semaphore_mem>>)
      %slice3A_104 = vector.extract_strided_slice %get3A_93 {offsets = [0], sizes = [1], strides = [1]} : vector<16xi32> to vector<1xi32>
      %squeeze3A_105 = vector.extract %slice3A_104[0] : i32 from vector<1xi32>
      %dma_start3A_106 = arith.constant 0 : i32
      %dma_start3A_107 = tpu.memref_slice %arg12[%arg1, %add3A_97, %dma_start3A_106] : memref<16x128x128xf32, #tpu.memory_space<vmem_shared>> -> memref<1x1x64xf32, #tpu.memory_space<vmem_shared>>
      %dma_start3A_108 = tpu.memref_squeeze %dma_start3A_107 : memref<1x1x64xf32, #tpu.memory_space<vmem_shared>> -> memref<64xf32, #tpu.memory_space<vmem_shared>>
      %dma_start3A_109 = arith.constant 0 : i32
      %dma_start3A_110 = tpu.memref_slice %arg5[%squeeze3A_105, %dma_start3A_109] : memref<1000001x64xf32, #tpu.memory_space<hbm>> -> memref<1x64xf32, #tpu.memory_space<hbm>>
      %dma_start3A_111 = tpu.memref_squeeze %dma_start3A_110 : memref<1x64xf32, #tpu.memory_space<hbm>> -> memref<64xf32, #tpu.memory_space<hbm>>
      tpu.enqueue_dma source(%dma_start3A_111 : memref<64xf32, #tpu.memory_space<hbm>>) target(%dma_start3A_108 : memref<64xf32, #tpu.memory_space<vmem_shared>>) target_semaphore(%arg16 : memref<!tpu.dma_semaphore, #tpu.memory_space<semaphore_mem>>)
      %mul3A_112 = arith.constant 8 : i32
      %mul3A_113 = arith.muli %scan3A_80, %mul3A_112 : i32
      %add3A_114 = arith.constant 0 : i32
      %add3A_115 = arith.addi %mul3A_113, %add3A_114 : i32
      %slice3A_116 = vector.extract_strided_slice %get3A_86 {offsets = [1], sizes = [1], strides = [1]} : vector<16xi32> to vector<1xi32>
      %squeeze3A_117 = vector.extract %slice3A_116[0] : i32 from vector<1xi32>
      %dma_start3A_118 = arith.constant 64 : i32
      %dma_start3A_119 = tpu.memref_slice %arg11[%arg1, %add3A_115, %dma_start3A_118] : memref<16x128x128xf32, #tpu.memory_space<vmem_shared>> -> memref<1x1x64xf32, #tpu.memory_space<vmem_shared>>
      %dma_start3A_120 = tpu.memref_squeeze %dma_start3A_119 : memref<1x1x64xf32, #tpu.memory_space<vmem_shared>> -> memref<64xf32, #tpu.memory_space<vmem_shared>>
      %dma_start3A_121 = arith.constant 0 : i32
      %dma_start3A_122 = tpu.memref_slice %arg4[%squeeze3A_117, %dma_start3A_121] : memref<1000001x64xf32, #tpu.memory_space<hbm>> -> memref<1x64xf32, #tpu.memory_space<hbm>>
      %dma_start3A_123 = tpu.memref_squeeze %dma_start3A_122 : memref<1x64xf32, #tpu.memory_space<hbm>> -> memref<64xf32, #tpu.memory_space<hbm>>
      tpu.enqueue_dma source(%dma_start3A_123 : memref<64xf32, #tpu.memory_space<hbm>>) target(%dma_start3A_120 : memref<64xf32, #tpu.memory_space<vmem_shared>>) target_semaphore(%arg15 : memref<!tpu.dma_semaphore, #tpu.memory_space<semaphore_mem>>)
      %slice3A_124 = vector.extract_strided_slice %get3A_93 {offsets = [1], sizes = [1], strides = [1]} : vector<16xi32> to vector<1xi32>
      %squeeze3A_125 = vector.extract %slice3A_124[0] : i32 from vector<1xi32>
      %dma_start3A_126 = arith.constant 64 : i32
      %dma_start3A_127 = tpu.memref_slice %arg12[%arg1, %add3A_115, %dma_start3A_126] : memref<16x128x128xf32, #tpu.memory_space<vmem_shared>> -> memref<1x1x64xf32, #tpu.memory_space<vmem_shared>>
      %dma_start3A_128 = tpu.memref_squeeze %dma_start3A_127 : memref<1x1x64xf32, #tpu.memory_space<vmem_shared>> -> memref<64xf32, #tpu.memory_space<vmem_shared>>
      %dma_start3A_129 = arith.constant 0 : i32
      %dma_start3A_130 = tpu.memref_slice %arg5[%squeeze3A_125, %dma_start3A_129] : memref<1000001x64xf32, #tpu.memory_space<hbm>> -> memref<1x64xf32, #tpu.memory_space<hbm>>
      %dma_start3A_131 = tpu.memref_squeeze %dma_start3A_130 : memref<1x64xf32, #tpu.memory_space<hbm>> -> memref<64xf32, #tpu.memory_space<hbm>>
      tpu.enqueue_dma source(%dma_start3A_131 : memref<64xf32, #tpu.memory_space<hbm>>) target(%dma_start3A_128 : memref<64xf32, #tpu.memory_space<vmem_shared>>) target_semaphore(%arg16 : memref<!tpu.dma_semaphore, #tpu.memory_space<semaphore_mem>>)
      %mul3A_132 = arith.constant 8 : i32
      %mul3A_133 = arith.muli %scan3A_80, %mul3A_132 : i32
      %add3A_134 = arith.constant 1 : i32
      %add3A_135 = arith.addi %mul3A_133, %add3A_134 : i32
      %slice3A_136 = vector.extract_strided_slice %get3A_86 {offsets = [2], sizes = [1], strides = [1]} : vector<16xi32> to vector<1xi32>
      %squeeze3A_137 = vector.extract %slice3A_136[0] : i32 from vector<1xi32>
      %dma_start3A_138 = arith.constant 0 : i32
      %dma_start3A_139 = tpu.memref_slice %arg11[%arg1, %add3A_135, %dma_start3A_138] : memref<16x128x128xf32, #tpu.memory_space<vmem_shared>> -> memref<1x1x64xf32, #tpu.memory_space<vmem_shared>>
      %dma_start3A_140 = tpu.memref_squeeze %dma_start3A_139 : memref<1x1x64xf32, #tpu.memory_space<vmem_shared>> -> memref<64xf32, #tpu.memory_space<vmem_shared>>
      %dma_start3A_141 = arith.constant 0 : i32
      %dma_start3A_142 = tpu.memref_slice %arg4[%squeeze3A_137, %dma_start3A_141] : memref<1000001x64xf32, #tpu.memory_space<hbm>> -> memref<1x64xf32, #tpu.memory_space<hbm>>
      %dma_start3A_143 = tpu.memref_squeeze %dma_start3A_142 : memref<1x64xf32, #tpu.memory_space<hbm>> -> memref<64xf32, #tpu.memory_space<hbm>>
      tpu.enqueue_dma source(%dma_start3A_143 : memref<64xf32, #tpu.memory_space<hbm>>) target(%dma_start3A_140 : memref<64xf32, #tpu.memory_space<vmem_shared>>) target_semaphore(%arg15 : memref<!tpu.dma_semaphore, #tpu.memory_space<semaphore_mem>>)
      %slice3A_144 = vector.extract_strided_slice %get3A_93 {offsets = [2], sizes = [1], strides = [1]} : vector<16xi32> to vector<1xi32>
      %squeeze3A_145 = vector.extract %slice3A_144[0] : i32 from vector<1xi32>
      %dma_start3A_146 = arith.constant 0 : i32
      %dma_start3A_147 = tpu.memref_slice %arg12[%arg1, %add3A_135, %dma_start3A_146] : memref<16x128x128xf32, #tpu.memory_space<vmem_shared>> -> memref<1x1x64xf32, #tpu.memory_space<vmem_shared>>
      %dma_start3A_148 = tpu.memref_squeeze %dma_start3A_147 : memref<1x1x64xf32, #tpu.memory_space<vmem_shared>> -> memref<64xf32, #tpu.memory_space<vmem_shared>>
      %dma_start3A_149 = arith.constant 0 : i32
      %dma_start3A_150 = tpu.memref_slice %arg5[%squeeze3A_145, %dma_start3A_149] : memref<1000001x64xf32, #tpu.memory_space<hbm>> -> memref<1x64xf32, #tpu.memory_space<hbm>>
      %dma_start3A_151 = tpu.memref_squeeze %dma_start3A_150 : memref<1x64xf32, #tpu.memory_space<hbm>> -> memref<64xf32, #tpu.memory_space<hbm>>
      tpu.enqueue_dma source(%dma_start3A_151 : memref<64xf32, #tpu.memory_space<hbm>>) target(%dma_start3A_148 : memref<64xf32, #tpu.memory_space<vmem_shared>>) target_semaphore(%arg16 : memref<!tpu.dma_semaphore, #tpu.memory_space<semaphore_mem>>)
      %mul3A_152 = arith.constant 8 : i32
      %mul3A_153 = arith.muli %scan3A_80, %mul3A_152 : i32
      %add3A_154 = arith.constant 1 : i32
      %add3A_155 = arith.addi %mul3A_153, %add3A_154 : i32
      %slice3A_156 = vector.extract_strided_slice %get3A_86 {offsets = [3], sizes = [1], strides = [1]} : vector<16xi32> to vector<1xi32>
      %squeeze3A_157 = vector.extract %slice3A_156[0] : i32 from vector<1xi32>
      %dma_start3A_158 = arith.constant 64 : i32
      %dma_start3A_159 = tpu.memref_slice %arg11[%arg1, %add3A_155, %dma_start3A_158] : memref<16x128x128xf32, #tpu.memory_space<vmem_shared>> -> memref<1x1x64xf32, #tpu.memory_space<vmem_shared>>
      %dma_start3A_160 = tpu.memref_squeeze %dma_start3A_159 : memref<1x1x64xf32, #tpu.memory_space<vmem_shared>> -> memref<64xf32, #tpu.memory_space<vmem_shared>>
      %dma_start3A_161 = arith.constant 0 : i32
      %dma_start3A_162 = tpu.memref_slice %arg4[%squeeze3A_157, %dma_start3A_161] : memref<1000001x64xf32, #tpu.memory_space<hbm>> -> memref<1x64xf32, #tpu.memory_space<hbm>>
      %dma_start3A_163 = tpu.memref_squeeze %dma_start3A_162 : memref<1x64xf32, #tpu.memory_space<hbm>> -> memref<64xf32, #tpu.memory_space<hbm>>
      tpu.enqueue_dma source(%dma_start3A_163 : memref<64xf32, #tpu.memory_space<hbm>>) target(%dma_start3A_160 : memref<64xf32, #tpu.memory_space<vmem_shared>>) target_semaphore(%arg15 : memref<!tpu.dma_semaphore, #tpu.memory_space<semaphore_mem>>)
      %slice3A_164 = vector.extract_strided_slice %get3A_93 {offsets = [3], sizes = [1], strides = [1]} : vector<16xi32> to vector<1xi32>
      %squeeze3A_165 = vector.extract %slice3A_164[0] : i32 from vector<1xi32>
      %dma_start3A_166 = arith.constant 64 : i32
      %dma_start3A_167 = tpu.memref_slice %arg12[%arg1, %add3A_155, %dma_start3A_166] : memref<16x128x128xf32, #tpu.memory_space<vmem_shared>> -> memref<1x1x64xf32, #tpu.memory_space<vmem_shared>>
      %dma_start3A_168 = tpu.memref_squeeze %dma_start3A_167 : memref<1x1x64xf32, #tpu.memory_space<vmem_shared>> -> memref<64xf32, #tpu.memory_space<vmem_shared>>
      %dma_start3A_169 = arith.constant 0 : i32
      %dma_start3A_170 = tpu.memref_slice %arg5[%squeeze3A_165, %dma_start3A_169] : memref<1000001x64xf32, #tpu.memory_space<hbm>> -> memref<1x64xf32, #tpu.memory_space<hbm>>
      %dma_start3A_171 = tpu.memref_squeeze %dma_start3A_170 : memref<1x64xf32, #tpu.memory_space<hbm>> -> memref<64xf32, #tpu.memory_space<hbm>>
      tpu.enqueue_dma source(%dma_start3A_171 : memref<64xf32, #tpu.memory_space<hbm>>) target(%dma_start3A_168 : memref<64xf32, #tpu.memory_space<vmem_shared>>) target_semaphore(%arg16 : memref<!tpu.dma_semaphore, #tpu.memory_space<semaphore_mem>>)
      %mul3A_172 = arith.constant 8 : i32
      %mul3A_173 = arith.muli %scan3A_80, %mul3A_172 : i32
      %add3A_174 = arith.constant 2 : i32
      %add3A_175 = arith.addi %mul3A_173, %add3A_174 : i32
      %slice3A_176 = vector.extract_strided_slice %get3A_86 {offsets = [4], sizes = [1], strides = [1]} : vector<16xi32> to vector<1xi32>
      %squeeze3A_177 = vector.extract %slice3A_176[0] : i32 from vector<1xi32>
      %dma_start3A_178 = arith.constant 0 : i32
      %dma_start3A_179 = tpu.memref_slice %arg11[%arg1, %add3A_175, %dma_start3A_178] : memref<16x128x128xf32, #tpu.memory_space<vmem_shared>> -> memref<1x1x64xf32, #tpu.memory_space<vmem_shared>>
      %dma_start3A_180 = tpu.memref_squeeze %dma_start3A_179 : memref<1x1x64xf32, #tpu.memory_space<vmem_shared>> -> memref<64xf32, #tpu.memory_space<vmem_shared>>
      %dma_start3A_181 = arith.constant 0 : i32
      %dma_start3A_182 = tpu.memref_slice %arg4[%squeeze3A_177, %dma_start3A_181] : memref<1000001x64xf32, #tpu.memory_space<hbm>> -> memref<1x64xf32, #tpu.memory_space<hbm>>
      %dma_start3A_183 = tpu.memref_squeeze %dma_start3A_182 : memref<1x64xf32, #tpu.memory_space<hbm>> -> memref<64xf32, #tpu.memory_space<hbm>>
      tpu.enqueue_dma source(%dma_start3A_183 : memref<64xf32, #tpu.memory_space<hbm>>) target(%dma_start3A_180 : memref<64xf32, #tpu.memory_space<vmem_shared>>) target_semaphore(%arg15 : memref<!tpu.dma_semaphore, #tpu.memory_space<semaphore_mem>>)
      %slice3A_184 = vector.extract_strided_slice %get3A_93 {offsets = [4], sizes = [1], strides = [1]} : vector<16xi32> to vector<1xi32>
      %squeeze3A_185 = vector.extract %slice3A_184[0] : i32 from vector<1xi32>
      %dma_start3A_186 = arith.constant 0 : i32
      %dma_start3A_187 = tpu.memref_slice %arg12[%arg1, %add3A_175, %dma_start3A_186] : memref<16x128x128xf32, #tpu.memory_space<vmem_shared>> -> memref<1x1x64xf32, #tpu.memory_space<vmem_shared>>
      %dma_start3A_188 = tpu.memref_squeeze %dma_start3A_187 : memref<1x1x64xf32, #tpu.memory_space<vmem_shared>> -> memref<64xf32, #tpu.memory_space<vmem_shared>>
      %dma_start3A_189 = arith.constant 0 : i32
      %dma_start3A_190 = tpu.memref_slice %arg5[%squeeze3A_185, %dma_start3A_189] : memref<1000001x64xf32, #tpu.memory_space<hbm>> -> memref<1x64xf32, #tpu.memory_space<hbm>>
      %dma_start3A_191 = tpu.memref_squeeze %dma_start3A_190 : memref<1x64xf32, #tpu.memory_space<hbm>> -> memref<64xf32, #tpu.memory_space<hbm>>
      tpu.enqueue_dma source(%dma_start3A_191 : memref<64xf32, #tpu.memory_space<hbm>>) target(%dma_start3A_188 : memref<64xf32, #tpu.memory_space<vmem_shared>>) target_semaphore(%arg16 : memref<!tpu.dma_semaphore, #tpu.memory_space<semaphore_mem>>)
      %mul3A_192 = arith.constant 8 : i32
      %mul3A_193 = arith.muli %scan3A_80, %mul3A_192 : i32
      %add3A_194 = arith.constant 2 : i32
      %add3A_195 = arith.addi %mul3A_193, %add3A_194 : i32
      %slice3A_196 = vector.extract_strided_slice %get3A_86 {offsets = [5], sizes = [1], strides = [1]} : vector<16xi32> to vector<1xi32>
      %squeeze3A_197 = vector.extract %slice3A_196[0] : i32 from vector<1xi32>
      %dma_start3A_198 = arith.constant 64 : i32
      %dma_start3A_199 = tpu.memref_slice %arg11[%arg1, %add3A_195, %dma_start3A_198] : memref<16x128x128xf32, #tpu.memory_space<vmem_shared>> -> memref<1x1x64xf32, #tpu.memory_space<vmem_shared>>
      %dma_start3A_200 = tpu.memref_squeeze %dma_start3A_199 : memref<1x1x64xf32, #tpu.memory_space<vmem_shared>> -> memref<64xf32, #tpu.memory_space<vmem_shared>>
      %dma_start3A_201 = arith.constant 0 : i32
      %dma_start3A_202 = tpu.memref_slice %arg4[%squeeze3A_197, %dma_start3A_201] : memref<1000001x64xf32, #tpu.memory_space<hbm>> -> memref<1x64xf32, #tpu.memory_space<hbm>>
      %dma_start3A_203 = tpu.memref_squeeze %dma_start3A_202 : memref<1x64xf32, #tpu.memory_space<hbm>> -> memref<64xf32, #tpu.memory_space<hbm>>
      tpu.enqueue_dma source(%dma_start3A_203 : memref<64xf32, #tpu.memory_space<hbm>>) target(%dma_start3A_200 : memref<64xf32, #tpu.memory_space<vmem_shared>>) target_semaphore(%arg15 : memref<!tpu.dma_semaphore, #tpu.memory_space<semaphore_mem>>)
      %slice3A_204 = vector.extract_strided_slice %get3A_93 {offsets = [5], sizes = [1], strides = [1]} : vector<16xi32> to vector<1xi32>
      %squeeze3A_205 = vector.extract %slice3A_204[0] : i32 from vector<1xi32>
      %dma_start3A_206 = arith.constant 64 : i32
      %dma_start3A_207 = tpu.memref_slice %arg12[%arg1, %add3A_195, %dma_start3A_206] : memref<16x128x128xf32, #tpu.memory_space<vmem_shared>> -> memref<1x1x64xf32, #tpu.memory_space<vmem_shared>>
      %dma_start3A_208 = tpu.memref_squeeze %dma_start3A_207 : memref<1x1x64xf32, #tpu.memory_space<vmem_shared>> -> memref<64xf32, #tpu.memory_space<vmem_shared>>
      %dma_start3A_209 = arith.constant 0 : i32
      %dma_start3A_210 = tpu.memref_slice %arg5[%squeeze3A_205, %dma_start3A_209] : memref<1000001x64xf32, #tpu.memory_space<hbm>> -> memref<1x64xf32, #tpu.memory_space<hbm>>
      %dma_start3A_211 = tpu.memref_squeeze %dma_start3A_210 : memref<1x64xf32, #tpu.memory_space<hbm>> -> memref<64xf32, #tpu.memory_space<hbm>>
      tpu.enqueue_dma source(%dma_start3A_211 : memref<64xf32, #tpu.memory_space<hbm>>) target(%dma_start3A_208 : memref<64xf32, #tpu.memory_space<vmem_shared>>) target_semaphore(%arg16 : memref<!tpu.dma_semaphore, #tpu.memory_space<semaphore_mem>>)
      %mul3A_212 = arith.constant 8 : i32
      %mul3A_213 = arith.muli %scan3A_80, %mul3A_212 : i32
      %add3A_214 = arith.constant 3 : i32
      %add3A_215 = arith.addi %mul3A_213, %add3A_214 : i32
      %slice3A_216 = vector.extract_strided_slice %get3A_86 {offsets = [6], sizes = [1], strides = [1]} : vector<16xi32> to vector<1xi32>
      %squeeze3A_217 = vector.extract %slice3A_216[0] : i32 from vector<1xi32>
      %dma_start3A_218 = arith.constant 0 : i32
      %dma_start3A_219 = tpu.memref_slice %arg11[%arg1, %add3A_215, %dma_start3A_218] : memref<16x128x128xf32, #tpu.memory_space<vmem_shared>> -> memref<1x1x64xf32, #tpu.memory_space<vmem_shared>>
      %dma_start3A_220 = tpu.memref_squeeze %dma_start3A_219 : memref<1x1x64xf32, #tpu.memory_space<vmem_shared>> -> memref<64xf32, #tpu.memory_space<vmem_shared>>
      %dma_start3A_221 = arith.constant 0 : i32
      %dma_start3A_222 = tpu.memref_slice %arg4[%squeeze3A_217, %dma_start3A_221] : memref<1000001x64xf32, #tpu.memory_space<hbm>> -> memref<1x64xf32, #tpu.memory_space<hbm>>
      %dma_start3A_223 = tpu.memref_squeeze %dma_start3A_222 : memref<1x64xf32, #tpu.memory_space<hbm>> -> memref<64xf32, #tpu.memory_space<hbm>>
      tpu.enqueue_dma source(%dma_start3A_223 : memref<64xf32, #tpu.memory_space<hbm>>) target(%dma_start3A_220 : memref<64xf32, #tpu.memory_space<vmem_shared>>) target_semaphore(%arg15 : memref<!tpu.dma_semaphore, #tpu.memory_space<semaphore_mem>>)
      %slice3A_224 = vector.extract_strided_slice %get3A_93 {offsets = [6], sizes = [1], strides = [1]} : vector<16xi32> to vector<1xi32>
      %squeeze3A_225 = vector.extract %slice3A_224[0] : i32 from vector<1xi32>
      %dma_start3A_226 = arith.constant 0 : i32
      %dma_start3A_227 = tpu.memref_slice %arg12[%arg1, %add3A_215, %dma_start3A_226] : memref<16x128x128xf32, #tpu.memory_space<vmem_shared>> -> memref<1x1x64xf32, #tpu.memory_space<vmem_shared>>
      %dma_start3A_228 = tpu.memref_squeeze %dma_start3A_227 : memref<1x1x64xf32, #tpu.memory_space<vmem_shared>> -> memref<64xf32, #tpu.memory_space<vmem_shared>>
      %dma_start3A_229 = arith.constant 0 : i32
      %dma_start3A_230 = tpu.memref_slice %arg5[%squeeze3A_225, %dma_start3A_229] : memref<1000001x64xf32, #tpu.memory_space<hbm>> -> memref<1x64xf32, #tpu.memory_space<hbm>>
      %dma_start3A_231 = tpu.memref_squeeze %dma_start3A_230 : memref<1x64xf32, #tpu.memory_space<hbm>> -> memref<64xf32, #tpu.memory_space<hbm>>
      tpu.enqueue_dma source(%dma_start3A_231 : memref<64xf32, #tpu.memory_space<hbm>>) target(%dma_start3A_228 : memref<64xf32, #tpu.memory_space<vmem_shared>>) target_semaphore(%arg16 : memref<!tpu.dma_semaphore, #tpu.memory_space<semaphore_mem>>)
      %mul3A_232 = arith.constant 8 : i32
      %mul3A_233 = arith.muli %scan3A_80, %mul3A_232 : i32
      %add3A_234 = arith.constant 3 : i32
      %add3A_235 = arith.addi %mul3A_233, %add3A_234 : i32
      %slice3A_236 = vector.extract_strided_slice %get3A_86 {offsets = [7], sizes = [1], strides = [1]} : vector<16xi32> to vector<1xi32>
      %squeeze3A_237 = vector.extract %slice3A_236[0] : i32 from vector<1xi32>
      %dma_start3A_238 = arith.constant 64 : i32
      %dma_start3A_239 = tpu.memref_slice %arg11[%arg1, %add3A_235, %dma_start3A_238] : memref<16x128x128xf32, #tpu.memory_space<vmem_shared>> -> memref<1x1x64xf32, #tpu.memory_space<vmem_shared>>
      %dma_start3A_240 = tpu.memref_squeeze %dma_start3A_239 : memref<1x1x64xf32, #tpu.memory_space<vmem_shared>> -> memref<64xf32, #tpu.memory_space<vmem_shared>>
      %dma_start3A_241 = arith.constant 0 : i32
      %dma_start3A_242 = tpu.memref_slice %arg4[%squeeze3A_237, %dma_start3A_241] : memref<1000001x64xf32, #tpu.memory_space<hbm>> -> memref<1x64xf32, #tpu.memory_space<hbm>>
      %dma_start3A_243 = tpu.memref_squeeze %dma_start3A_242 : memref<1x64xf32, #tpu.memory_space<hbm>> -> memref<64xf32, #tpu.memory_space<hbm>>
      tpu.enqueue_dma source(%dma_start3A_243 : memref<64xf32, #tpu.memory_space<hbm>>) target(%dma_start3A_240 : memref<64xf32, #tpu.memory_space<vmem_shared>>) target_semaphore(%arg15 : memref<!tpu.dma_semaphore, #tpu.memory_space<semaphore_mem>>)
      %slice3A_244 = vector.extract_strided_slice %get3A_93 {offsets = [7], sizes = [1], strides = [1]} : vector<16xi32> to vector<1xi32>
      %squeeze3A_245 = vector.extract %slice3A_244[0] : i32 from vector<1xi32>
      %dma_start3A_246 = arith.constant 64 : i32
      %dma_start3A_247 = tpu.memref_slice %arg12[%arg1, %add3A_235, %dma_start3A_246] : memref<16x128x128xf32, #tpu.memory_space<vmem_shared>> -> memref<1x1x64xf32, #tpu.memory_space<vmem_shared>>
      %dma_start3A_248 = tpu.memref_squeeze %dma_start3A_247 : memref<1x1x64xf32, #tpu.memory_space<vmem_shared>> -> memref<64xf32, #tpu.memory_space<vmem_shared>>
      %dma_start3A_249 = arith.constant 0 : i32
      %dma_start3A_250 = tpu.memref_slice %arg5[%squeeze3A_245, %dma_start3A_249] : memref<1000001x64xf32, #tpu.memory_space<hbm>> -> memref<1x64xf32, #tpu.memory_space<hbm>>
      %dma_start3A_251 = tpu.memref_squeeze %dma_start3A_250 : memref<1x64xf32, #tpu.memory_space<hbm>> -> memref<64xf32, #tpu.memory_space<hbm>>
      tpu.enqueue_dma source(%dma_start3A_251 : memref<64xf32, #tpu.memory_space<hbm>>) target(%dma_start3A_248 : memref<64xf32, #tpu.memory_space<vmem_shared>>) target_semaphore(%arg16 : memref<!tpu.dma_semaphore, #tpu.memory_space<semaphore_mem>>)
      %mul3A_252 = arith.constant 8 : i32
      %mul3A_253 = arith.muli %scan3A_80, %mul3A_252 : i32
      %add3A_254 = arith.constant 4 : i32
      %add3A_255 = arith.addi %mul3A_253, %add3A_254 : i32
      %slice3A_256 = vector.extract_strided_slice %get3A_86 {offsets = [8], sizes = [1], strides = [1]} : vector<16xi32> to vector<1xi32>
      %squeeze3A_257 = vector.extract %slice3A_256[0] : i32 from vector<1xi32>
      %dma_start3A_258 = arith.constant 0 : i32
      %dma_start3A_259 = tpu.memref_slice %arg11[%arg1, %add3A_255, %dma_start3A_258] : memref<16x128x128xf32, #tpu.memory_space<vmem_shared>> -> memref<1x1x64xf32, #tpu.memory_space<vmem_shared>>
      %dma_start3A_260 = tpu.memref_squeeze %dma_start3A_259 : memref<1x1x64xf32, #tpu.memory_space<vmem_shared>> -> memref<64xf32, #tpu.memory_space<vmem_shared>>
      %dma_start3A_261 = arith.constant 0 : i32
      %dma_start3A_262 = tpu.memref_slice %arg4[%squeeze3A_257, %dma_start3A_261] : memref<1000001x64xf32, #tpu.memory_space<hbm>> -> memref<1x64xf32, #tpu.memory_space<hbm>>
      %dma_start3A_263 = tpu.memref_squeeze %dma_start3A_262 : memref<1x64xf32, #tpu.memory_space<hbm>> -> memref<64xf32, #tpu.memory_space<hbm>>
      tpu.enqueue_dma source(%dma_start3A_263 : memref<64xf32, #tpu.memory_space<hbm>>) target(%dma_start3A_260 : memref<64xf32, #tpu.memory_space<vmem_shared>>) target_semaphore(%arg15 : memref<!tpu.dma_semaphore, #tpu.memory_space<semaphore_mem>>)
      %slice3A_264 = vector.extract_strided_slice %get3A_93 {offsets = [8], sizes = [1], strides = [1]} : vector<16xi32> to vector<1xi32>
      %squeeze3A_265 = vector.extract %slice3A_264[0] : i32 from vector<1xi32>
      %dma_start3A_266 = arith.constant 0 : i32
      %dma_start3A_267 = tpu.memref_slice %arg12[%arg1, %add3A_255, %dma_start3A_266] : memref<16x128x128xf32, #tpu.memory_space<vmem_shared>> -> memref<1x1x64xf32, #tpu.memory_space<vmem_shared>>
      %dma_start3A_268 = tpu.memref_squeeze %dma_start3A_267 : memref<1x1x64xf32, #tpu.memory_space<vmem_shared>> -> memref<64xf32, #tpu.memory_space<vmem_shared>>
      %dma_start3A_269 = arith.constant 0 : i32
      %dma_start3A_270 = tpu.memref_slice %arg5[%squeeze3A_265, %dma_start3A_269] : memref<1000001x64xf32, #tpu.memory_space<hbm>> -> memref<1x64xf32, #tpu.memory_space<hbm>>
      %dma_start3A_271 = tpu.memref_squeeze %dma_start3A_270 : memref<1x64xf32, #tpu.memory_space<hbm>> -> memref<64xf32, #tpu.memory_space<hbm>>
      tpu.enqueue_dma source(%dma_start3A_271 : memref<64xf32, #tpu.memory_space<hbm>>) target(%dma_start3A_268 : memref<64xf32, #tpu.memory_space<vmem_shared>>) target_semaphore(%arg16 : memref<!tpu.dma_semaphore, #tpu.memory_space<semaphore_mem>>)
      %mul3A_272 = arith.constant 8 : i32
      %mul3A_273 = arith.muli %scan3A_80, %mul3A_272 : i32
      %add3A_274 = arith.constant 4 : i32
      %add3A_275 = arith.addi %mul3A_273, %add3A_274 : i32
      %slice3A_276 = vector.extract_strided_slice %get3A_86 {offsets = [9], sizes = [1], strides = [1]} : vector<16xi32> to vector<1xi32>
      %squeeze3A_277 = vector.extract %slice3A_276[0] : i32 from vector<1xi32>
      %dma_start3A_278 = arith.constant 64 : i32
      %dma_start3A_279 = tpu.memref_slice %arg11[%arg1, %add3A_275, %dma_start3A_278] : memref<16x128x128xf32, #tpu.memory_space<vmem_shared>> -> memref<1x1x64xf32, #tpu.memory_space<vmem_shared>>
      %dma_start3A_280 = tpu.memref_squeeze %dma_start3A_279 : memref<1x1x64xf32, #tpu.memory_space<vmem_shared>> -> memref<64xf32, #tpu.memory_space<vmem_shared>>
      %dma_start3A_281 = arith.constant 0 : i32
      %dma_start3A_282 = tpu.memref_slice %arg4[%squeeze3A_277, %dma_start3A_281] : memref<1000001x64xf32, #tpu.memory_space<hbm>> -> memref<1x64xf32, #tpu.memory_space<hbm>>
      %dma_start3A_283 = tpu.memref_squeeze %dma_start3A_282 : memref<1x64xf32, #tpu.memory_space<hbm>> -> memref<64xf32, #tpu.memory_space<hbm>>
      tpu.enqueue_dma source(%dma_start3A_283 : memref<64xf32, #tpu.memory_space<hbm>>) target(%dma_start3A_280 : memref<64xf32, #tpu.memory_space<vmem_shared>>) target_semaphore(%arg15 : memref<!tpu.dma_semaphore, #tpu.memory_space<semaphore_mem>>)
      %slice3A_284 = vector.extract_strided_slice %get3A_93 {offsets = [9], sizes = [1], strides = [1]} : vector<16xi32> to vector<1xi32>
      %squeeze3A_285 = vector.extract %slice3A_284[0] : i32 from vector<1xi32>
      %dma_start3A_286 = arith.constant 64 : i32
      %dma_start3A_287 = tpu.memref_slice %arg12[%arg1, %add3A_275, %dma_start3A_286] : memref<16x128x128xf32, #tpu.memory_space<vmem_shared>> -> memref<1x1x64xf32, #tpu.memory_space<vmem_shared>>
      %dma_start3A_288 = tpu.memref_squeeze %dma_start3A_287 : memref<1x1x64xf32, #tpu.memory_space<vmem_shared>> -> memref<64xf32, #tpu.memory_space<vmem_shared>>
      %dma_start3A_289 = arith.constant 0 : i32
      %dma_start3A_290 = tpu.memref_slice %arg5[%squeeze3A_285, %dma_start3A_289] : memref<1000001x64xf32, #tpu.memory_space<hbm>> -> memref<1x64xf32, #tpu.memory_space<hbm>>
      %dma_start3A_291 = tpu.memref_squeeze %dma_start3A_290 : memref<1x64xf32, #tpu.memory_space<hbm>> -> memref<64xf32, #tpu.memory_space<hbm>>
      tpu.enqueue_dma source(%dma_start3A_291 : memref<64xf32, #tpu.memory_space<hbm>>) target(%dma_start3A_288 : memref<64xf32, #tpu.memory_space<vmem_shared>>) target_semaphore(%arg16 : memref<!tpu.dma_semaphore, #tpu.memory_space<semaphore_mem>>)
      %mul3A_292 = arith.constant 8 : i32
      %mul3A_293 = arith.muli %scan3A_80, %mul3A_292 : i32
      %add3A_294 = arith.constant 5 : i32
      %add3A_295 = arith.addi %mul3A_293, %add3A_294 : i32
      %slice3A_296 = vector.extract_strided_slice %get3A_86 {offsets = [10], sizes = [1], strides = [1]} : vector<16xi32> to vector<1xi32>
      %squeeze3A_297 = vector.extract %slice3A_296[0] : i32 from vector<1xi32>
      %dma_start3A_298 = arith.constant 0 : i32
      %dma_start3A_299 = tpu.memref_slice %arg11[%arg1, %add3A_295, %dma_start3A_298] : memref<16x128x128xf32, #tpu.memory_space<vmem_shared>> -> memref<1x1x64xf32, #tpu.memory_space<vmem_shared>>
      %dma_start3A_300 = tpu.memref_squeeze %dma_start3A_299 : memref<1x1x64xf32, #tpu.memory_space<vmem_shared>> -> memref<64xf32, #tpu.memory_space<vmem_shared>>
      %dma_start3A_301 = arith.constant 0 : i32
      %dma_start3A_302 = tpu.memref_slice %arg4[%squeeze3A_297, %dma_start3A_301] : memref<1000001x64xf32, #tpu.memory_space<hbm>> -> memref<1x64xf32, #tpu.memory_space<hbm>>
      %dma_start3A_303 = tpu.memref_squeeze %dma_start3A_302 : memref<1x64xf32, #tpu.memory_space<hbm>> -> memref<64xf32, #tpu.memory_space<hbm>>
      tpu.enqueue_dma source(%dma_start3A_303 : memref<64xf32, #tpu.memory_space<hbm>>) target(%dma_start3A_300 : memref<64xf32, #tpu.memory_space<vmem_shared>>) target_semaphore(%arg15 : memref<!tpu.dma_semaphore, #tpu.memory_space<semaphore_mem>>)
      %slice3A_304 = vector.extract_strided_slice %get3A_93 {offsets = [10], sizes = [1], strides = [1]} : vector<16xi32> to vector<1xi32>
      %squeeze3A_305 = vector.extract %slice3A_304[0] : i32 from vector<1xi32>
      %dma_start3A_306 = arith.constant 0 : i32
      %dma_start3A_307 = tpu.memref_slice %arg12[%arg1, %add3A_295, %dma_start3A_306] : memref<16x128x128xf32, #tpu.memory_space<vmem_shared>> -> memref<1x1x64xf32, #tpu.memory_space<vmem_shared>>
      %dma_start3A_308 = tpu.memref_squeeze %dma_start3A_307 : memref<1x1x64xf32, #tpu.memory_space<vmem_shared>> -> memref<64xf32, #tpu.memory_space<vmem_shared>>
      %dma_start3A_309 = arith.constant 0 : i32
      %dma_start3A_310 = tpu.memref_slice %arg5[%squeeze3A_305, %dma_start3A_309] : memref<1000001x64xf32, #tpu.memory_space<hbm>> -> memref<1x64xf32, #tpu.memory_space<hbm>>
      %dma_start3A_311 = tpu.memref_squeeze %dma_start3A_310 : memref<1x64xf32, #tpu.memory_space<hbm>> -> memref<64xf32, #tpu.memory_space<hbm>>
      tpu.enqueue_dma source(%dma_start3A_311 : memref<64xf32, #tpu.memory_space<hbm>>) target(%dma_start3A_308 : memref<64xf32, #tpu.memory_space<vmem_shared>>) target_semaphore(%arg16 : memref<!tpu.dma_semaphore, #tpu.memory_space<semaphore_mem>>)
      %mul3A_312 = arith.constant 8 : i32
      %mul3A_313 = arith.muli %scan3A_80, %mul3A_312 : i32
      %add3A_314 = arith.constant 5 : i32
      %add3A_315 = arith.addi %mul3A_313, %add3A_314 : i32
      %slice3A_316 = vector.extract_strided_slice %get3A_86 {offsets = [11], sizes = [1], strides = [1]} : vector<16xi32> to vector<1xi32>
      %squeeze3A_317 = vector.extract %slice3A_316[0] : i32 from vector<1xi32>
      %dma_start3A_318 = arith.constant 64 : i32
      %dma_start3A_319 = tpu.memref_slice %arg11[%arg1, %add3A_315, %dma_start3A_318] : memref<16x128x128xf32, #tpu.memory_space<vmem_shared>> -> memref<1x1x64xf32, #tpu.memory_space<vmem_shared>>
      %dma_start3A_320 = tpu.memref_squeeze %dma_start3A_319 : memref<1x1x64xf32, #tpu.memory_space<vmem_shared>> -> memref<64xf32, #tpu.memory_space<vmem_shared>>
      %dma_start3A_321 = arith.constant 0 : i32
      %dma_start3A_322 = tpu.memref_slice %arg4[%squeeze3A_317, %dma_start3A_321] : memref<1000001x64xf32, #tpu.memory_space<hbm>> -> memref<1x64xf32, #tpu.memory_space<hbm>>
      %dma_start3A_323 = tpu.memref_squeeze %dma_start3A_322 : memref<1x64xf32, #tpu.memory_space<hbm>> -> memref<64xf32, #tpu.memory_space<hbm>>
      tpu.enqueue_dma source(%dma_start3A_323 : memref<64xf32, #tpu.memory_space<hbm>>) target(%dma_start3A_320 : memref<64xf32, #tpu.memory_space<vmem_shared>>) target_semaphore(%arg15 : memref<!tpu.dma_semaphore, #tpu.memory_space<semaphore_mem>>)
      %slice3A_324 = vector.extract_strided_slice %get3A_93 {offsets = [11], sizes = [1], strides = [1]} : vector<16xi32> to vector<1xi32>
      %squeeze3A_325 = vector.extract %slice3A_324[0] : i32 from vector<1xi32>
      %dma_start3A_326 = arith.constant 64 : i32
      %dma_start3A_327 = tpu.memref_slice %arg12[%arg1, %add3A_315, %dma_start3A_326] : memref<16x128x128xf32, #tpu.memory_space<vmem_shared>> -> memref<1x1x64xf32, #tpu.memory_space<vmem_shared>>
      %dma_start3A_328 = tpu.memref_squeeze %dma_start3A_327 : memref<1x1x64xf32, #tpu.memory_space<vmem_shared>> -> memref<64xf32, #tpu.memory_space<vmem_shared>>
      %dma_start3A_329 = arith.constant 0 : i32
      %dma_start3A_330 = tpu.memref_slice %arg5[%squeeze3A_325, %dma_start3A_329] : memref<1000001x64xf32, #tpu.memory_space<hbm>> -> memref<1x64xf32, #tpu.memory_space<hbm>>
      %dma_start3A_331 = tpu.memref_squeeze %dma_start3A_330 : memref<1x64xf32, #tpu.memory_space<hbm>> -> memref<64xf32, #tpu.memory_space<hbm>>
      tpu.enqueue_dma source(%dma_start3A_331 : memref<64xf32, #tpu.memory_space<hbm>>) target(%dma_start3A_328 : memref<64xf32, #tpu.memory_space<vmem_shared>>) target_semaphore(%arg16 : memref<!tpu.dma_semaphore, #tpu.memory_space<semaphore_mem>>)
      %mul3A_332 = arith.constant 8 : i32
      %mul3A_333 = arith.muli %scan3A_80, %mul3A_332 : i32
      %add3A_334 = arith.constant 6 : i32
      %add3A_335 = arith.addi %mul3A_333, %add3A_334 : i32
      %slice3A_336 = vector.extract_strided_slice %get3A_86 {offsets = [12], sizes = [1], strides = [1]} : vector<16xi32> to vector<1xi32>
      %squeeze3A_337 = vector.extract %slice3A_336[0] : i32 from vector<1xi32>
      %dma_start3A_338 = arith.constant 0 : i32
      %dma_start3A_339 = tpu.memref_slice %arg11[%arg1, %add3A_335, %dma_start3A_338] : memref<16x128x128xf32, #tpu.memory_space<vmem_shared>> -> memref<1x1x64xf32, #tpu.memory_space<vmem_shared>>
      %dma_start3A_340 = tpu.memref_squeeze %dma_start3A_339 : memref<1x1x64xf32, #tpu.memory_space<vmem_shared>> -> memref<64xf32, #tpu.memory_space<vmem_shared>>
      %dma_start3A_341 = arith.constant 0 : i32
      %dma_start3A_342 = tpu.memref_slice %arg4[%squeeze3A_337, %dma_start3A_341] : memref<1000001x64xf32, #tpu.memory_space<hbm>> -> memref<1x64xf32, #tpu.memory_space<hbm>>
      %dma_start3A_343 = tpu.memref_squeeze %dma_start3A_342 : memref<1x64xf32, #tpu.memory_space<hbm>> -> memref<64xf32, #tpu.memory_space<hbm>>
      tpu.enqueue_dma source(%dma_start3A_343 : memref<64xf32, #tpu.memory_space<hbm>>) target(%dma_start3A_340 : memref<64xf32, #tpu.memory_space<vmem_shared>>) target_semaphore(%arg15 : memref<!tpu.dma_semaphore, #tpu.memory_space<semaphore_mem>>)
      %slice3A_344 = vector.extract_strided_slice %get3A_93 {offsets = [12], sizes = [1], strides = [1]} : vector<16xi32> to vector<1xi32>
      %squeeze3A_345 = vector.extract %slice3A_344[0] : i32 from vector<1xi32>
      %dma_start3A_346 = arith.constant 0 : i32
      %dma_start3A_347 = tpu.memref_slice %arg12[%arg1, %add3A_335, %dma_start3A_346] : memref<16x128x128xf32, #tpu.memory_space<vmem_shared>> -> memref<1x1x64xf32, #tpu.memory_space<vmem_shared>>
      %dma_start3A_348 = tpu.memref_squeeze %dma_start3A_347 : memref<1x1x64xf32, #tpu.memory_space<vmem_shared>> -> memref<64xf32, #tpu.memory_space<vmem_shared>>
      %dma_start3A_349 = arith.constant 0 : i32
      %dma_start3A_350 = tpu.memref_slice %arg5[%squeeze3A_345, %dma_start3A_349] : memref<1000001x64xf32, #tpu.memory_space<hbm>> -> memref<1x64xf32, #tpu.memory_space<hbm>>
      %dma_start3A_351 = tpu.memref_squeeze %dma_start3A_350 : memref<1x64xf32, #tpu.memory_space<hbm>> -> memref<64xf32, #tpu.memory_space<hbm>>
      tpu.enqueue_dma source(%dma_start3A_351 : memref<64xf32, #tpu.memory_space<hbm>>) target(%dma_start3A_348 : memref<64xf32, #tpu.memory_space<vmem_shared>>) target_semaphore(%arg16 : memref<!tpu.dma_semaphore, #tpu.memory_space<semaphore_mem>>)
      %mul3A_352 = arith.constant 8 : i32
      %mul3A_353 = arith.muli %scan3A_80, %mul3A_352 : i32
      %add3A_354 = arith.constant 6 : i32
      %add3A_355 = arith.addi %mul3A_353, %add3A_354 : i32
      %slice3A_356 = vector.extract_strided_slice %get3A_86 {offsets = [13], sizes = [1], strides = [1]} : vector<16xi32> to vector<1xi32>
      %squeeze3A_357 = vector.extract %slice3A_356[0] : i32 from vector<1xi32>
      %dma_start3A_358 = arith.constant 64 : i32
      %dma_start3A_359 = tpu.memref_slice %arg11[%arg1, %add3A_355, %dma_start3A_358] : memref<16x128x128xf32, #tpu.memory_space<vmem_shared>> -> memref<1x1x64xf32, #tpu.memory_space<vmem_shared>>
      %dma_start3A_360 = tpu.memref_squeeze %dma_start3A_359 : memref<1x1x64xf32, #tpu.memory_space<vmem_shared>> -> memref<64xf32, #tpu.memory_space<vmem_shared>>
      %dma_start3A_361 = arith.constant 0 : i32
      %dma_start3A_362 = tpu.memref_slice %arg4[%squeeze3A_357, %dma_start3A_361] : memref<1000001x64xf32, #tpu.memory_space<hbm>> -> memref<1x64xf32, #tpu.memory_space<hbm>>
      %dma_start3A_363 = tpu.memref_squeeze %dma_start3A_362 : memref<1x64xf32, #tpu.memory_space<hbm>> -> memref<64xf32, #tpu.memory_space<hbm>>
      tpu.enqueue_dma source(%dma_start3A_363 : memref<64xf32, #tpu.memory_space<hbm>>) target(%dma_start3A_360 : memref<64xf32, #tpu.memory_space<vmem_shared>>) target_semaphore(%arg15 : memref<!tpu.dma_semaphore, #tpu.memory_space<semaphore_mem>>)
      %slice3A_364 = vector.extract_strided_slice %get3A_93 {offsets = [13], sizes = [1], strides = [1]} : vector<16xi32> to vector<1xi32>
      %squeeze3A_365 = vector.extract %slice3A_364[0] : i32 from vector<1xi32>
      %dma_start3A_366 = arith.constant 64 : i32
      %dma_start3A_367 = tpu.memref_slice %arg12[%arg1, %add3A_355, %dma_start3A_366] : memref<16x128x128xf32, #tpu.memory_space<vmem_shared>> -> memref<1x1x64xf32, #tpu.memory_space<vmem_shared>>
      %dma_start3A_368 = tpu.memref_squeeze %dma_start3A_367 : memref<1x1x64xf32, #tpu.memory_space<vmem_shared>> -> memref<64xf32, #tpu.memory_space<vmem_shared>>
      %dma_start3A_369 = arith.constant 0 : i32
      %dma_start3A_370 = tpu.memref_slice %arg5[%squeeze3A_365, %dma_start3A_369] : memref<1000001x64xf32, #tpu.memory_space<hbm>> -> memref<1x64xf32, #tpu.memory_space<hbm>>
      %dma_start3A_371 = tpu.memref_squeeze %dma_start3A_370 : memref<1x64xf32, #tpu.memory_space<hbm>> -> memref<64xf32, #tpu.memory_space<hbm>>
      tpu.enqueue_dma source(%dma_start3A_371 : memref<64xf32, #tpu.memory_space<hbm>>) target(%dma_start3A_368 : memref<64xf32, #tpu.memory_space<vmem_shared>>) target_semaphore(%arg16 : memref<!tpu.dma_semaphore, #tpu.memory_space<semaphore_mem>>)
      %mul3A_372 = arith.constant 8 : i32
      %mul3A_373 = arith.muli %scan3A_80, %mul3A_372 : i32
      %add3A_374 = arith.constant 7 : i32
      %add3A_375 = arith.addi %mul3A_373, %add3A_374 : i32
      %slice3A_376 = vector.extract_strided_slice %get3A_86 {offsets = [14], sizes = [1], strides = [1]} : vector<16xi32> to vector<1xi32>
      %squeeze3A_377 = vector.extract %slice3A_376[0] : i32 from vector<1xi32>
      %dma_start3A_378 = arith.constant 0 : i32
      %dma_start3A_379 = tpu.memref_slice %arg11[%arg1, %add3A_375, %dma_start3A_378] : memref<16x128x128xf32, #tpu.memory_space<vmem_shared>> -> memref<1x1x64xf32, #tpu.memory_space<vmem_shared>>
      %dma_start3A_380 = tpu.memref_squeeze %dma_start3A_379 : memref<1x1x64xf32, #tpu.memory_space<vmem_shared>> -> memref<64xf32, #tpu.memory_space<vmem_shared>>
      %dma_start3A_381 = arith.constant 0 : i32
      %dma_start3A_382 = tpu.memref_slice %arg4[%squeeze3A_377, %dma_start3A_381] : memref<1000001x64xf32, #tpu.memory_space<hbm>> -> memref<1x64xf32, #tpu.memory_space<hbm>>
      %dma_start3A_383 = tpu.memref_squeeze %dma_start3A_382 : memref<1x64xf32, #tpu.memory_space<hbm>> -> memref<64xf32, #tpu.memory_space<hbm>>
      tpu.enqueue_dma source(%dma_start3A_383 : memref<64xf32, #tpu.memory_space<hbm>>) target(%dma_start3A_380 : memref<64xf32, #tpu.memory_space<vmem_shared>>) target_semaphore(%arg15 : memref<!tpu.dma_semaphore, #tpu.memory_space<semaphore_mem>>)
      %slice3A_384 = vector.extract_strided_slice %get3A_93 {offsets = [14], sizes = [1], strides = [1]} : vector<16xi32> to vector<1xi32>
      %squeeze3A_385 = vector.extract %slice3A_384[0] : i32 from vector<1xi32>
      %dma_start3A_386 = arith.constant 0 : i32
      %dma_start3A_387 = tpu.memref_slice %arg12[%arg1, %add3A_375, %dma_start3A_386] : memref<16x128x128xf32, #tpu.memory_space<vmem_shared>> -> memref<1x1x64xf32, #tpu.memory_space<vmem_shared>>
      %dma_start3A_388 = tpu.memref_squeeze %dma_start3A_387 : memref<1x1x64xf32, #tpu.memory_space<vmem_shared>> -> memref<64xf32, #tpu.memory_space<vmem_shared>>
      %dma_start3A_389 = arith.constant 0 : i32
      %dma_start3A_390 = tpu.memref_slice %arg5[%squeeze3A_385, %dma_start3A_389] : memref<1000001x64xf32, #tpu.memory_space<hbm>> -> memref<1x64xf32, #tpu.memory_space<hbm>>
      %dma_start3A_391 = tpu.memref_squeeze %dma_start3A_390 : memref<1x64xf32, #tpu.memory_space<hbm>> -> memref<64xf32, #tpu.memory_space<hbm>>
      tpu.enqueue_dma source(%dma_start3A_391 : memref<64xf32, #tpu.memory_space<hbm>>) target(%dma_start3A_388 : memref<64xf32, #tpu.memory_space<vmem_shared>>) target_semaphore(%arg16 : memref<!tpu.dma_semaphore, #tpu.memory_space<semaphore_mem>>)
      %mul3A_392 = arith.constant 8 : i32
      %mul3A_393 = arith.muli %scan3A_80, %mul3A_392 : i32
      %add3A_394 = arith.constant 7 : i32
      %add3A_395 = arith.addi %mul3A_393, %add3A_394 : i32
      %slice3A_396 = vector.extract_strided_slice %get3A_86 {offsets = [15], sizes = [1], strides = [1]} : vector<16xi32> to vector<1xi32>
      %squeeze3A_397 = vector.extract %slice3A_396[0] : i32 from vector<1xi32>
      %dma_start3A_398 = arith.constant 64 : i32
      %dma_start3A_399 = tpu.memref_slice %arg11[%arg1, %add3A_395, %dma_start3A_398] : memref<16x128x128xf32, #tpu.memory_space<vmem_shared>> -> memref<1x1x64xf32, #tpu.memory_space<vmem_shared>>
      %dma_start3A_400 = tpu.memref_squeeze %dma_start3A_399 : memref<1x1x64xf32, #tpu.memory_space<vmem_shared>> -> memref<64xf32, #tpu.memory_space<vmem_shared>>
      %dma_start3A_401 = arith.constant 0 : i32
      %dma_start3A_402 = tpu.memref_slice %arg4[%squeeze3A_397, %dma_start3A_401] : memref<1000001x64xf32, #tpu.memory_space<hbm>> -> memref<1x64xf32, #tpu.memory_space<hbm>>
      %dma_start3A_403 = tpu.memref_squeeze %dma_start3A_402 : memref<1x64xf32, #tpu.memory_space<hbm>> -> memref<64xf32, #tpu.memory_space<hbm>>
      tpu.enqueue_dma source(%dma_start3A_403 : memref<64xf32, #tpu.memory_space<hbm>>) target(%dma_start3A_400 : memref<64xf32, #tpu.memory_space<vmem_shared>>) target_semaphore(%arg15 : memref<!tpu.dma_semaphore, #tpu.memory_space<semaphore_mem>>)
      %slice3A_404 = vector.extract_strided_slice %get3A_93 {offsets = [15], sizes = [1], strides = [1]} : vector<16xi32> to vector<1xi32>
      %squeeze3A_405 = vector.extract %slice3A_404[0] : i32 from vector<1xi32>
      %dma_start3A_406 = arith.constant 64 : i32
      %dma_start3A_407 = tpu.memref_slice %arg12[%arg1, %add3A_395, %dma_start3A_406] : memref<16x128x128xf32, #tpu.memory_space<vmem_shared>> -> memref<1x1x64xf32, #tpu.memory_space<vmem_shared>>
      %dma_start3A_408 = tpu.memref_squeeze %dma_start3A_407 : memref<1x1x64xf32, #tpu.memory_space<vmem_shared>> -> memref<64xf32, #tpu.memory_space<vmem_shared>>
      %dma_start3A_409 = arith.constant 0 : i32
      %dma_start3A_410 = tpu.memref_slice %arg5[%squeeze3A_405, %dma_start3A_409] : memref<1000001x64xf32, #tpu.memory_space<hbm>> -> memref<1x64xf32, #tpu.memory_space<hbm>>
      %dma_start3A_411 = tpu.memref_squeeze %dma_start3A_410 : memref<1x64xf32, #tpu.memory_space<hbm>> -> memref<64xf32, #tpu.memory_space<hbm>>
      tpu.enqueue_dma source(%dma_start3A_411 : memref<64xf32, #tpu.memory_space<hbm>>) target(%dma_start3A_408 : memref<64xf32, #tpu.memory_space<vmem_shared>>) target_semaphore(%arg16 : memref<!tpu.dma_semaphore, #tpu.memory_space<semaphore_mem>>)
    }
    %scan3A_13 = arith.constant 16 : i32
    %scan3A_14 = arith.constant 0 : i32
    %scan3A_15 = arith.constant 0 : i32
    %scan3A_16 = arith.constant 64 : i32
    %scan3A_17 = arith.addi %scan3A_15, %scan3A_16 : i32
    %scan3A_18 = arith.constant 1 : i32
    scf.for %scan3A_80 = %scan3A_15 to %scan3A_17 step %scan3A_18  : i32 {
      %dma_wait3A_81 = arith.constant 0 : i32
      %dma_wait3A_82 = arith.constant 0 : i32
      %dma_wait3A_83 = arith.constant 0 : i32
      %dma_wait3A_84 = arith.constant 0 : i32
      %dma_wait3A_85 = tpu.memref_slice %arg9[%dma_wait3A_82, %dma_wait3A_84] : memref<256x128xf32, #tpu.memory_space<vmem>> -> memref<1x64xf32, #tpu.memory_space<vmem>>
      %dma_wait3A_86 = tpu.memref_squeeze %dma_wait3A_85 : memref<1x64xf32, #tpu.memory_space<vmem>> -> memref<64xf32, #tpu.memory_space<vmem>>
      %dma_wait3A_87 = arith.constant 0 : i32
      %dma_wait3A_88 = tpu.memref_slice %arg4[%dma_wait3A_81, %dma_wait3A_87] : memref<1000001x64xf32, #tpu.memory_space<hbm>> -> memref<1x64xf32, #tpu.memory_space<hbm>>
      %dma_wait3A_89 = tpu.memref_squeeze %dma_wait3A_88 : memref<1x64xf32, #tpu.memory_space<hbm>> -> memref<64xf32, #tpu.memory_space<hbm>>
      %dma_wait3A_90 = tpu.memref_slice %arg13[%dma_wait3A_83] : memref<4x!tpu.dma_semaphore, #tpu.memory_space<semaphore_mem>> -> memref<1x!tpu.dma_semaphore, #tpu.memory_space<semaphore_mem>>
      %dma_wait3A_91 = tpu.memref_squeeze %dma_wait3A_90 : memref<1x!tpu.dma_semaphore, #tpu.memory_space<semaphore_mem>> -> memref<!tpu.dma_semaphore, #tpu.memory_space<semaphore_mem>>
      %dma_wait3A_92 = arith.constant 0 : i32
      %dma_wait3A_93 = tpu.memref_slice %arg9[%dma_wait3A_82, %dma_wait3A_92] : memref<256x128xf32, #tpu.memory_space<vmem>> -> memref<1x64xf32, #tpu.memory_space<vmem>>
      %dma_wait3A_94 = tpu.memref_squeeze %dma_wait3A_93 : memref<1x64xf32, #tpu.memory_space<vmem>> -> memref<64xf32, #tpu.memory_space<vmem>>
      %dma_wait3A_95 = arith.constant 0 : i32
      %dma_wait3A_96 = tpu.memref_slice %arg4[%dma_wait3A_81, %dma_wait3A_95] : memref<1000001x64xf32, #tpu.memory_space<hbm>> -> memref<1x64xf32, #tpu.memory_space<hbm>>
      %dma_wait3A_97 = tpu.memref_squeeze %dma_wait3A_96 : memref<1x64xf32, #tpu.memory_space<hbm>> -> memref<64xf32, #tpu.memory_space<hbm>>
      tpu.wait_dma2 semaphore(%dma_wait3A_91 : memref<!tpu.dma_semaphore, #tpu.memory_space<semaphore_mem>>) src(%dma_wait3A_97 : memref<64xf32, #tpu.memory_space<hbm>>) dst(%dma_wait3A_94 : memref<64xf32, #tpu.memory_space<vmem>>)
      %dma_wait3A_98 = arith.constant 0 : i32
      %dma_wait3A_99 = arith.constant 0 : i32
      %dma_wait3A_100 = arith.constant 0 : i32
      %dma_wait3A_101 = arith.constant 0 : i32
      %dma_wait3A_102 = tpu.memref_slice %arg10[%dma_wait3A_99, %dma_wait3A_101] : memref<256x128xf32, #tpu.memory_space<vmem>> -> memref<1x64xf32, #tpu.memory_space<vmem>>
      %dma_wait3A_103 = tpu.memref_squeeze %dma_wait3A_102 : memref<1x64xf32, #tpu.memory_space<vmem>> -> memref<64xf32, #tpu.memory_space<vmem>>
      %dma_wait3A_104 = arith.constant 0 : i32
      %dma_wait3A_105 = tpu.memref_slice %arg5[%dma_wait3A_98, %dma_wait3A_104] : memref<1000001x64xf32, #tpu.memory_space<hbm>> -> memref<1x64xf32, #tpu.memory_space<hbm>>
      %dma_wait3A_106 = tpu.memref_squeeze %dma_wait3A_105 : memref<1x64xf32, #tpu.memory_space<hbm>> -> memref<64xf32, #tpu.memory_space<hbm>>
      %dma_wait3A_107 = tpu.memref_slice %arg14[%dma_wait3A_100] : memref<4x!tpu.dma_semaphore, #tpu.memory_space<semaphore_mem>> -> memref<1x!tpu.dma_semaphore, #tpu.memory_space<semaphore_mem>>
      %dma_wait3A_108 = tpu.memref_squeeze %dma_wait3A_107 : memref<1x!tpu.dma_semaphore, #tpu.memory_space<semaphore_mem>> -> memref<!tpu.dma_semaphore, #tpu.memory_space<semaphore_mem>>
      %dma_wait3A_109 = arith.constant 0 : i32
      %dma_wait3A_110 = tpu.memref_slice %arg10[%dma_wait3A_99, %dma_wait3A_109] : memref<256x128xf32, #tpu.memory_space<vmem>> -> memref<1x64xf32, #tpu.memory_space<vmem>>
      %dma_wait3A_111 = tpu.memref_squeeze %dma_wait3A_110 : memref<1x64xf32, #tpu.memory_space<vmem>> -> memref<64xf32, #tpu.memory_space<vmem>>
      %dma_wait3A_112 = arith.constant 0 : i32
      %dma_wait3A_113 = tpu.memref_slice %arg5[%dma_wait3A_98, %dma_wait3A_112] : memref<1000001x64xf32, #tpu.memory_space<hbm>> -> memref<1x64xf32, #tpu.memory_space<hbm>>
      %dma_wait3A_114 = tpu.memref_squeeze %dma_wait3A_113 : memref<1x64xf32, #tpu.memory_space<hbm>> -> memref<64xf32, #tpu.memory_space<hbm>>
      tpu.wait_dma2 semaphore(%dma_wait3A_108 : memref<!tpu.dma_semaphore, #tpu.memory_space<semaphore_mem>>) src(%dma_wait3A_114 : memref<64xf32, #tpu.memory_space<hbm>>) dst(%dma_wait3A_111 : memref<64xf32, #tpu.memory_space<vmem>>)
      %dma_wait3A_115 = arith.constant 0 : i32
      %dma_wait3A_116 = arith.constant 0 : i32
      %dma_wait3A_117 = arith.constant 1 : i32
      %dma_wait3A_118 = arith.constant 0 : i32
      %dma_wait3A_119 = tpu.memref_slice %arg9[%dma_wait3A_116, %dma_wait3A_118] : memref<256x128xf32, #tpu.memory_space<vmem>> -> memref<1x64xf32, #tpu.memory_space<vmem>>
      %dma_wait3A_120 = tpu.memref_squeeze %dma_wait3A_119 : memref<1x64xf32, #tpu.memory_space<vmem>> -> memref<64xf32, #tpu.memory_space<vmem>>
      %dma_wait3A_121 = arith.constant 0 : i32
      %dma_wait3A_122 = tpu.memref_slice %arg4[%dma_wait3A_115, %dma_wait3A_121] : memref<1000001x64xf32, #tpu.memory_space<hbm>> -> memref<1x64xf32, #tpu.memory_space<hbm>>
      %dma_wait3A_123 = tpu.memref_squeeze %dma_wait3A_122 : memref<1x64xf32, #tpu.memory_space<hbm>> -> memref<64xf32, #tpu.memory_space<hbm>>
      %dma_wait3A_124 = tpu.memref_slice %arg13[%dma_wait3A_117] : memref<4x!tpu.dma_semaphore, #tpu.memory_space<semaphore_mem>> -> memref<1x!tpu.dma_semaphore, #tpu.memory_space<semaphore_mem>>
      %dma_wait3A_125 = tpu.memref_squeeze %dma_wait3A_124 : memref<1x!tpu.dma_semaphore, #tpu.memory_space<semaphore_mem>> -> memref<!tpu.dma_semaphore, #tpu.memory_space<semaphore_mem>>
      %dma_wait3A_126 = arith.constant 0 : i32
      %dma_wait3A_127 = tpu.memref_slice %arg9[%dma_wait3A_116, %dma_wait3A_126] : memref<256x128xf32, #tpu.memory_space<vmem>> -> memref<1x64xf32, #tpu.memory_space<vmem>>
      %dma_wait3A_128 = tpu.memref_squeeze %dma_wait3A_127 : memref<1x64xf32, #tpu.memory_space<vmem>> -> memref<64xf32, #tpu.memory_space<vmem>>
      %dma_wait3A_129 = arith.constant 0 : i32
      %dma_wait3A_130 = tpu.memref_slice %arg4[%dma_wait3A_115, %dma_wait3A_129] : memref<1000001x64xf32, #tpu.memory_space<hbm>> -> memref<1x64xf32, #tpu.memory_space<hbm>>
      %dma_wait3A_131 = tpu.memref_squeeze %dma_wait3A_130 : memref<1x64xf32, #tpu.memory_space<hbm>> -> memref<64xf32, #tpu.memory_space<hbm>>
      tpu.wait_dma2 semaphore(%dma_wait3A_125 : memref<!tpu.dma_semaphore, #tpu.memory_space<semaphore_mem>>) src(%dma_wait3A_131 : memref<64xf32, #tpu.memory_space<hbm>>) dst(%dma_wait3A_128 : memref<64xf32, #tpu.memory_space<vmem>>)
      %dma_wait3A_132 = arith.constant 0 : i32
      %dma_wait3A_133 = arith.constant 0 : i32
      %dma_wait3A_134 = arith.constant 1 : i32
      %dma_wait3A_135 = arith.constant 0 : i32
      %dma_wait3A_136 = tpu.memref_slice %arg10[%dma_wait3A_133, %dma_wait3A_135] : memref<256x128xf32, #tpu.memory_space<vmem>> -> memref<1x64xf32, #tpu.memory_space<vmem>>
      %dma_wait3A_137 = tpu.memref_squeeze %dma_wait3A_136 : memref<1x64xf32, #tpu.memory_space<vmem>> -> memref<64xf32, #tpu.memory_space<vmem>>
      %dma_wait3A_138 = arith.constant 0 : i32
      %dma_wait3A_139 = tpu.memref_slice %arg5[%dma_wait3A_132, %dma_wait3A_138] : memref<1000001x64xf32, #tpu.memory_space<hbm>> -> memref<1x64xf32, #tpu.memory_space<hbm>>
      %dma_wait3A_140 = tpu.memref_squeeze %dma_wait3A_139 : memref<1x64xf32, #tpu.memory_space<hbm>> -> memref<64xf32, #tpu.memory_space<hbm>>
      %dma_wait3A_141 = tpu.memref_slice %arg14[%dma_wait3A_134] : memref<4x!tpu.dma_semaphore, #tpu.memory_space<semaphore_mem>> -> memref<1x!tpu.dma_semaphore, #tpu.memory_space<semaphore_mem>>
      %dma_wait3A_142 = tpu.memref_squeeze %dma_wait3A_141 : memref<1x!tpu.dma_semaphore, #tpu.memory_space<semaphore_mem>> -> memref<!tpu.dma_semaphore, #tpu.memory_space<semaphore_mem>>
      %dma_wait3A_143 = arith.constant 0 : i32
      %dma_wait3A_144 = tpu.memref_slice %arg10[%dma_wait3A_133, %dma_wait3A_143] : memref<256x128xf32, #tpu.memory_space<vmem>> -> memref<1x64xf32, #tpu.memory_space<vmem>>
      %dma_wait3A_145 = tpu.memref_squeeze %dma_wait3A_144 : memref<1x64xf32, #tpu.memory_space<vmem>> -> memref<64xf32, #tpu.memory_space<vmem>>
      %dma_wait3A_146 = arith.constant 0 : i32
      %dma_wait3A_147 = tpu.memref_slice %arg5[%dma_wait3A_132, %dma_wait3A_146] : memref<1000001x64xf32, #tpu.memory_space<hbm>> -> memref<1x64xf32, #tpu.memory_space<hbm>>
      %dma_wait3A_148 = tpu.memref_squeeze %dma_wait3A_147 : memref<1x64xf32, #tpu.memory_space<hbm>> -> memref<64xf32, #tpu.memory_space<hbm>>
      tpu.wait_dma2 semaphore(%dma_wait3A_142 : memref<!tpu.dma_semaphore, #tpu.memory_space<semaphore_mem>>) src(%dma_wait3A_148 : memref<64xf32, #tpu.memory_space<hbm>>) dst(%dma_wait3A_145 : memref<64xf32, #tpu.memory_space<vmem>>)
      %dma_wait3A_149 = arith.constant 0 : i32
      %dma_wait3A_150 = arith.constant 0 : i32
      %dma_wait3A_151 = arith.constant 2 : i32
      %dma_wait3A_152 = arith.constant 0 : i32
      %dma_wait3A_153 = tpu.memref_slice %arg9[%dma_wait3A_150, %dma_wait3A_152] : memref<256x128xf32, #tpu.memory_space<vmem>> -> memref<1x64xf32, #tpu.memory_space<vmem>>
      %dma_wait3A_154 = tpu.memref_squeeze %dma_wait3A_153 : memref<1x64xf32, #tpu.memory_space<vmem>> -> memref<64xf32, #tpu.memory_space<vmem>>
      %dma_wait3A_155 = arith.constant 0 : i32
      %dma_wait3A_156 = tpu.memref_slice %arg4[%dma_wait3A_149, %dma_wait3A_155] : memref<1000001x64xf32, #tpu.memory_space<hbm>> -> memref<1x64xf32, #tpu.memory_space<hbm>>
      %dma_wait3A_157 = tpu.memref_squeeze %dma_wait3A_156 : memref<1x64xf32, #tpu.memory_space<hbm>> -> memref<64xf32, #tpu.memory_space<hbm>>
      %dma_wait3A_158 = tpu.memref_slice %arg13[%dma_wait3A_151] : memref<4x!tpu.dma_semaphore, #tpu.memory_space<semaphore_mem>> -> memref<1x!tpu.dma_semaphore, #tpu.memory_space<semaphore_mem>>
      %dma_wait3A_159 = tpu.memref_squeeze %dma_wait3A_158 : memref<1x!tpu.dma_semaphore, #tpu.memory_space<semaphore_mem>> -> memref<!tpu.dma_semaphore, #tpu.memory_space<semaphore_mem>>
      %dma_wait3A_160 = arith.constant 0 : i32
      %dma_wait3A_161 = tpu.memref_slice %arg9[%dma_wait3A_150, %dma_wait3A_160] : memref<256x128xf32, #tpu.memory_space<vmem>> -> memref<1x64xf32, #tpu.memory_space<vmem>>
      %dma_wait3A_162 = tpu.memref_squeeze %dma_wait3A_161 : memref<1x64xf32, #tpu.memory_space<vmem>> -> memref<64xf32, #tpu.memory_space<vmem>>
      %dma_wait3A_163 = arith.constant 0 : i32
      %dma_wait3A_164 = tpu.memref_slice %arg4[%dma_wait3A_149, %dma_wait3A_163] : memref<1000001x64xf32, #tpu.memory_space<hbm>> -> memref<1x64xf32, #tpu.memory_space<hbm>>
      %dma_wait3A_165 = tpu.memref_squeeze %dma_wait3A_164 : memref<1x64xf32, #tpu.memory_space<hbm>> -> memref<64xf32, #tpu.memory_space<hbm>>
      tpu.wait_dma2 semaphore(%dma_wait3A_159 : memref<!tpu.dma_semaphore, #tpu.memory_space<semaphore_mem>>) src(%dma_wait3A_165 : memref<64xf32, #tpu.memory_space<hbm>>) dst(%dma_wait3A_162 : memref<64xf32, #tpu.memory_space<vmem>>)
      %dma_wait3A_166 = arith.constant 0 : i32
      %dma_wait3A_167 = arith.constant 0 : i32
      %dma_wait3A_168 = arith.constant 2 : i32
      %dma_wait3A_169 = arith.constant 0 : i32
      %dma_wait3A_170 = tpu.memref_slice %arg10[%dma_wait3A_167, %dma_wait3A_169] : memref<256x128xf32, #tpu.memory_space<vmem>> -> memref<1x64xf32, #tpu.memory_space<vmem>>
      %dma_wait3A_171 = tpu.memref_squeeze %dma_wait3A_170 : memref<1x64xf32, #tpu.memory_space<vmem>> -> memref<64xf32, #tpu.memory_space<vmem>>
      %dma_wait3A_172 = arith.constant 0 : i32
      %dma_wait3A_173 = tpu.memref_slice %arg5[%dma_wait3A_166, %dma_wait3A_172] : memref<1000001x64xf32, #tpu.memory_space<hbm>> -> memref<1x64xf32, #tpu.memory_space<hbm>>
      %dma_wait3A_174 = tpu.memref_squeeze %dma_wait3A_173 : memref<1x64xf32, #tpu.memory_space<hbm>> -> memref<64xf32, #tpu.memory_space<hbm>>
      %dma_wait3A_175 = tpu.memref_slice %arg14[%dma_wait3A_168] : memref<4x!tpu.dma_semaphore, #tpu.memory_space<semaphore_mem>> -> memref<1x!tpu.dma_semaphore, #tpu.memory_space<semaphore_mem>>
      %dma_wait3A_176 = tpu.memref_squeeze %dma_wait3A_175 : memref<1x!tpu.dma_semaphore, #tpu.memory_space<semaphore_mem>> -> memref<!tpu.dma_semaphore, #tpu.memory_space<semaphore_mem>>
      %dma_wait3A_177 = arith.constant 0 : i32
      %dma_wait3A_178 = tpu.memref_slice %arg10[%dma_wait3A_167, %dma_wait3A_177] : memref<256x128xf32, #tpu.memory_space<vmem>> -> memref<1x64xf32, #tpu.memory_space<vmem>>
      %dma_wait3A_179 = tpu.memref_squeeze %dma_wait3A_178 : memref<1x64xf32, #tpu.memory_space<vmem>> -> memref<64xf32, #tpu.memory_space<vmem>>
      %dma_wait3A_180 = arith.constant 0 : i32
      %dma_wait3A_181 = tpu.memref_slice %arg5[%dma_wait3A_166, %dma_wait3A_180] : memref<1000001x64xf32, #tpu.memory_space<hbm>> -> memref<1x64xf32, #tpu.memory_space<hbm>>
      %dma_wait3A_182 = tpu.memref_squeeze %dma_wait3A_181 : memref<1x64xf32, #tpu.memory_space<hbm>> -> memref<64xf32, #tpu.memory_space<hbm>>
      tpu.wait_dma2 semaphore(%dma_wait3A_176 : memref<!tpu.dma_semaphore, #tpu.memory_space<semaphore_mem>>) src(%dma_wait3A_182 : memref<64xf32, #tpu.memory_space<hbm>>) dst(%dma_wait3A_179 : memref<64xf32, #tpu.memory_space<vmem>>)
      %dma_wait3A_183 = arith.constant 0 : i32
      %dma_wait3A_184 = arith.constant 0 : i32
      %dma_wait3A_185 = arith.constant 3 : i32
      %dma_wait3A_186 = arith.constant 0 : i32
      %dma_wait3A_187 = tpu.memref_slice %arg9[%dma_wait3A_184, %dma_wait3A_186] : memref<256x128xf32, #tpu.memory_space<vmem>> -> memref<1x64xf32, #tpu.memory_space<vmem>>
      %dma_wait3A_188 = tpu.memref_squeeze %dma_wait3A_187 : memref<1x64xf32, #tpu.memory_space<vmem>> -> memref<64xf32, #tpu.memory_space<vmem>>
      %dma_wait3A_189 = arith.constant 0 : i32
      %dma_wait3A_190 = tpu.memref_slice %arg4[%dma_wait3A_183, %dma_wait3A_189] : memref<1000001x64xf32, #tpu.memory_space<hbm>> -> memref<1x64xf32, #tpu.memory_space<hbm>>
      %dma_wait3A_191 = tpu.memref_squeeze %dma_wait3A_190 : memref<1x64xf32, #tpu.memory_space<hbm>> -> memref<64xf32, #tpu.memory_space<hbm>>
      %dma_wait3A_192 = tpu.memref_slice %arg13[%dma_wait3A_185] : memref<4x!tpu.dma_semaphore, #tpu.memory_space<semaphore_mem>> -> memref<1x!tpu.dma_semaphore, #tpu.memory_space<semaphore_mem>>
      %dma_wait3A_193 = tpu.memref_squeeze %dma_wait3A_192 : memref<1x!tpu.dma_semaphore, #tpu.memory_space<semaphore_mem>> -> memref<!tpu.dma_semaphore, #tpu.memory_space<semaphore_mem>>
      %dma_wait3A_194 = arith.constant 0 : i32
      %dma_wait3A_195 = tpu.memref_slice %arg9[%dma_wait3A_184, %dma_wait3A_194] : memref<256x128xf32, #tpu.memory_space<vmem>> -> memref<1x64xf32, #tpu.memory_space<vmem>>
      %dma_wait3A_196 = tpu.memref_squeeze %dma_wait3A_195 : memref<1x64xf32, #tpu.memory_space<vmem>> -> memref<64xf32, #tpu.memory_space<vmem>>
      %dma_wait3A_197 = arith.constant 0 : i32
      %dma_wait3A_198 = tpu.memref_slice %arg4[%dma_wait3A_183, %dma_wait3A_197] : memref<1000001x64xf32, #tpu.memory_space<hbm>> -> memref<1x64xf32, #tpu.memory_space<hbm>>
      %dma_wait3A_199 = tpu.memref_squeeze %dma_wait3A_198 : memref<1x64xf32, #tpu.memory_space<hbm>> -> memref<64xf32, #tpu.memory_space<hbm>>
      tpu.wait_dma2 semaphore(%dma_wait3A_193 : memref<!tpu.dma_semaphore, #tpu.memory_space<semaphore_mem>>) src(%dma_wait3A_199 : memref<64xf32, #tpu.memory_space<hbm>>) dst(%dma_wait3A_196 : memref<64xf32, #tpu.memory_space<vmem>>)
      %dma_wait3A_200 = arith.constant 0 : i32
      %dma_wait3A_201 = arith.constant 0 : i32
      %dma_wait3A_202 = arith.constant 3 : i32
      %dma_wait3A_203 = arith.constant 0 : i32
      %dma_wait3A_204 = tpu.memref_slice %arg10[%dma_wait3A_201, %dma_wait3A_203] : memref<256x128xf32, #tpu.memory_space<vmem>> -> memref<1x64xf32, #tpu.memory_space<vmem>>
      %dma_wait3A_205 = tpu.memref_squeeze %dma_wait3A_204 : memref<1x64xf32, #tpu.memory_space<vmem>> -> memref<64xf32, #tpu.memory_space<vmem>>
      %dma_wait3A_206 = arith.constant 0 : i32
      %dma_wait3A_207 = tpu.memref_slice %arg5[%dma_wait3A_200, %dma_wait3A_206] : memref<1000001x64xf32, #tpu.memory_space<hbm>> -> memref<1x64xf32, #tpu.memory_space<hbm>>
      %dma_wait3A_208 = tpu.memref_squeeze %dma_wait3A_207 : memref<1x64xf32, #tpu.memory_space<hbm>> -> memref<64xf32, #tpu.memory_space<hbm>>
      %dma_wait3A_209 = tpu.memref_slice %arg14[%dma_wait3A_202] : memref<4x!tpu.dma_semaphore, #tpu.memory_space<semaphore_mem>> -> memref<1x!tpu.dma_semaphore, #tpu.memory_space<semaphore_mem>>
      %dma_wait3A_210 = tpu.memref_squeeze %dma_wait3A_209 : memref<1x!tpu.dma_semaphore, #tpu.memory_space<semaphore_mem>> -> memref<!tpu.dma_semaphore, #tpu.memory_space<semaphore_mem>>
      %dma_wait3A_211 = arith.constant 0 : i32
      %dma_wait3A_212 = tpu.memref_slice %arg10[%dma_wait3A_201, %dma_wait3A_211] : memref<256x128xf32, #tpu.memory_space<vmem>> -> memref<1x64xf32, #tpu.memory_space<vmem>>
      %dma_wait3A_213 = tpu.memref_squeeze %dma_wait3A_212 : memref<1x64xf32, #tpu.memory_space<vmem>> -> memref<64xf32, #tpu.memory_space<vmem>>
      %dma_wait3A_214 = arith.constant 0 : i32
      %dma_wait3A_215 = tpu.memref_slice %arg5[%dma_wait3A_200, %dma_wait3A_214] : memref<1000001x64xf32, #tpu.memory_space<hbm>> -> memref<1x64xf32, #tpu.memory_space<hbm>>
      %dma_wait3A_216 = tpu.memref_squeeze %dma_wait3A_215 : memref<1x64xf32, #tpu.memory_space<hbm>> -> memref<64xf32, #tpu.memory_space<hbm>>
      tpu.wait_dma2 semaphore(%dma_wait3A_210 : memref<!tpu.dma_semaphore, #tpu.memory_space<semaphore_mem>>) src(%dma_wait3A_216 : memref<64xf32, #tpu.memory_space<hbm>>) dst(%dma_wait3A_213 : memref<64xf32, #tpu.memory_space<vmem>>)
      %dma_wait3A_217 = arith.constant 0 : i32
      %dma_wait3A_218 = arith.constant 0 : i32
      %dma_wait3A_219 = arith.constant 0 : i32
      %dma_wait3A_220 = tpu.memref_slice %arg11[%dma_wait3A_217, %dma_wait3A_218, %dma_wait3A_219] : memref<16x128x128xf32, #tpu.memory_space<vmem_shared>> -> memref<1x2x128xf32, #tpu.memory_space<vmem_shared>>
      %dma_wait3A_221 = tpu.memref_squeeze %dma_wait3A_220 : memref<1x2x128xf32, #tpu.memory_space<vmem_shared>> -> memref<2x128xf32, #tpu.memory_space<vmem_shared>>
      %dma_wait3A_222 = arith.constant 0 : i32
      %dma_wait3A_223 = arith.constant 0 : i32
      %dma_wait3A_224 = tpu.memref_slice %arg6[%dma_wait3A_222, %dma_wait3A_223] : memref<8192x128xf32, #tpu.memory_space<hbm>> -> memref<2x128xf32, #tpu.memory_space<hbm>>
      tpu.wait_dma2 semaphore(%arg15 : memref<!tpu.dma_semaphore, #tpu.memory_space<semaphore_mem>>) src(%dma_wait3A_224 : memref<2x128xf32, #tpu.memory_space<hbm>>) dst(%dma_wait3A_221 : memref<2x128xf32, #tpu.memory_space<vmem_shared>>)
      %dma_wait3A_225 = arith.constant 0 : i32
      %dma_wait3A_226 = arith.constant 0 : i32
      %dma_wait3A_227 = arith.constant 0 : i32
      %dma_wait3A_228 = tpu.memref_slice %arg12[%dma_wait3A_225, %dma_wait3A_226, %dma_wait3A_227] : memref<16x128x128xf32, #tpu.memory_space<vmem_shared>> -> memref<1x2x128xf32, #tpu.memory_space<vmem_shared>>
      %dma_wait3A_229 = tpu.memref_squeeze %dma_wait3A_228 : memref<1x2x128xf32, #tpu.memory_space<vmem_shared>> -> memref<2x128xf32, #tpu.memory_space<vmem_shared>>
      %dma_wait3A_230 = arith.constant 0 : i32
      %dma_wait3A_231 = arith.constant 0 : i32
      %dma_wait3A_232 = tpu.memref_slice %arg6[%dma_wait3A_230, %dma_wait3A_231] : memref<8192x128xf32, #tpu.memory_space<hbm>> -> memref<2x128xf32, #tpu.memory_space<hbm>>
      tpu.wait_dma2 semaphore(%arg16 : memref<!tpu.dma_semaphore, #tpu.memory_space<semaphore_mem>>) src(%dma_wait3A_232 : memref<2x128xf32, #tpu.memory_space<hbm>>) dst(%dma_wait3A_229 : memref<2x128xf32, #tpu.memory_space<vmem_shared>>)
    }
    %scan3A_19 = arith.constant 64 : i32
    %dma_start3A = arith.constant 128 : i32
    %dma_start3A_20 = arith.constant 0 : i32
    %dma_start3A_21 = tpu.memref_slice %arg9[%dma_start3A, %dma_start3A_20] : memref<256x128xf32, #tpu.memory_space<vmem>> -> memref<128x128xf32, #tpu.memory_space<vmem>>
    %dma_start3A_22 = arith.constant 0 : i32
    %dma_start3A_23 = arith.constant 0 : i32
    %dma_start3A_24 = tpu.memref_slice %arg11[%arg1, %dma_start3A_22, %dma_start3A_23] : memref<16x128x128xf32, #tpu.memory_space<vmem_shared>> -> memref<1x128x128xf32, #tpu.memory_space<vmem_shared>>
    %dma_start3A_25 = tpu.memref_squeeze %dma_start3A_24 : memref<1x128x128xf32, #tpu.memory_space<vmem_shared>> -> memref<128x128xf32, #tpu.memory_space<vmem_shared>>
    %dma_start3A_26 = arith.constant 128 : i32
    %dma_start3A_27 = arith.constant 0 : i32
    %dma_start3A_28 = tpu.memref_slice %arg9[%dma_start3A_26, %dma_start3A_27] : memref<256x128xf32, #tpu.memory_space<vmem>> -> memref<128x128xf32, #tpu.memory_space<vmem>>
    %dma_start3A_29 = arith.constant 0 : i32
    %dma_start3A_30 = arith.constant 0 : i32
    %dma_start3A_31 = tpu.memref_slice %arg11[%arg1, %dma_start3A_29, %dma_start3A_30] : memref<16x128x128xf32, #tpu.memory_space<vmem_shared>> -> memref<1x128x128xf32, #tpu.memory_space<vmem_shared>>
    %dma_start3A_32 = tpu.memref_squeeze %dma_start3A_31 : memref<1x128x128xf32, #tpu.memory_space<vmem_shared>> -> memref<128x128xf32, #tpu.memory_space<vmem_shared>>
    tpu.enqueue_dma source(%dma_start3A_32 : memref<128x128xf32, #tpu.memory_space<vmem_shared>>) target(%dma_start3A_28 : memref<128x128xf32, #tpu.memory_space<vmem>>) target_semaphore(%arg17 : memref<!tpu.dma_semaphore, #tpu.memory_space<semaphore_mem>>)
    %dma_start3A_33 = arith.constant 128 : i32
    %dma_start3A_34 = arith.constant 0 : i32
    %dma_start3A_35 = tpu.memref_slice %arg10[%dma_start3A_33, %dma_start3A_34] : memref<256x128xf32, #tpu.memory_space<vmem>> -> memref<128x128xf32, #tpu.memory_space<vmem>>
    %dma_start3A_36 = arith.constant 0 : i32
    %dma_start3A_37 = arith.constant 0 : i32
    %dma_start3A_38 = tpu.memref_slice %arg12[%arg1, %dma_start3A_36, %dma_start3A_37] : memref<16x128x128xf32, #tpu.memory_space<vmem_shared>> -> memref<1x128x128xf32, #tpu.memory_space<vmem_shared>>
    %dma_start3A_39 = tpu.memref_squeeze %dma_start3A_38 : memref<1x128x128xf32, #tpu.memory_space<vmem_shared>> -> memref<128x128xf32, #tpu.memory_space<vmem_shared>>
    %dma_start3A_40 = arith.constant 128 : i32
    %dma_start3A_41 = arith.constant 0 : i32
    %dma_start3A_42 = tpu.memref_slice %arg10[%dma_start3A_40, %dma_start3A_41] : memref<256x128xf32, #tpu.memory_space<vmem>> -> memref<128x128xf32, #tpu.memory_space<vmem>>
    %dma_start3A_43 = arith.constant 0 : i32
    %dma_start3A_44 = arith.constant 0 : i32
    %dma_start3A_45 = tpu.memref_slice %arg12[%arg1, %dma_start3A_43, %dma_start3A_44] : memref<16x128x128xf32, #tpu.memory_space<vmem_shared>> -> memref<1x128x128xf32, #tpu.memory_space<vmem_shared>>
    %dma_start3A_46 = tpu.memref_squeeze %dma_start3A_45 : memref<1x128x128xf32, #tpu.memory_space<vmem_shared>> -> memref<128x128xf32, #tpu.memory_space<vmem_shared>>
    tpu.enqueue_dma source(%dma_start3A_46 : memref<128x128xf32, #tpu.memory_space<vmem_shared>>) target(%dma_start3A_42 : memref<128x128xf32, #tpu.memory_space<vmem>>) target_semaphore(%arg17 : memref<!tpu.dma_semaphore, #tpu.memory_space<semaphore_mem>>)
    %dma_wait3A = arith.constant 128 : i32
    %dma_wait3A_47 = arith.constant 0 : i32
    %dma_wait3A_48 = tpu.memref_slice %arg10[%dma_wait3A, %dma_wait3A_47] : memref<256x128xf32, #tpu.memory_space<vmem>> -> memref<128x128xf32, #tpu.memory_space<vmem>>
    %dma_wait3A_49 = arith.constant 0 : i32
    %dma_wait3A_50 = arith.constant 0 : i32
    %dma_wait3A_51 = tpu.memref_slice %arg12[%arg1, %dma_wait3A_49, %dma_wait3A_50] : memref<16x128x128xf32, #tpu.memory_space<vmem_shared>> -> memref<1x128x128xf32, #tpu.memory_space<vmem_shared>>
    %dma_wait3A_52 = tpu.memref_squeeze %dma_wait3A_51 : memref<1x128x128xf32, #tpu.memory_space<vmem_shared>> -> memref<128x128xf32, #tpu.memory_space<vmem_shared>>
    %dma_wait3A_53 = arith.constant 128 : i32
    %dma_wait3A_54 = arith.constant 0 : i32
    %dma_wait3A_55 = tpu.memref_slice %arg10[%dma_wait3A_53, %dma_wait3A_54] : memref<256x128xf32, #tpu.memory_space<vmem>> -> memref<128x128xf32, #tpu.memory_space<vmem>>
    %dma_wait3A_56 = arith.constant 0 : i32
    %dma_wait3A_57 = arith.constant 0 : i32
    %dma_wait3A_58 = tpu.memref_slice %arg12[%arg1, %dma_wait3A_56, %dma_wait3A_57] : memref<16x128x128xf32, #tpu.memory_space<vmem_shared>> -> memref<1x128x128xf32, #tpu.memory_space<vmem_shared>>
    %dma_wait3A_59 = tpu.memref_squeeze %dma_wait3A_58 : memref<1x128x128xf32, #tpu.memory_space<vmem_shared>> -> memref<128x128xf32, #tpu.memory_space<vmem_shared>>
    tpu.wait_dma2 semaphore(%arg17 : memref<!tpu.dma_semaphore, #tpu.memory_space<semaphore_mem>>) src(%dma_wait3A_59 : memref<128x128xf32, #tpu.memory_space<vmem_shared>>) dst(%dma_wait3A_55 : memref<128x128xf32, #tpu.memory_space<vmem>>)
    %dma_wait3A_60 = arith.constant 0 : i32
    %dma_wait3A_61 = arith.constant 0 : i32
    %dma_wait3A_62 = tpu.memref_slice %arg9[%dma_wait3A_60, %dma_wait3A_61] : memref<256x128xf32, #tpu.memory_space<vmem>> -> memref<128x128xf32, #tpu.memory_space<vmem>>
    %dma_wait3A_63 = arith.constant 0 : i32
    %dma_wait3A_64 = arith.constant 0 : i32
    %dma_wait3A_65 = tpu.memref_slice %arg6[%dma_wait3A_63, %dma_wait3A_64] : memref<8192x128xf32, #tpu.memory_space<hbm>> -> memref<128x128xf32, #tpu.memory_space<hbm>>
    %dma_wait3A_66 = arith.constant 0 : i32
    %dma_wait3A_67 = arith.constant 0 : i32
    %dma_wait3A_68 = tpu.memref_slice %arg9[%dma_wait3A_66, %dma_wait3A_67] : memref<256x128xf32, #tpu.memory_space<vmem>> -> memref<128x128xf32, #tpu.memory_space<vmem>>
    %dma_wait3A_69 = arith.constant 0 : i32
    %dma_wait3A_70 = arith.constant 0 : i32
    %dma_wait3A_71 = tpu.memref_slice %arg6[%dma_wait3A_69, %dma_wait3A_70] : memref<8192x128xf32, #tpu.memory_space<hbm>> -> memref<128x128xf32, #tpu.memory_space<hbm>>
    tpu.wait_dma2 semaphore(%arg17 : memref<!tpu.dma_semaphore, #tpu.memory_space<semaphore_mem>>) src(%dma_wait3A_71 : memref<128x128xf32, #tpu.memory_space<hbm>>) dst(%dma_wait3A_68 : memref<128x128xf32, #tpu.memory_space<vmem>>)
    %scan3A_72 = arith.constant 0 : i32
    %scan3A_73 = arith.constant 0 : i32
    %scan3A_74 = arith.constant 256 : i32
    %scan3A_75 = arith.addi %scan3A_73, %scan3A_74 : i32
    %scan3A_76 = arith.constant 1 : i32
    scf.for %scan3A_80 = %scan3A_73 to %scan3A_75 step %scan3A_76  : i32 {
      %get3A = arith.index_cast %scan3A_80 : i32 to index
      %get3A_81 = arith.constant 0 : index
      %get3A_82 = tpu.vector_load %arg9[%get3A, %get3A_81] {strides = array<i32>} : memref<256x128xf32, #tpu.memory_space<vmem>>, vector<1x16xf32>,
      %get3A_83 = vector.shape_cast %get3A_82 : vector<1x16xf32> to vector<16xf32>
      %get3A_84 = arith.index_cast %scan3A_80 : i32 to index
      %get3A_85 = arith.constant 0 : index
      %get3A_86 = tpu.vector_load %arg10[%get3A_84, %get3A_85] {strides = array<i32>} : memref<256x128xf32, #tpu.memory_space<vmem>>, vector<1x16xf32>,
      %get3A_87 = vector.shape_cast %get3A_86 : vector<1x16xf32> to vector<16xf32>
      %mul3A_88 = arith.mulf %get3A_83, %get3A_87 : vector<16xf32>
      %swap3A = arith.index_cast %scan3A_80 : i32 to index
      %swap3A_89 = arith.constant 0 : index
      %swap3A_90 = tpu.vector_load %arg9[%swap3A, %swap3A_89] {strides = array<i32>} : memref<256x128xf32, #tpu.memory_space<vmem>>, vector<1x16xf32>,
      %swap3A_91 = vector.shape_cast %swap3A_90 : vector<1x16xf32> to vector<16xf32>
      %swap3A_92 = vector.shape_cast %mul3A_88 : vector<16xf32> to vector<1x16xf32>
      tpu.vector_store %arg9[%swap3A, %swap3A_89], %swap3A_92 {strides = array<i32>} : memref<256x128xf32, #tpu.memory_space<vmem>>, vector<1x16xf32>,
      %get3A_93 = arith.index_cast %scan3A_80 : i32 to index
      %get3A_94 = arith.constant 16 : index
      %get3A_95 = tpu.vector_load %arg9[%get3A_93, %get3A_94] {strides = array<i32>} : memref<256x128xf32, #tpu.memory_space<vmem>>, vector<1x16xf32>,
      %get3A_96 = vector.shape_cast %get3A_95 : vector<1x16xf32> to vector<16xf32>
      %get3A_97 = arith.index_cast %scan3A_80 : i32 to index
      %get3A_98 = arith.constant 16 : index
      %get3A_99 = tpu.vector_load %arg10[%get3A_97, %get3A_98] {strides = array<i32>} : memref<256x128xf32, #tpu.memory_space<vmem>>, vector<1x16xf32>,
      %get3A_100 = vector.shape_cast %get3A_99 : vector<1x16xf32> to vector<16xf32>
      %mul3A_101 = arith.mulf %get3A_96, %get3A_100 : vector<16xf32>
      %swap3A_102 = arith.index_cast %scan3A_80 : i32 to index
      %swap3A_103 = arith.constant 16 : index
      %swap3A_104 = tpu.vector_load %arg9[%swap3A_102, %swap3A_103] {strides = array<i32>} : memref<256x128xf32, #tpu.memory_space<vmem>>, vector<1x16xf32>,
      %swap3A_105 = vector.shape_cast %swap3A_104 : vector<1x16xf32> to vector<16xf32>
      %swap3A_106 = vector.shape_cast %mul3A_101 : vector<16xf32> to vector<1x16xf32>
      tpu.vector_store %arg9[%swap3A_102, %swap3A_103], %swap3A_106 {strides = array<i32>} : memref<256x128xf32, #tpu.memory_space<vmem>>, vector<1x16xf32>,
      %get3A_107 = arith.index_cast %scan3A_80 : i32 to index
      %get3A_108 = arith.constant 32 : index
      %get3A_109 = tpu.vector_load %arg9[%get3A_107, %get3A_108] {strides = array<i32>} : memref<256x128xf32, #tpu.memory_space<vmem>>, vector<1x16xf32>,
      %get3A_110 = vector.shape_cast %get3A_109 : vector<1x16xf32> to vector<16xf32>
      %get3A_111 = arith.index_cast %scan3A_80 : i32 to index
      %get3A_112 = arith.constant 32 : index
      %get3A_113 = tpu.vector_load %arg10[%get3A_111, %get3A_112] {strides = array<i32>} : memref<256x128xf32, #tpu.memory_space<vmem>>, vector<1x16xf32>,
      %get3A_114 = vector.shape_cast %get3A_113 : vector<1x16xf32> to vector<16xf32>
      %mul3A_115 = arith.mulf %get3A_110, %get3A_114 : vector<16xf32>
      %swap3A_116 = arith.index_cast %scan3A_80 : i32 to index
      %swap3A_117 = arith.constant 32 : index
      %swap3A_118 = tpu.vector_load %arg9[%swap3A_116, %swap3A_117] {strides = array<i32>} : memref<256x128xf32, #tpu.memory_space<vmem>>, vector<1x16xf32>,
      %swap3A_119 = vector.shape_cast %swap3A_118 : vector<1x16xf32> to vector<16xf32>
      %swap3A_120 = vector.shape_cast %mul3A_115 : vector<16xf32> to vector<1x16xf32>
      tpu.vector_store %arg9[%swap3A_116, %swap3A_117], %swap3A_120 {strides = array<i32>} : memref<256x128xf32, #tpu.memory_space<vmem>>, vector<1x16xf32>,
      %get3A_121 = arith.index_cast %scan3A_80 : i32 to index
      %get3A_122 = arith.constant 48 : index
      %get3A_123 = tpu.vector_load %arg9[%get3A_121, %get3A_122] {strides = array<i32>} : memref<256x128xf32, #tpu.memory_space<vmem>>, vector<1x16xf32>,
      %get3A_124 = vector.shape_cast %get3A_123 : vector<1x16xf32> to vector<16xf32>
      %get3A_125 = arith.index_cast %scan3A_80 : i32 to index
      %get3A_126 = arith.constant 48 : index
      %get3A_127 = tpu.vector_load %arg10[%get3A_125, %get3A_126] {strides = array<i32>} : memref<256x128xf32, #tpu.memory_space<vmem>>, vector<1x16xf32>,
      %get3A_128 = vector.shape_cast %get3A_127 : vector<1x16xf32> to vector<16xf32>
      %mul3A_129 = arith.mulf %get3A_124, %get3A_128 : vector<16xf32>
      %swap3A_130 = arith.index_cast %scan3A_80 : i32 to index
      %swap3A_131 = arith.constant 48 : index
      %swap3A_132 = tpu.vector_load %arg9[%swap3A_130, %swap3A_131] {strides = array<i32>} : memref<256x128xf32, #tpu.memory_space<vmem>>, vector<1x16xf32>,
      %swap3A_133 = vector.shape_cast %swap3A_132 : vector<1x16xf32> to vector<16xf32>
      %swap3A_134 = vector.shape_cast %mul3A_129 : vector<16xf32> to vector<1x16xf32>
      tpu.vector_store %arg9[%swap3A_130, %swap3A_131], %swap3A_134 {strides = array<i32>} : memref<256x128xf32, #tpu.memory_space<vmem>>, vector<1x16xf32>,
      %get3A_135 = arith.index_cast %scan3A_80 : i32 to index
      %get3A_136 = arith.constant 64 : index
      %get3A_137 = tpu.vector_load %arg9[%get3A_135, %get3A_136] {strides = array<i32>} : memref<256x128xf32, #tpu.memory_space<vmem>>, vector<1x16xf32>,
      %get3A_138 = vector.shape_cast %get3A_137 : vector<1x16xf32> to vector<16xf32>
      %get3A_139 = arith.index_cast %scan3A_80 : i32 to index
      %get3A_140 = arith.constant 64 : index
      %get3A_141 = tpu.vector_load %arg10[%get3A_139, %get3A_140] {strides = array<i32>} : memref<256x128xf32, #tpu.memory_space<vmem>>, vector<1x16xf32>,
      %get3A_142 = vector.shape_cast %get3A_141 : vector<1x16xf32> to vector<16xf32>
      %mul3A_143 = arith.mulf %get3A_138, %get3A_142 : vector<16xf32>
      %swap3A_144 = arith.index_cast %scan3A_80 : i32 to index
      %swap3A_145 = arith.constant 64 : index
      %swap3A_146 = tpu.vector_load %arg9[%swap3A_144, %swap3A_145] {strides = array<i32>} : memref<256x128xf32, #tpu.memory_space<vmem>>, vector<1x16xf32>,
      %swap3A_147 = vector.shape_cast %swap3A_146 : vector<1x16xf32> to vector<16xf32>
      %swap3A_148 = vector.shape_cast %mul3A_143 : vector<16xf32> to vector<1x16xf32>
      tpu.vector_store %arg9[%swap3A_144, %swap3A_145], %swap3A_148 {strides = array<i32>} : memref<256x128xf32, #tpu.memory_space<vmem>>, vector<1x16xf32>,
      %get3A_149 = arith.index_cast %scan3A_80 : i32 to index
      %get3A_150 = arith.constant 80 : index
      %get3A_151 = tpu.vector_load %arg9[%get3A_149, %get3A_150] {strides = array<i32>} : memref<256x128xf32, #tpu.memory_space<vmem>>, vector<1x16xf32>,
      %get3A_152 = vector.shape_cast %get3A_151 : vector<1x16xf32> to vector<16xf32>
      %get3A_153 = arith.index_cast %scan3A_80 : i32 to index
      %get3A_154 = arith.constant 80 : index
      %get3A_155 = tpu.vector_load %arg10[%get3A_153, %get3A_154] {strides = array<i32>} : memref<256x128xf32, #tpu.memory_space<vmem>>, vector<1x16xf32>,
      %get3A_156 = vector.shape_cast %get3A_155 : vector<1x16xf32> to vector<16xf32>
      %mul3A_157 = arith.mulf %get3A_152, %get3A_156 : vector<16xf32>
      %swap3A_158 = arith.index_cast %scan3A_80 : i32 to index
      %swap3A_159 = arith.constant 80 : index
      %swap3A_160 = tpu.vector_load %arg9[%swap3A_158, %swap3A_159] {strides = array<i32>} : memref<256x128xf32, #tpu.memory_space<vmem>>, vector<1x16xf32>,
      %swap3A_161 = vector.shape_cast %swap3A_160 : vector<1x16xf32> to vector<16xf32>
      %swap3A_162 = vector.shape_cast %mul3A_157 : vector<16xf32> to vector<1x16xf32>
      tpu.vector_store %arg9[%swap3A_158, %swap3A_159], %swap3A_162 {strides = array<i32>} : memref<256x128xf32, #tpu.memory_space<vmem>>, vector<1x16xf32>,
      %get3A_163 = arith.index_cast %scan3A_80 : i32 to index
      %get3A_164 = arith.constant 96 : index
      %get3A_165 = tpu.vector_load %arg9[%get3A_163, %get3A_164] {strides = array<i32>} : memref<256x128xf32, #tpu.memory_space<vmem>>, vector<1x16xf32>,
      %get3A_166 = vector.shape_cast %get3A_165 : vector<1x16xf32> to vector<16xf32>
      %get3A_167 = arith.index_cast %scan3A_80 : i32 to index
      %get3A_168 = arith.constant 96 : index
      %get3A_169 = tpu.vector_load %arg10[%get3A_167, %get3A_168] {strides = array<i32>} : memref<256x128xf32, #tpu.memory_space<vmem>>, vector<1x16xf32>,
      %get3A_170 = vector.shape_cast %get3A_169 : vector<1x16xf32> to vector<16xf32>
      %mul3A_171 = arith.mulf %get3A_166, %get3A_170 : vector<16xf32>
      %swap3A_172 = arith.index_cast %scan3A_80 : i32 to index
      %swap3A_173 = arith.constant 96 : index
      %swap3A_174 = tpu.vector_load %arg9[%swap3A_172, %swap3A_173] {strides = array<i32>} : memref<256x128xf32, #tpu.memory_space<vmem>>, vector<1x16xf32>,
      %swap3A_175 = vector.shape_cast %swap3A_174 : vector<1x16xf32> to vector<16xf32>
      %swap3A_176 = vector.shape_cast %mul3A_171 : vector<16xf32> to vector<1x16xf32>
      tpu.vector_store %arg9[%swap3A_172, %swap3A_173], %swap3A_176 {strides = array<i32>} : memref<256x128xf32, #tpu.memory_space<vmem>>, vector<1x16xf32>,
      %get3A_177 = arith.index_cast %scan3A_80 : i32 to index
      %get3A_178 = arith.constant 112 : index
      %get3A_179 = tpu.vector_load %arg9[%get3A_177, %get3A_178] {strides = array<i32>} : memref<256x128xf32, #tpu.memory_space<vmem>>, vector<1x16xf32>,
      %get3A_180 = vector.shape_cast %get3A_179 : vector<1x16xf32> to vector<16xf32>
      %get3A_181 = arith.index_cast %scan3A_80 : i32 to index
      %get3A_182 = arith.constant 112 : index
      %get3A_183 = tpu.vector_load %arg10[%get3A_181, %get3A_182] {strides = array<i32>} : memref<256x128xf32, #tpu.memory_space<vmem>>, vector<1x16xf32>,
      %get3A_184 = vector.shape_cast %get3A_183 : vector<1x16xf32> to vector<16xf32>
      %mul3A_185 = arith.mulf %get3A_180, %get3A_184 : vector<16xf32>
      %swap3A_186 = arith.index_cast %scan3A_80 : i32 to index
      %swap3A_187 = arith.constant 112 : index
      %swap3A_188 = tpu.vector_load %arg9[%swap3A_186, %swap3A_187] {strides = array<i32>} : memref<256x128xf32, #tpu.memory_space<vmem>>, vector<1x16xf32>,
      %swap3A_189 = vector.shape_cast %swap3A_188 : vector<1x16xf32> to vector<16xf32>
      %swap3A_190 = vector.shape_cast %mul3A_185 : vector<16xf32> to vector<1x16xf32>
      tpu.vector_store %arg9[%swap3A_186, %swap3A_187], %swap3A_190 {strides = array<i32>} : memref<256x128xf32, #tpu.memory_space<vmem>>, vector<1x16xf32>,
    }
    %scan3A_77 = arith.constant 256 : i32
    %mul3A_78 = arith.constant 256 : i32
    %mul3A_79 = arith.muli %add3A, %mul3A_78 : i32
    "tpu.region"() ({
      %run_scoped3A = tpu.sem_alloc : memref<!tpu.dma_semaphore, #tpu.memory_space<semaphore_mem>>
      %dma_start3A_80 = arith.constant 0 : i32
      %dma_start3A_81 = tpu.memref_slice %arg6[%mul3A_79, %dma_start3A_80] : memref<8192x128xf32, #tpu.memory_space<hbm>> -> memref<256x128xf32, #tpu.memory_space<hbm>>
      %dma_start3A_82 = arith.constant 0 : i32
      %dma_start3A_83 = tpu.memref_slice %arg6[%mul3A_79, %dma_start3A_82] : memref<8192x128xf32, #tpu.memory_space<hbm>> -> memref<256x128xf32, #tpu.memory_space<hbm>>
      tpu.enqueue_dma source(%arg9 : memref<256x128xf32, #tpu.memory_space<vmem>>) target(%dma_start3A_83 : memref<256x128xf32, #tpu.memory_space<hbm>>) target_semaphore(%run_scoped3A : memref<!tpu.dma_semaphore, #tpu.memory_space<semaphore_mem>>)
      %dma_wait3A_84 = arith.constant 0 : i32
      %dma_wait3A_85 = tpu.memref_slice %arg6[%mul3A_79, %dma_wait3A_84] : memref<8192x128xf32, #tpu.memory_space<hbm>> -> memref<256x128xf32, #tpu.memory_space<hbm>>
      %dma_wait3A_86 = arith.constant 0 : i32
      %dma_wait3A_87 = tpu.memref_slice %arg6[%mul3A_79, %dma_wait3A_86] : memref<8192x128xf32, #tpu.memory_space<hbm>> -> memref<256x128xf32, #tpu.memory_space<hbm>>
      tpu.wait_dma2 semaphore(%run_scoped3A : memref<!tpu.dma_semaphore, #tpu.memory_space<semaphore_mem>>) src(%arg9 : memref<256x128xf32, #tpu.memory_space<vmem>>) dst(%dma_wait3A_87 : memref<256x128xf32, #tpu.memory_space<hbm>>)
      tpu.yield
    }) : () -> ()
    return
  }
}

</mosaic_0001>

<sc_bundles>
// kernel: kernel.3.cloned.1.call-start
scs
__scs_entry_jumppad:
0x0: {  	(pc) =	sbr.rel $0x88, $3  }
0x1: {  	(tag) =	ssettag $0x0;
	lr =	simm.s32 $0x1  }
0x2: {  	[smem:$0x3F9D] =	sst lr;
	_ =	strace $0xD0000000  }
0x3: {  	_ = 	snop  }
0x4: {  	_ = 	snop  }
0x5: {  	_ = 	snop  }
0x6: {  	_ = 	snop  }
0x7: {  	_ = 	snop  }
__scs_overlays_trampoline_lowered:
0x8: {  	[smem:$0x3FAC] =	sst s0  }
0x9: {  	[smem:$0x3FAD] =	sst s1  }
0xa: {  	[smem:$0x3FAE] =	sst s2  }
0xb: {  	[smem:$0x3FAF] =	sst s3  }
0xc: {  	[smem:$0x3FB0] =	sst s4  }
0xd: {  	[smem:$0x3FB1] =	sst s5  }
0xe: {  	[smem:$0x3FB2] =	sst s6  }
0xf: {  	[smem:$0x3FB3] =	sst s7  }
0x10: {  	[smem:$0x3FB4] =	sst s8  }
0x11: {  	[smem:$0x3FB5] =	sst s9;
	s0 =	simm.s32 @!p0 $0x0  }
0x12: {  	s1 =	sld [smem:$0x3F9B];
	s0 =	simm.s32 @p0 $0x1  }
0x13: {  	[smem:$0x3FB6] =	sst s0;
	s0 =	simm.s32 @!p1 $0x0  }
0x14: {  	s2 =	sld [smem:$0x3F9A];
	s0 =	simm.s32 @p1 $0x1  }
0x15: {  	[smem:$0x3FB7] =	sst s0;
	s0 =	simm.s32 @!p2 $0x0  }
0x16: {  	s3 =	sld [smem:$0x3FDB];
	s0 =	simm.s32 @p2 $0x1  }
0x17: {  	s4 =	simm.s32 $0x1BF5;
	[smem:$0x3FB9] =	sst s0  }
0x18: {  	s0 =	sld [smem:$0x3F9C];
	_ =	swait.ge [sflag:s4], $0x0  }
0x19: {  	s7 =	sld [smem:$0x3F9D]  }
0x1a: {  	s8 =	sadd.s32 $0xFFFFE003, lr  }
0x1b: {  	s9 =	sadd.s32 $0xFFFFFEF7, lr;
	s5 =	simm.s32 $0xFFFFFFFF;
	p2 =	slt.u32 s8, $0xFFFFF086  }
0x1c: {  	p1 =	slt.u32 s9, $0xF7A;
	s5 =	simm.s32 @!p2 $0x0  }
0x1d: {  	s5 =	simm.s32 @p1 $0x1;
	p0 =	seq.s32 s7, s2  }
0x1e: {  	s7 =	smul.u32 @!p0 $0xF7A, s2;
	p2 =	seq.s32 @!p0 s5, $0x0  }
0x1f: {  	s9 =	smul.u32 $0xF7A, s1;
	s8 =	simm.s32 @!p0 $0x1BF5;
	p2 =	por !p2, p0  }
0x20: {  	[sflag:s8] =	ssyncset.s32 @!p0 $0xFFFFF086;
	s6 =	sadd.s32 @!p0 s3, s7;
	s7 =	simm.s32 @!p0 $0x108  }
0x21: {  	s3 =	sadd.s32 s3, s9;
	s6 =	sadd.s32 @!p0 $0x88, s6;
	s7 =	simm.s32 @p2 $0x1082  }
0x22: {  	[simem:s7], [sflag:s8] =	dma.local @!p0 [hbm:s6], $0xF7A  }
0x23: {  	s9 =	sor.u32 $0xD0000000, s2;
	s6 =	simm.s32 $0x108;
	_ =	swait.ge @!p0 [sflag:s8], $0x0  }
0x24: {  	s3 =	sadd.s32 $0x88, s3;
	s6 =	simm.s32 @!p1 $0x1082;
	[sflag:s4] =	ssyncset.s32 $0xFFFFF086  }
0x25: {  	[simem:s6], [sflag:s4] =	dma.local [hbm:s3], $0xF7A  }
0x26: {  	[smem:$0x3F9D] =	sst s1;
	(tag) =	ssettag s2;
	_ =	strace s9  }
0x27: {  	s1 =	sld [smem:$0x3FAD]  }
0x28: {  	s2 =	sld [smem:$0x3FAE]  }
0x29: {  	s4 =	sld [smem:$0x3FB0]  }
0x2a: {  	p0 =	seq.s32 s5, $0x0;
	s5 =	sld [smem:$0x3FB1]  }
0x2b: {  	s6 =	sld [smem:$0x3FB2]  }
0x2c: {  	s7 =	sld [smem:$0x3FB3]  }
0x2d: {  	s3 =	simm.s32 $0x108;
	s8 =	sld [smem:$0x3FB4]  }
0x2e: {  	s3 =	simm.s32 @!p0 $0x1082;
	s9 =	sld [smem:$0x3FB5]  }
0x2f: {  	lr =	sadd.s32 s0, s3;
	s0 =	sld [smem:$0x3FAC]  }
0x30: {  	s3 =	sld [smem:$0x3FAF]  }
0x31: {  	[smem:$0x3FB8] =	sst s10  }
0x32: {  	s10 =	sld [smem:$0x3FB6];
	_ =	sdelay $0x3  }
0x33: {  	p0 =	seq.s32 s10, $0x1;
	s10 =	sld [smem:$0x3FB8];
	_ =	sdelay $0x3  }
0x34: {  	[smem:$0x3FB8] =	sst s10  }
0x35: {  	s10 =	sld [smem:$0x3FB7];
	_ =	sdelay $0x3  }
0x36: {  	p1 =	seq.s32 s10, $0x1;
	s10 =	sld [smem:$0x3FB8];
	_ =	sdelay $0x3  }
0x37: {  	[smem:$0x3FB8] =	sst s10  }
0x38: {  	s10 =	sld [smem:$0x3FB9]  }
0x39: {  	_ = 	snop;
	(pc) =	sbr.ind lr, $3  }
0x3a: {  	_ = 	snop  }
0x3b: {  	_ = 	snop  }
0x3c: {  	p2 =	seq.s32 s10, $0x1;
	s10 =	sld [smem:$0x3FB8]  }
0x3d: {  	_ =	shalt  }
0x3e: {  	_ =	shalt  }
0x3f: {  	_ =	shalt  }
0x40: {  	_ =	shalt  }
0x41: {  	_ =	shalt  }
0x42: {  	_ =	shalt  }
0x43: {  	_ =	shalt  }
0x44: {  	_ =	shalt  }
0x45: {  	_ =	shalt  }
0x46: {  	_ =	shalt  }
0x47: {  	_ =	shalt  }
0x48: {  	_ =	shalt  }
0x49: {  	_ =	shalt  }
0x4a: {  	_ =	shalt  }
0x4b: {  	_ =	shalt  }
0x4c: {  	_ =	shalt  }
0x4d: {  	_ =	shalt  }
0x4e: {  	_ =	shalt  }
0x4f: {  	_ =	shalt  }
0x50: {  	_ =	shalt  }
0x51: {  	_ =	shalt  }
0x52: {  	_ =	shalt  }
0x53: {  	_ =	shalt  }
0x54: {  	_ =	shalt  }
0x55: {  	_ =	shalt  }
0x56: {  	_ =	shalt  }
0x57: {  	_ =	shalt  }
0x58: {  	_ =	shalt  }
0x59: {  	_ =	shalt  }
0x5a: {  	_ =	shalt  }
0x5b: {  	_ =	shalt  }
0x5c: {  	_ =	shalt  }
0x5d: {  	_ =	shalt  }
0x5e: {  	_ =	shalt  }
0x5f: {  	_ =	shalt  }
0x60: {  	_ =	shalt  }
0x61: {  	_ =	shalt  }
0x62: {  	_ =	shalt  }
0x63: {  	_ =	shalt  }
0x64: {  	_ =	shalt  }
0x65: {  	_ =	shalt  }
0x66: {  	_ =	shalt  }
0x67: {  	_ =	shalt  }
0x68: {  	_ =	shalt  }
0x69: {  	_ =	shalt  }
0x6a: {  	_ =	shalt  }
0x6b: {  	_ =	shalt  }
0x6c: {  	_ =	shalt  }
0x6d: {  	_ =	shalt  }
0x6e: {  	_ =	shalt  }
0x6f: {  	_ =	shalt  }
0x70: {  	_ =	shalt  }
0x71: {  	_ =	shalt  }
0x72: {  	_ =	shalt  }
0x73: {  	_ =	shalt  }
0x74: {  	_ =	shalt  }
0x75: {  	_ =	shalt  }
0x76: {  	_ =	shalt  }
0x77: {  	_ =	shalt  }
0x78: {  	_ =	shalt  }
0x79: {  	_ =	shalt  }
0x7a: {  	_ =	shalt  }
0x7b: {  	_ =	shalt  }
0x7c: {  	_ =	shalt  }
0x7d: {  	_ =	shalt  }
0x7e: {  	_ =	shalt  }
0x7f: {  	_ =	shalt  }
0x80: {  	_ =	shalt  }
0x81: {  	_ =	shalt  }
0x82: {  	_ =	shalt  }
0x83: {  	_ =	shalt  }
0x84: {  	_ =	shalt  }
0x85: {  	_ =	shalt  }
0x86: {  	_ =	shalt  }
0x87: {  	_ =	shalt  }
.Lfunc_end0:
.L_simem_size_0:
called_computation_lowered:
.L_overlay_start_0:
0x88: {  	s2 =	sld [smem:$0x3FD9]  }
0x89: {  	s3 =	sld [smem:$0x3FFE];
	_ =	sdelay $0x1  }
0x8a: {  	s1 =	srdreg.scid  }
0x8b: {  	s0 =	sand.u32 $0x1, s1  }
0x8c: {  	s17 =	sshll.u32 s0, $0xA;
	s2 =	sadd.s32 s3, s2  }
0x8d: {  	s2 =	sadd.s32 s2, s17  }
0x8e: {  	[smem:$0x3FC4] =	sst s2  }
0x8f: {  	_ = 	snop  }
0x90: {  	s2 =	sld [smem:$0x3FC9]  }
0x91: {  	s18 =	sld [smem:$0x3FC8]  }
0x92: {  	s4 =	sld [smem:$0x3FD0];
	(tm) =	ssettm $0x1  }
0x93: {  	s5 =	sld [smem:$0x3FFB];
	_ =	sdelay $0x3  }
0x94: {  	_ =	strace s5  }
0x95: {  	s5 =	sld [smem:$0x3FFC];
	_ =	sdelay $0x3  }
0x96: {  	_ =	strace s5  }
0x97: {  	s5 =	sld [smem:$0x3FFD];
	_ =	sdelay $0x3  }
0x98: {  	_ =	strace s5  }
0x99: {  	_ =	strace $0x8FFFFFFF  }
0x9a: {  	s19 =	sld [smem:$0x3FDB];
	_ =	sdelay $0x1  }
0x9b: {  	s6 =	simm.s32 $_scs_section_size  }
0x9c: {  	s7 =	simm.s32 $_size__tile_overlayer_lowered;
	s8 =	simm.s32 $_tile_overlayer_lowered  }
0x9d: {  	s22 =	simm.s32 $0x1BFF;
	s21 =	sshll.u32 s8, $0x1;
	s5 =	sadd.s32 s6, s19  }
0x9e: {  	s9 =	simm.s32 $0x0;
	s20 =	sshll.u32 s7, $0x1;
	s7 =	sadd.s32 s21, s5  }
0x9f: {  	[timem:s9], [sflag:s22] =	dma.local [hbm:s7], s20  }
0xa0: {  	_ =	swait.ge [sflag:s22], s20  }
0xa1: {  	s6 =	ssub.s32 $0x0, s20;
	[sflag:s22] =	ssyncset.done $0x0  }
0xa2: {  	[sflag:s22] =	ssyncadd.s32 s6;
	_ =	sdelay $0x1  }
0xa3: {  	s23 =	simm.s32 $0x1B8B  }
0xa4: {  	_ =	swait.ge [sflag:s23], $0x1  }
0xa5: {  	[sflag:s23] =	ssyncset.done $0x0  }
0xa6: {  	s25 =	simm.s32 $0x1B8E;
	s24 =	sld [smem:$0x3FFE];
	[sflag:s23] =	ssyncadd.s32 $0xFFFFFFFF  }
0xa7: {  	s26 =	simm.s32 $execute0_lowered;
	[smem:$0x3FD2] =	sst s25  }
0xa8: {  	s7 =	sshll.u32 s26, $0x1;
	_ =	strace $0x80000046;
	[dreg:$0x1] =	wrdreg $0xFFFFFFFF  }
0xa9: {  	s28 =	simm.s32 $_size_execute0_lowered;
	s5 =	sadd.s32 s5, s7;
	[dreg:$0x0] =	wrdreg $0x0  }
0xaa: {  	s7 =	sshll.u32 s28, $0x1;
	[dreg:$0x2] =	wrdreg s5  }
0xab: {  	[dreg:$0x3] =	wrdreg s7  }
0xac: {  	[dreg:$0x4] =	wrdreg $0xC0  }
0xad: {  	_ =	task [dreg:s9], $0x5FFFF  }
0xae: {  	[dreg:$0x1] =	wrdreg $0xFFFFFFFF  }
0xaf: {  	[dreg:$0x0] =	wrdreg $0x60  }
0xb0: {  	[dreg:$0x2] =	wrdreg s2  }
0xb1: {  	[dreg:$0x3] =	wrdreg s18  }
0xb2: {  	[dreg:$0x4] =	wrdreg s24  }
0xb3: {  	[dreg:$0x5] =	wrdreg s4  }
0xb4: {  	[dreg:$0x6] =	wrdreg $0x104000  }
0xb5: {  	[dreg:$0x7] =	wrdreg $0x144000  }
0xb6: {  	[dreg:$0x8] =	wrdreg $0x9  }
0xb7: {  	_ =	task.clear_ibuf [dreg:s9], $0x9FFFF;
	_ =	strace $0x90000046  }
0xb8: {  	s29 =	simm.s32 $0x9;
	_ =	strace $0x80000048  }
0xb9: {  	_ =	swait.ge [sflag:s29], $0x1  }
0xba: {  	[sflag:s29] =	ssyncadd.s32 $0xFFFFFFFF  }
0xbb: {  	_ =	strace $0x90000048  }
0xbc: {  	_ =	sfence  }
0xbd: {  	s30 =	sld [smem:$0x0];
	_ =	sdelay $0x2  }
0xbe: {  	s31 =	sshll.u32 s1, $0xD;
	s1 =	sshrl.u32 s1, $0x2  }
0xbf: {  	s3 =	sand.u32 $0x4000, s31;
	s1 =	sadd.s32 s1, s30  }
0xc0: {  	s0 =	sor.u32 s3, s0;
	s1 =	sshll.u32 s1, $0x11  }
0xc1: {  	s0 =	sor.u32 s1, s0  }
0xc2: {  	s0 =	sadd.s32 $0x8F2B, s0  }
0xc3: {  	[sflag:s0] =	ssyncadd.remote.s32 $0x1  }
0xc4: {  	_ =	sfence.sel $0xFFFF  }
0xc5: {  	[dreg:$0x0] =	wrdreg $0xFFFFFFFF;
	(pc) =	sbr.abs _section_cstart, $3  }
0xc6: {  	[dreg:$0x1] =	wrdreg $0xFFFFFFFF  }
0xc7: {  	_ =	task.clear_ibuf [dreg:s9], $0x2FFFF;
	_ =	strace $0x9FFFFFFF  }
0xc8: {  	(tm) =	ssettm $0x7FFFFFFF  }
0xc9: {  	_ =	shalt  }
tec
execute0_lowered:
.L_overlay_start_1:
0x0: {  	(tag) =	ssettag $0x1  }
0x1: {  	s0 =	rddreg [dreg:$0x0]  }
0x2: {  	s1 =	rddreg [dreg:$0x1]  }
0x3: {  	s2 =	rddreg [dreg:$0x2]  }
0x4: {  	s5 =	rddreg [dreg:$0x3]  }
0x5: {  	s6 =	rddreg [dreg:$0x4]  }
0x6: {  	s7 =	rddreg [dreg:$0x5]  }
0x7: {  	s15 =	simm.s32 $0x0;
	s3 =	srdreg.scid;
	s11 =	stileid.u32  }
0x8: {  	s12 =	simm.s32 $0x80;
	s13 =	simm.s32 $0x400;
	s14 =	simm.s32 $0x1  }
0x9: {  	s22 =	simm.s32 $0x8;
	s23 =	simm.s32 $0x9;
	[smem:$0x7FF] =	sst s15  }
0xa: {  	s4 =	sand.u32 $0x1, s3;
	s8 =	sshll.u32 s11, $0x1;
	s3 =	sadd.s32 $0x400, s2  }
0xb: {  	s25 =	sshll.u32 s11, $0xE;
	_ =	strace $0x80000047;
	s9 =	ssub.s32 $0x2, s4  }
0xc: {  	s8 =	sor.u32 s4, s8;
	s4 =	sadd.s32 $0xF42A00, s2;
	s26 =	sadd.s32 s25, s6  }
0xd: {  	s29 =	sadd.s32 s25, s7;
	s10 =	sshll.u32 s8, $0x6;
	[dreg:$0x9] =	wrdreg s26  }
0xe: {  	s24 =	sshrl.u32 s9, $0x1;
	[dreg:$0xa] =	wrdreg s29;
	s0 =	sadd.s32 s0, s10  }
0xf: {  	s28 =	sshll.u32 s8, $0xC;
	s1 =	sadd.s32 s1, s10;
	[dreg:$0x7] =	wrdreg s0  }
0x10: {  	s2 =	ssub.s32 s9, s24;
	s30 =	sadd.s32 s5, s28;
	[dreg:$0x8] =	wrdreg s1  }
0x11: {  	s24 =	simm.s32 $0xA;
	[dreg:$0xb] =	wrdreg s30;
	s31 =	smax.u32 s2, $0x1  }
0x12: {  	s1 =	simm.s32 $0xC;
	s2 =	simm.s32 $0x0;
	[dreg:$0xc] =	wrdreg s31  }
.LBB2_1:
0x13: {  	[dreg:$0xd] =	wrdreg s2  }
0x14: {  	s0 =	rddreg [dreg:$0x7]  }
0x15: {  	[tilespmem:s15], [sflag:$0xC] =	stream.linear.gather [hbm4b:s0+s15], $0x200, $0x38;
	[tilespmem:$0x18400] =	vst v63  }
0x16: {  	_ =	swait.ge [sflag:s1], $0x200  }
0x17: {  	[sflag:s1] =	ssyncset.done $0x0  }
0x18: {  	s31 =	simm.s32 $0x200;
	s16 =	rddreg [dreg:$0x8];
	[sflag:s1] =	ssyncadd.s32 $0xFFFFFE00  }
0x19: {  	[tilespmem:s31], [sflag:$0xC] =	stream.linear.gather [hbm4b:s16+s15], $0x200, $0x38;
	[tilespmem:$0x18400] =	vst v63  }
0x1a: {  	_ =	swait.ge [sflag:s1], $0x200  }
0x1b: {  	[sflag:s1] =	ssyncset.done $0x0  }
0x1c: {  	[sflag:s1] =	ssyncadd.s32 $0xFFFFFE00  }
0x1d: {  	v0 =	vld [tilespmem:s15+$0x0];
	_ =	sdelay $0x3  }
0x1e: {  	v2 =	vld [tilespmem:s31+$0x0]  }
0x1f: {  	v1 =	vshll.u32 v0, $0x4  }
0x20: {  	(v2sf) =	vpush v1, $0x0  }
0x21: {  	(v2sf) =	vpush v1, $0x1  }
0x22: {  	(v2sf) =	vpush v1, $0x2  }
0x23: {  	v63 =	vshll.u32 v2, $0x4  }
0x24: {  	(v2sf) =	vpush v63, $0x0;
	_ =	sdelay $0x6  }
0x25: {  	(v2sf) =	vpush v63, $0x1;
	_ =	sdelay $0x3  }
0x26: {  	s17 =	spop (v2sf)  }
0x27: {  	s0 =	sand.u32 $0x1FFFFFF0, s17;
	s18 =	spop (v2sf)  }
0x28: {  	s19 =	simm.s32 $0x400;
	s0 =	sadd.s32 s3, s0;
	s5 =	spop (v2sf)  }
0x29: {  	[tilespmem:s19], [sflag:$0x1] =	stream.strided.gather [hbm4b:s0+s12], $0x0, s13, s12, $0x38;
	[tilespmem:$0x18400] =	vst v63  }
0x2a: {  	(v2sf) =	vpush v63, $0x2;
	s6 =	spop (v2sf)  }
0x2b: {  	s20 =	sand.u32 $0x1FFFFFF0, s6  }
0x2c: {  	[tilespmem:s19], [sflag:$0x1] =	stream.linear.gather [hbm4b:s0+s15], $0x40, $0x38;
	[tilespmem:$0x18400] =	vst v63  }
0x2d: {  	s21 =	simm.s32 $0x8400;
	s0 =	sadd.s32 s4, s20  }
0x2e: {  	(v2sf) =	vpush v1, $0x3;
	[tilespmem:s21], [sflag:$0x5] =	stream.strided.gather [hbm4b:s0+s12], $0x0, s13, s12, $0x38;
	[tilespmem:$0x18400] =	vst v63  }
0x2f: {  	s1 =	sand.u32 $0x1FFFFFF0, s18  }
0x30: {  	[tilespmem:s21], [sflag:$0x5] =	stream.linear.gather [hbm4b:s0+s15], $0x40, $0x38;
	[tilespmem:$0x18400] =	vst v63  }
0x31: {  	s26 =	simm.s32 $0x440;
	s1 =	sadd.s32 s3, s1;
	s25 =	spop (v2sf)  }
0x32: {  	(v2sf) =	vpush v63, $0x3;
	[tilespmem:s26], [sflag:$0x1] =	stream.strided.gather [hbm4b:s1+s12], $0x0, s13, s12, $0x38;
	[tilespmem:$0x18400] =	vst v63  }
0x33: {  	s0 =	sand.u32 $0x1FFFFFF0, s25  }
0x34: {  	[tilespmem:s26], [sflag:$0x1] =	stream.linear.gather [hbm4b:s1+s15], $0x40, $0x38;
	[tilespmem:$0x18400] =	vst v63  }
0x35: {  	s28 =	simm.s32 $0x8440;
	s0 =	sadd.s32 s4, s0  }
0x36: {  	(v2sf) =	vpush v1, $0x4;
	[tilespmem:s28], [sflag:$0x5] =	stream.strided.gather [hbm4b:s0+s12], $0x0, s13, s12, $0x38;
	[tilespmem:$0x18400] =	vst v63  }
0x37: {  	s29 =	sand.u32 $0x1FFFFFF0, s5  }
0x38: {  	[tilespmem:s28], [sflag:$0x5] =	stream.linear.gather [hbm4b:s0+s15], $0x40, $0x38;
	[tilespmem:$0x18400] =	vst v63  }
0x39: {  	s5 =	simm.s32 $0x480;
	s2 =	sadd.s32 s3, s29;
	s1 =	spop (v2sf)  }
0x3a: {  	(v2sf) =	vpush v63, $0x4;
	[tilespmem:s5], [sflag:$0x1] =	stream.strided.gather [hbm4b:s2+s12], $0x0, s13, s12, $0x38;
	[tilespmem:$0x18400] =	vst v63  }
0x3b: {  	s0 =	sand.u32 $0x1FFFFFF0, s1  }
0x3c: {  	[tilespmem:s5], [sflag:$0x1] =	stream.linear.gather [hbm4b:s2+s15], $0x40, $0x38;
	[tilespmem:$0x18400] =	vst v63  }
0x3d: {  	s7 =	simm.s32 $0x8480;
	s6 =	spop (v2sf);
	s0 =	sadd.s32 s4, s0  }
0x3e: {  	(v2sf) =	vpush v1, $0x5;
	[tilespmem:s7], [sflag:$0x5] =	stream.strided.gather [hbm4b:s0+s12], $0x0, s13, s12, $0x38;
	[tilespmem:$0x18400] =	vst v63  }
0x3f: {  	s1 =	sand.u32 $0x1FFFFFF0, s6  }
0x40: {  	[tilespmem:s7], [sflag:$0x5] =	stream.linear.gather [hbm4b:s0+s15], $0x40, $0x38;
	[tilespmem:$0x18400] =	vst v63  }
0x41: {  	s9 =	simm.s32 $0x4C0;
	s8 =	spop (v2sf);
	s1 =	sadd.s32 s3, s1  }
0x42: {  	(v2sf) =	vpush v63, $0x5;
	[tilespmem:s9], [sflag:$0x1] =	stream.strided.gather [hbm4b:s1+s12], $0x0, s13, s12, $0x38;
	[tilespmem:$0x18400] =	vst v63  }
0x43: {  	s0 =	sand.u32 $0x1FFFFFF0, s8  }
0x44: {  	[tilespmem:s9], [sflag:$0x1] =	stream.linear.gather [hbm4b:s1+s15], $0x40, $0x38;
	[tilespmem:$0x18400] =	vst v63  }
0x45: {  	s11 =	simm.s32 $0x84C0;
	s10 =	spop (v2sf);
	s0 =	sadd.s32 s4, s0  }
0x46: {  	(v2sf) =	vpush v1, $0x6;
	[tilespmem:s11], [sflag:$0x5] =	stream.strided.gather [hbm4b:s0+s12], $0x0, s13, s12, $0x38;
	[tilespmem:$0x18400] =	vst v63  }
0x47: {  	s1 =	sand.u32 $0x1FFFFFF0, s10  }
0x48: {  	[tilespmem:s11], [sflag:$0x5] =	stream.linear.gather [hbm4b:s0+s15], $0x40, $0x38;
	[tilespmem:$0x18400] =	vst v63  }
0x49: {  	s17 =	simm.s32 $0x500;
	s16 =	spop (v2sf);
	s1 =	sadd.s32 s3, s1  }
0x4a: {  	(v2sf) =	vpush v63, $0x6;
	[tilespmem:s17], [sflag:$0x2] =	stream.strided.gather [hbm4b:s1+s12], $0x0, s13, s12, $0x38;
	[tilespmem:$0x18400] =	vst v63  }
0x4b: {  	s0 =	sand.u32 $0x1FFFFFF0, s16  }
0x4c: {  	[tilespmem:s17], [sflag:$0x2] =	stream.linear.gather [hbm4b:s1+s15], $0x40, $0x38;
	[tilespmem:$0x18400] =	vst v63  }
0x4d: {  	s19 =	simm.s32 $0x8500;
	s18 =	spop (v2sf);
	s0 =	sadd.s32 s4, s0  }
0x4e: {  	(v2sf) =	vpush v1, $0x7;
	[tilespmem:s19], [sflag:$0x6] =	stream.strided.gather [hbm4b:s0+s12], $0x0, s13, s12, $0x38;
	[tilespmem:$0x18400] =	vst v63  }
0x4f: {  	s1 =	sand.u32 $0x1FFFFFF0, s18  }
0x50: {  	[tilespmem:s19], [sflag:$0x6] =	stream.linear.gather [hbm4b:s0+s15], $0x40, $0x38;
	[tilespmem:$0x18400] =	vst v63  }
0x51: {  	s21 =	simm.s32 $0x540;
	s20 =	spop (v2sf);
	s1 =	sadd.s32 s3, s1  }
0x52: {  	(v2sf) =	vpush v63, $0x7;
	[tilespmem:s21], [sflag:$0x2] =	stream.strided.gather [hbm4b:s1+s12], $0x0, s13, s12, $0x38;
	[tilespmem:$0x18400] =	vst v63  }
0x53: {  	s0 =	sand.u32 $0x1FFFFFF0, s20  }
0x54: {  	[tilespmem:s21], [sflag:$0x2] =	stream.linear.gather [hbm4b:s1+s15], $0x40, $0x38;
	[tilespmem:$0x18400] =	vst v63  }
0x55: {  	s26 =	simm.s32 $0x8540;
	s25 =	spop (v2sf);
	s0 =	sadd.s32 s4, s0  }
0x56: {  	(v2sf) =	vpush v1, $0x8;
	[tilespmem:s26], [sflag:$0x6] =	stream.strided.gather [hbm4b:s0+s12], $0x0, s13, s12, $0x38;
	[tilespmem:$0x18400] =	vst v63  }
0x57: {  	s1 =	sand.u32 $0x1FFFFFF0, s25  }
0x58: {  	[tilespmem:s26], [sflag:$0x6] =	stream.linear.gather [hbm4b:s0+s15], $0x40, $0x38;
	[tilespmem:$0x18400] =	vst v63  }
0x59: {  	s29 =	simm.s32 $0x580;
	s28 =	spop (v2sf);
	s1 =	sadd.s32 s3, s1  }
0x5a: {  	(v2sf) =	vpush v63, $0x8;
	[tilespmem:s29], [sflag:$0x2] =	stream.strided.gather [hbm4b:s1+s12], $0x0, s13, s12, $0x38;
	[tilespmem:$0x18400] =	vst v63  }
0x5b: {  	s0 =	sand.u32 $0x1FFFFFF0, s28  }
0x5c: {  	[tilespmem:s29], [sflag:$0x2] =	stream.linear.gather [hbm4b:s1+s15], $0x40, $0x38;
	[tilespmem:$0x18400] =	vst v63  }
0x5d: {  	s5 =	simm.s32 $0x8580;
	s2 =	spop (v2sf);
	s0 =	sadd.s32 s4, s0  }
0x5e: {  	(v2sf) =	vpush v1, $0x9;
	[tilespmem:s5], [sflag:$0x6] =	stream.strided.gather [hbm4b:s0+s12], $0x0, s13, s12, $0x38;
	[tilespmem:$0x18400] =	vst v63  }
0x5f: {  	s1 =	sand.u32 $0x1FFFFFF0, s2  }
0x60: {  	[tilespmem:s5], [sflag:$0x6] =	stream.linear.gather [hbm4b:s0+s15], $0x40, $0x38;
	[tilespmem:$0x18400] =	vst v63  }
0x61: {  	s7 =	simm.s32 $0x5C0;
	s6 =	spop (v2sf);
	s1 =	sadd.s32 s3, s1  }
0x62: {  	(v2sf) =	vpush v63, $0x9;
	[tilespmem:s7], [sflag:$0x2] =	stream.strided.gather [hbm4b:s1+s12], $0x0, s13, s12, $0x38;
	[tilespmem:$0x18400] =	vst v63  }
0x63: {  	s0 =	sand.u32 $0x1FFFFFF0, s6  }
0x64: {  	[tilespmem:s7], [sflag:$0x2] =	stream.linear.gather [hbm4b:s1+s15], $0x40, $0x38;
	[tilespmem:$0x18400] =	vst v63  }
0x65: {  	s9 =	simm.s32 $0x85C0;
	s8 =	spop (v2sf);
	s0 =	sadd.s32 s4, s0  }
0x66: {  	(v2sf) =	vpush v1, $0xA;
	[tilespmem:s9], [sflag:$0x6] =	stream.strided.gather [hbm4b:s0+s12], $0x0, s13, s12, $0x38;
	[tilespmem:$0x18400] =	vst v63  }
0x67: {  	s1 =	sand.u32 $0x1FFFFFF0, s8  }
0x68: {  	[tilespmem:s9], [sflag:$0x6] =	stream.linear.gather [hbm4b:s0+s15], $0x40, $0x38;
	[tilespmem:$0x18400] =	vst v63  }
0x69: {  	s11 =	simm.s32 $0x600;
	s10 =	spop (v2sf);
	s1 =	sadd.s32 s3, s1  }
0x6a: {  	(v2sf) =	vpush v63, $0xA;
	[tilespmem:s11], [sflag:$0x3] =	stream.strided.gather [hbm4b:s1+s12], $0x0, s13, s12, $0x38;
	[tilespmem:$0x18400] =	vst v63  }
0x6b: {  	s0 =	sand.u32 $0x1FFFFFF0, s10  }
0x6c: {  	[tilespmem:s11], [sflag:$0x3] =	stream.linear.gather [hbm4b:s1+s15], $0x40, $0x38;
	[tilespmem:$0x18400] =	vst v63  }
0x6d: {  	s17 =	simm.s32 $0x8600;
	s16 =	spop (v2sf);
	s0 =	sadd.s32 s4, s0  }
0x6e: {  	(v2sf) =	vpush v1, $0xB;
	[tilespmem:s17], [sflag:$0x7] =	stream.strided.gather [hbm4b:s0+s12], $0x0, s13, s12, $0x38;
	[tilespmem:$0x18400] =	vst v63  }
0x6f: {  	s1 =	sand.u32 $0x1FFFFFF0, s16  }
0x70: {  	[tilespmem:s17], [sflag:$0x7] =	stream.linear.gather [hbm4b:s0+s15], $0x40, $0x38;
	[tilespmem:$0x18400] =	vst v63  }
0x71: {  	s19 =	simm.s32 $0x640;
	s18 =	spop (v2sf);
	s1 =	sadd.s32 s3, s1  }
0x72: {  	(v2sf) =	vpush v63, $0xB;
	[tilespmem:s19], [sflag:$0x3] =	stream.strided.gather [hbm4b:s1+s12], $0x0, s13, s12, $0x38;
	[tilespmem:$0x18400] =	vst v63  }
0x73: {  	s0 =	sand.u32 $0x1FFFFFF0, s18  }
0x74: {  	[tilespmem:s19], [sflag:$0x3] =	stream.linear.gather [hbm4b:s1+s15], $0x40, $0x38;
	[tilespmem:$0x18400] =	vst v63  }
0x75: {  	s21 =	simm.s32 $0x8640;
	s20 =	spop (v2sf);
	s0 =	sadd.s32 s4, s0  }
0x76: {  	(v2sf) =	vpush v1, $0xC;
	[tilespmem:s21], [sflag:$0x7] =	stream.strided.gather [hbm4b:s0+s12], $0x0, s13, s12, $0x38;
	[tilespmem:$0x18400] =	vst v63  }
0x77: {  	s1 =	sand.u32 $0x1FFFFFF0, s20  }
0x78: {  	[tilespmem:s21], [sflag:$0x7] =	stream.linear.gather [hbm4b:s0+s15], $0x40, $0x38;
	[tilespmem:$0x18400] =	vst v63  }
0x79: {  	s26 =	simm.s32 $0x680;
	s25 =	spop (v2sf);
	s1 =	sadd.s32 s3, s1  }
0x7a: {  	(v2sf) =	vpush v63, $0xC;
	[tilespmem:s26], [sflag:$0x3] =	stream.strided.gather [hbm4b:s1+s12], $0x0, s13, s12, $0x38;
	[tilespmem:$0x18400] =	vst v63  }
0x7b: {  	s0 =	sand.u32 $0x1FFFFFF0, s25  }
0x7c: {  	[tilespmem:s26], [sflag:$0x3] =	stream.linear.gather [hbm4b:s1+s15], $0x40, $0x38;
	[tilespmem:$0x18400] =	vst v63  }
0x7d: {  	s29 =	simm.s32 $0x8680;
	s28 =	spop (v2sf);
	s0 =	sadd.s32 s4, s0  }
0x7e: {  	(v2sf) =	vpush v1, $0xD;
	[tilespmem:s29], [sflag:$0x7] =	stream.strided.gather [hbm4b:s0+s12], $0x0, s13, s12, $0x38;
	[tilespmem:$0x18400] =	vst v63  }
0x7f: {  	s1 =	sand.u32 $0x1FFFFFF0, s28  }
0x80: {  	[tilespmem:s29], [sflag:$0x7] =	stream.linear.gather [hbm4b:s0+s15], $0x40, $0x38;
	[tilespmem:$0x18400] =	vst v63  }
0x81: {  	s5 =	simm.s32 $0x6C0;
	s2 =	spop (v2sf);
	s1 =	sadd.s32 s3, s1  }
0x82: {  	(v2sf) =	vpush v63, $0xD;
	[tilespmem:s5], [sflag:$0x3] =	stream.strided.gather [hbm4b:s1+s12], $0x0, s13, s12, $0x38;
	[tilespmem:$0x18400] =	vst v63  }
0x83: {  	s0 =	sand.u32 $0x1FFFFFF0, s2  }
0x84: {  	[tilespmem:s5], [sflag:$0x3] =	stream.linear.gather [hbm4b:s1+s15], $0x40, $0x38;
	[tilespmem:$0x18400] =	vst v63  }
0x85: {  	s7 =	simm.s32 $0x86C0;
	s6 =	spop (v2sf);
	s0 =	sadd.s32 s4, s0  }
0x86: {  	(v2sf) =	vpush v1, $0xE;
	[tilespmem:s7], [sflag:$0x7] =	stream.strided.gather [hbm4b:s0+s12], $0x0, s13, s12, $0x38;
	[tilespmem:$0x18400] =	vst v63  }
0x87: {  	s1 =	sand.u32 $0x1FFFFFF0, s6  }
0x88: {  	[tilespmem:s7], [sflag:$0x7] =	stream.linear.gather [hbm4b:s0+s15], $0x40, $0x38;
	[tilespmem:$0x18400] =	vst v63  }
0x89: {  	s9 =	simm.s32 $0x700;
	s8 =	spop (v2sf);
	s1 =	sadd.s32 s3, s1  }
0x8a: {  	(v2sf) =	vpush v63, $0xE;
	[tilespmem:s9], [sflag:$0x4] =	stream.strided.gather [hbm4b:s1+s12], $0x0, s13, s12, $0x38;
	[tilespmem:$0x18400] =	vst v63  }
0x8b: {  	s0 =	sand.u32 $0x1FFFFFF0, s8  }
0x8c: {  	[tilespmem:s9], [sflag:$0x4] =	stream.linear.gather [hbm4b:s1+s15], $0x40, $0x38;
	[tilespmem:$0x18400] =	vst v63  }
0x8d: {  	s11 =	simm.s32 $0x8700;
	s10 =	spop (v2sf);
	s0 =	sadd.s32 s4, s0  }
0x8e: {  	(v2sf) =	vpush v1, $0xF;
	[tilespmem:s11], [sflag:$0x8] =	stream.strided.gather [hbm4b:s0+s12], $0x0, s13, s12, $0x38;
	[tilespmem:$0x18400] =	vst v63  }
0x8f: {  	s1 =	sand.u32 $0x1FFFFFF0, s10  }
0x90: {  	[tilespmem:s11], [sflag:$0x8] =	stream.linear.gather [hbm4b:s0+s15], $0x40, $0x38;
	[tilespmem:$0x18400] =	vst v63  }
0x91: {  	s17 =	simm.s32 $0x740;
	s16 =	spop (v2sf);
	s1 =	sadd.s32 s3, s1  }
0x92: {  	(v2sf) =	vpush v63, $0xF;
	[tilespmem:s17], [sflag:$0x4] =	stream.strided.gather [hbm4b:s1+s12], $0x0, s13, s12, $0x38;
	[tilespmem:$0x18400] =	vst v63  }
0x93: {  	s0 =	sand.u32 $0x1FFFFFF0, s16  }
0x94: {  	[tilespmem:s17], [sflag:$0x4] =	stream.linear.gather [hbm4b:s1+s15], $0x40, $0x38;
	[tilespmem:$0x18400] =	vst v63  }
0x95: {  	s19 =	simm.s32 $0x8740;
	s18 =	spop (v2sf);
	s0 =	sadd.s32 s4, s0  }
0x96: {  	[tilespmem:s19], [sflag:$0x8] =	stream.strided.gather [hbm4b:s0+s12], $0x0, s13, s12, $0x38;
	[tilespmem:$0x18400] =	vst v63  }
0x97: {  	s1 =	sand.u32 $0x1FFFFFF0, s18  }
0x98: {  	[tilespmem:s19], [sflag:$0x8] =	stream.linear.gather [hbm4b:s0+s15], $0x40, $0x38;
	[tilespmem:$0x18400] =	vst v63  }
0x99: {  	s21 =	simm.s32 $0x780;
	s20 =	spop (v2sf);
	s1 =	sadd.s32 s3, s1  }
0x9a: {  	[tilespmem:s21], [sflag:$0x4] =	stream.strided.gather [hbm4b:s1+s12], $0x0, s13, s12, $0x38;
	[tilespmem:$0x18400] =	vst v63  }
0x9b: {  	s0 =	sand.u32 $0x1FFFFFF0, s20  }
0x9c: {  	[tilespmem:s21], [sflag:$0x4] =	stream.linear.gather [hbm4b:s1+s15], $0x40, $0x38;
	[tilespmem:$0x18400] =	vst v63  }
0x9d: {  	s26 =	simm.s32 $0x8780;
	s25 =	spop (v2sf);
	s0 =	sadd.s32 s4, s0  }
0x9e: {  	[tilespmem:s26], [sflag:$0x8] =	stream.strided.gather [hbm4b:s0+s12], $0x0, s13, s12, $0x38;
	[tilespmem:$0x18400] =	vst v63  }
0x9f: {  	s1 =	sand.u32 $0x1FFFFFF0, s25  }
0xa0: {  	[tilespmem:s26], [sflag:$0x8] =	stream.linear.gather [hbm4b:s0+s15], $0x40, $0x38;
	[tilespmem:$0x18400] =	vst v63  }
0xa1: {  	s29 =	simm.s32 $0x7C0;
	s28 =	spop (v2sf);
	s1 =	sadd.s32 s3, s1  }
0xa2: {  	[tilespmem:s29], [sflag:$0x4] =	stream.strided.gather [hbm4b:s1+s12], $0x0, s13, s12, $0x38;
	[tilespmem:$0x18400] =	vst v63  }
0xa3: {  	s30 =	simm.s32 $0x0;
	s25 =	simm.s32 $0x0;
	s0 =	sand.u32 $0x1FFFFFF0, s28  }
0xa4: {  	[tilespmem:s29], [sflag:$0x4] =	stream.linear.gather [hbm4b:s1+s15], $0x40, $0x38;
	[tilespmem:$0x18400] =	vst v63  }
0xa5: {  	s2 =	sadd.s32 s4, s0;
	s0 =	simm.s32 $0x1000;
	s1 =	simm.s32 $0x87C0  }
0xa6: {  	[tilespmem:s1], [sflag:$0x8] =	stream.strided.gather [hbm4b:s2+s12], $0x0, s13, s12, $0x38;
	[tilespmem:$0x18400] =	vst v63  }
.LBB2_2:
0xa7: {  	p0 =	sne.s32 s0, $0xF000;
	s25 =	sadd.s32 $0x10, s25;
	s31 =	sadd.s32 $0x10, s31  }
0xa8: {  	[tilespmem:s1], [sflag:$0x8] =	stream.linear.gather [hbm4b:s2+s30], $0x40, $0x38;
	[tilespmem:$0x18400] =	vst v63  }
0xa9: {  	s1 =	smov.u32 s0;
	s0 =	sadd.s32 $0x1000, s0;
	v0 =	vld [tilespmem:s25+$0x0];
	_ =	sdelay $0x3  }
0xaa: {  	v2 =	vld [tilespmem:s31+$0x0]  }
0xab: {  	v1 =	vshll.u32 v0, $0x4  }
0xac: {  	(v2sf) =	vpush v1, $0x0  }
0xad: {  	(v2sf) =	vpush v1, $0x1  }
0xae: {  	(v2sf) =	vpush v1, $0x2  }
0xaf: {  	v0 =	vshll.u32 v2, $0x4  }
0xb0: {  	(v2sf) =	vpush v0, $0x0;
	_ =	sdelay $0x1  }
0xb1: {  	(v2sf) =	vpush v0, $0x1  }
0xb2: {  	(v2sf) =	vpush v0, $0x2;
	_ =	sdelay $0x3  }
0xb3: {  	(v2sf) =	vpush v1, $0x3;
	_ =	sdelay $0x3  }
0xb4: {  	s30 =	simm.s32 $0x0;
	s2 =	spop (v2sf);
	(v2sf) =	vpush v0, $0x3  }
0xb5: {  	s26 =	sshra.s32 s1, $0x2;
	s1 =	sand.u32 $0x1FFFFFF0, s2;
	s2 =	spop (v2sf)  }
0xb6: {  	s5 =	sadd.s32 $0x400, s26;
	s1 =	sadd.s32 s3, s1;
	s6 =	spop (v2sf)  }
0xb7: {  	[tilespmem:s5], [sflag:$0x1] =	stream.strided.gather [hbm4b:s1+s12], $0x0, s13, s12, $0x38;
	[tilespmem:$0x18400] =	vst v63  }
0xb8: {  	s2 =	sand.u32 $0x1FFFFFF0, s2;
	s6 =	sand.u32 $0x1FFFFFF0, s6;
	s7 =	spop (v2sf);
	(v2sf) =	vpush v1, $0x4  }
0xb9: {  	[tilespmem:s5], [sflag:$0x1] =	stream.linear.gather [hbm4b:s1+s30], $0x40, $0x38;
	[tilespmem:$0x18400] =	vst v63  }
0xba: {  	s1 =	sadd.s32 $0x8400, s26;
	s5 =	sand.u32 $0x1FFFFFF0, s7;
	s7 =	spop (v2sf);
	(v2sf) =	vpush v0, $0x4  }
0xbb: {  	s5 =	sadd.s32 s4, s5;
	s7 =	sand.u32 $0x1FFFFFF0, s7;
	s8 =	spop (v2sf)  }
0xbc: {  	[tilespmem:s1], [sflag:$0x5] =	stream.strided.gather [hbm4b:s5+s12], $0x0, s13, s12, $0x38;
	(v2sf) =	vpush v1, $0x5;
	[tilespmem:$0x18400] =	vst v63  }
0xbd: {  	s9 =	sadd.s32 $0x440, s26;
	s2 =	sadd.s32 s3, s2;
	s8 =	sand.u32 $0x1FFFFFF0, s8  }
0xbe: {  	[tilespmem:s1], [sflag:$0x5] =	stream.linear.gather [hbm4b:s5+s30], $0x40, $0x38;
	(v2sf) =	vpush v0, $0x5;
	[tilespmem:$0x18400] =	vst v63  }
0xbf: {  	s1 =	spop (v2sf)  }
0xc0: {  	[tilespmem:s9], [sflag:$0x1] =	stream.strided.gather [hbm4b:s2+s12], $0x0, s13, s12, $0x38;
	(v2sf) =	vpush v1, $0x6;
	[tilespmem:$0x18400] =	vst v63  }
0xc1: {  	s7 =	sadd.s32 s4, s7;
	s5 =	sadd.s32 $0x8440, s26;
	s1 =	sand.u32 $0x1FFFFFF0, s1  }
0xc2: {  	[tilespmem:s9], [sflag:$0x1] =	stream.linear.gather [hbm4b:s2+s30], $0x40, $0x38;
	(v2sf) =	vpush v0, $0x6;
	[tilespmem:$0x18400] =	vst v63  }
0xc3: {  	s2 =	spop (v2sf)  }
0xc4: {  	[tilespmem:s5], [sflag:$0x5] =	stream.strided.gather [hbm4b:s7+s12], $0x0, s13, s12, $0x38;
	(v2sf) =	vpush v1, $0x7;
	[tilespmem:$0x18400] =	vst v63  }
0xc5: {  	s6 =	sadd.s32 s3, s6;
	s9 =	sadd.s32 $0x480, s26;
	s2 =	sand.u32 $0x1FFFFFF0, s2  }
0xc6: {  	[tilespmem:s5], [sflag:$0x5] =	stream.linear.gather [hbm4b:s7+s30], $0x40, $0x38;
	(v2sf) =	vpush v0, $0x7;
	[tilespmem:$0x18400] =	vst v63  }
0xc7: {  	s5 =	spop (v2sf)  }
0xc8: {  	[tilespmem:s9], [sflag:$0x1] =	stream.strided.gather [hbm4b:s6+s12], $0x0, s13, s12, $0x38;
	(v2sf) =	vpush v1, $0x8;
	[tilespmem:$0x18400] =	vst v63  }
0xc9: {  	s8 =	sadd.s32 s4, s8;
	s7 =	sadd.s32 $0x8480, s26;
	s10 =	spop (v2sf)  }
0xca: {  	[tilespmem:s9], [sflag:$0x1] =	stream.linear.gather [hbm4b:s6+s30], $0x40, $0x38;
	(v2sf) =	vpush v0, $0x8;
	[tilespmem:$0x18400] =	vst v63  }
0xcb: {  	s5 =	sand.u32 $0x1FFFFFF0, s5;
	s9 =	sand.u32 $0x1FFFFFF0, s10;
	s6 =	spop (v2sf)  }
0xcc: {  	[tilespmem:s7], [sflag:$0x5] =	stream.strided.gather [hbm4b:s8+s12], $0x0, s13, s12, $0x38;
	(v2sf) =	vpush v1, $0x9;
	[tilespmem:$0x18400] =	vst v63  }
0xcd: {  	s1 =	sadd.s32 s3, s1;
	s10 =	sadd.s32 $0x4C0, s26;
	s11 =	spop (v2sf)  }
0xce: {  	[tilespmem:s7], [sflag:$0x5] =	stream.linear.gather [hbm4b:s8+s30], $0x40, $0x38;
	(v2sf) =	vpush v0, $0x9;
	[tilespmem:$0x18400] =	vst v63  }
0xcf: {  	s7 =	sand.u32 $0x1FFFFFF0, s6;
	s11 =	sand.u32 $0x1FFFFFF0, s11;
	s6 =	spop (v2sf)  }
0xd0: {  	[tilespmem:s10], [sflag:$0x1] =	stream.strided.gather [hbm4b:s1+s12], $0x0, s13, s12, $0x38;
	(v2sf) =	vpush v1, $0xA;
	[tilespmem:$0x18400] =	vst v63  }
0xd1: {  	s2 =	sadd.s32 s4, s2;
	s8 =	sadd.s32 $0x84C0, s26;
	s15 =	spop (v2sf)  }
0xd2: {  	[tilespmem:s10], [sflag:$0x1] =	stream.linear.gather [hbm4b:s1+s30], $0x40, $0x38;
	(v2sf) =	vpush v0, $0xA;
	[tilespmem:$0x18400] =	vst v63  }
0xd3: {  	s10 =	sand.u32 $0x1FFFFFF0, s6;
	s1 =	sand.u32 $0x1FFFFFF0, s15;
	s6 =	spop (v2sf)  }
0xd4: {  	[tilespmem:s8], [sflag:$0x5] =	stream.strided.gather [hbm4b:s2+s12], $0x0, s13, s12, $0x38;
	(v2sf) =	vpush v1, $0xB;
	[tilespmem:$0x18400] =	vst v63  }
0xd5: {  	s16 =	sadd.s32 s3, s5;
	s15 =	sadd.s32 $0x500, s26;
	s5 =	spop (v2sf)  }
0xd6: {  	[tilespmem:s8], [sflag:$0x5] =	stream.linear.gather [hbm4b:s2+s30], $0x40, $0x38;
	(v2sf) =	vpush v0, $0xB;
	[tilespmem:$0x18400] =	vst v63  }
0xd7: {  	s6 =	sand.u32 $0x1FFFFFF0, s6;
	s5 =	sand.u32 $0x1FFFFFF0, s5;
	s2 =	spop (v2sf)  }
0xd8: {  	[tilespmem:s15], [sflag:$0x2] =	stream.strided.gather [hbm4b:s16+s12], $0x0, s13, s12, $0x38;
	(v2sf) =	vpush v1, $0xC;
	[tilespmem:$0x18400] =	vst v63  }
0xd9: {  	s29 =	sadd.s32 $0x8500, s26;
	s17 =	sadd.s32 s4, s9;
	s8 =	spop (v2sf)  }
0xda: {  	[tilespmem:s15], [sflag:$0x2] =	stream.linear.gather [hbm4b:s16+s30], $0x40, $0x38;
	(v2sf) =	vpush v0, $0xC;
	[tilespmem:$0x18400] =	vst v63  }
0xdb: {  	s9 =	sand.u32 $0x1FFFFFF0, s2;
	s28 =	sand.u32 $0x1FFFFFF0, s8;
	s2 =	spop (v2sf)  }
0xdc: {  	[tilespmem:s29], [sflag:$0x6] =	stream.strided.gather [hbm4b:s17+s12], $0x0, s13, s12, $0x38;
	(v2sf) =	vpush v1, $0xD;
	[tilespmem:$0x18400] =	vst v63  }
0xdd: {  	s7 =	sadd.s32 s3, s7;
	s15 =	sadd.s32 $0x540, s26;
	s8 =	spop (v2sf)  }
0xde: {  	[tilespmem:s29], [sflag:$0x6] =	stream.linear.gather [hbm4b:s17+s30], $0x40, $0x38;
	(v2sf) =	vpush v0, $0xD;
	[tilespmem:$0x18400] =	vst v63  }
0xdf: {  	s29 =	sand.u32 $0x1FFFFFF0, s2;
	s2 =	spop (v2sf)  }
0xe0: {  	[tilespmem:s15], [sflag:$0x2] =	stream.strided.gather [hbm4b:s7+s12], $0x0, s13, s12, $0x38;
	(v2sf) =	vpush v1, $0xE;
	[tilespmem:$0x18400] =	vst v63  }
0xe1: {  	s11 =	sadd.s32 s4, s11;
	s17 =	sadd.s32 $0x8540, s26;
	s18 =	spop (v2sf)  }
0xe2: {  	[tilespmem:s15], [sflag:$0x2] =	stream.linear.gather [hbm4b:s7+s30], $0x40, $0x38;
	[tilespmem:$0x18400] =	vst v63  }
0xe3: {  	s16 =	sand.u32 $0x1FFFFFF0, s2;
	s7 =	sand.u32 $0x1FFFFFF0, s18;
	s15 =	spop (v2sf)  }
0xe4: {  	[tilespmem:s17], [sflag:$0x6] =	stream.strided.gather [hbm4b:s11+s12], $0x0, s13, s12, $0x38;
	(v2sf) =	vpush v0, $0xE;
	[tilespmem:$0x18400] =	vst v63  }
0xe5: {  	s10 =	sadd.s32 s3, s10;
	s18 =	sadd.s32 $0x580, s26;
	s2 =	spop (v2sf)  }
0xe6: {  	[tilespmem:s17], [sflag:$0x6] =	stream.linear.gather [hbm4b:s11+s30], $0x40, $0x38;
	[tilespmem:$0x18400] =	vst v63  }
0xe7: {  	s15 =	sand.u32 $0x1FFFFFF0, s15;
	s11 =	spop (v2sf)  }
0xe8: {  	[tilespmem:s18], [sflag:$0x2] =	stream.strided.gather [hbm4b:s10+s12], $0x0, s13, s12, $0x38;
	(v2sf) =	vpush v1, $0xF;
	[tilespmem:$0x18400] =	vst v63  }
0xe9: {  	s1 =	sadd.s32 s4, s1;
	s17 =	sadd.s32 $0x8580, s26;
	s19 =	spop (v2sf)  }
0xea: {  	[tilespmem:s18], [sflag:$0x2] =	stream.linear.gather [hbm4b:s10+s30], $0x40, $0x38;
	[tilespmem:$0x18400] =	vst v63  }
0xeb: {  	s10 =	sand.u32 $0x1FFFFFF0, s19;
	s18 =	spop (v2sf)  }
0xec: {  	[tilespmem:s17], [sflag:$0x6] =	stream.strided.gather [hbm4b:s1+s12], $0x0, s13, s12, $0x38;
	(v2sf) =	vpush v0, $0xF;
	[tilespmem:$0x18400] =	vst v63  }
0xed: {  	s20 =	sadd.s32 s3, s6;
	s19 =	sadd.s32 $0x5C0, s26;
	s6 =	spop (v2sf)  }
0xee: {  	[tilespmem:s17], [sflag:$0x6] =	stream.linear.gather [hbm4b:s1+s30], $0x40, $0x38;
	[tilespmem:$0x18400] =	vst v63  }
0xef: {  	s1 =	sand.u32 $0x1FFFFFF0, s18;
	s6 =	sand.u32 $0x1FFFFFF0, s6;
	s17 =	spop (v2sf)  }
0xf0: {  	[tilespmem:s19], [sflag:$0x2] =	stream.strided.gather [hbm4b:s20+s12], $0x0, s13, s12, $0x38;
	[tilespmem:$0x18400] =	vst v63  }
0xf1: {  	s21 =	sadd.s32 s4, s5;
	s18 =	sadd.s32 $0x85C0, s26;
	s5 =	sand.u32 $0x1FFFFFF0, s17  }
0xf2: {  	[tilespmem:s19], [sflag:$0x2] =	stream.linear.gather [hbm4b:s20+s30], $0x40, $0x38;
	[tilespmem:$0x18400] =	vst v63  }
0xf3: {  	s17 =	spop (v2sf)  }
0xf4: {  	[tilespmem:s18], [sflag:$0x6] =	stream.strided.gather [hbm4b:s21+s12], $0x0, s13, s12, $0x38;
	[tilespmem:$0x18400] =	vst v63  }
0xf5: {  	s19 =	sadd.s32 $0x600, s26;
	s20 =	sadd.s32 s3, s9;
	s9 =	sand.u32 $0x1FFFFFF0, s17  }
0xf6: {  	[tilespmem:s18], [sflag:$0x6] =	stream.linear.gather [hbm4b:s21+s30], $0x40, $0x38;
	[tilespmem:$0x18400] =	vst v63  }
0xf7: {  	s17 =	spop (v2sf)  }
0xf8: {  	[tilespmem:s19], [sflag:$0x3] =	stream.strided.gather [hbm4b:s20+s12], $0x0, s13, s12, $0x38;
	[tilespmem:$0x18400] =	vst v63  }
0xf9: {  	s18 =	sadd.s32 $0x8600, s26;
	s21 =	sadd.s32 s4, s28;
	s28 =	sand.u32 $0x1FFFFFF0, s17  }
0xfa: {  	[tilespmem:s19], [sflag:$0x3] =	stream.linear.gather [hbm4b:s20+s30], $0x40, $0x38;
	[tilespmem:$0x18400] =	vst v63  }
0xfb: {  	s17 =	spop (v2sf)  }
0xfc: {  	[tilespmem:s18], [sflag:$0x7] =	stream.strided.gather [hbm4b:s21+s12], $0x0, s13, s12, $0x38;
	[tilespmem:$0x18400] =	vst v63  }
0xfd: {  	s19 =	sadd.s32 $0x640, s26;
	s20 =	sadd.s32 s3, s29;
	s29 =	sand.u32 $0x1FFFFFF0, s17  }
0xfe: {  	[tilespmem:s18], [sflag:$0x7] =	stream.linear.gather [hbm4b:s21+s30], $0x40, $0x38;
	[tilespmem:$0x18400] =	vst v63  }
0xff: {  	s8 =	sand.u32 $0x1FFFFFF0, s8  }
0x100: {  	[tilespmem:s19], [sflag:$0x3] =	stream.strided.gather [hbm4b:s20+s12], $0x0, s13, s12, $0x38;
	[tilespmem:$0x18400] =	vst v63  }
0x101: {  	s8 =	sadd.s32 s4, s8;
	s17 =	sadd.s32 $0x8640, s26  }
0x102: {  	[tilespmem:s19], [sflag:$0x3] =	stream.linear.gather [hbm4b:s20+s30], $0x40, $0x38;
	[tilespmem:$0x18400] =	vst v63  }
0x103: {  	_ = 	snop  }
0x104: {  	[tilespmem:s17], [sflag:$0x7] =	stream.strided.gather [hbm4b:s8+s12], $0x0, s13, s12, $0x38;
	[tilespmem:$0x18400] =	vst v63  }
0x105: {  	s16 =	sadd.s32 s3, s16;
	s18 =	sadd.s32 $0x680, s26  }
0x106: {  	[tilespmem:s17], [sflag:$0x7] =	stream.linear.gather [hbm4b:s8+s30], $0x40, $0x38;
	[tilespmem:$0x18400] =	vst v63  }
0x107: {  	_ = 	snop  }
0x108: {  	[tilespmem:s18], [sflag:$0x3] =	stream.strided.gather [hbm4b:s16+s12], $0x0, s13, s12, $0x38;
	[tilespmem:$0x18400] =	vst v63  }
0x109: {  	s7 =	sadd.s32 s4, s7;
	s8 =	sadd.s32 $0x8680, s26  }
0x10a: {  	[tilespmem:s18], [sflag:$0x3] =	stream.linear.gather [hbm4b:s16+s30], $0x40, $0x38;
	[tilespmem:$0x18400] =	vst v63  }
0x10b: {  	_ = 	snop  }
0x10c: {  	[tilespmem:s8], [sflag:$0x7] =	stream.strided.gather [hbm4b:s7+s12], $0x0, s13, s12, $0x38;
	[tilespmem:$0x18400] =	vst v63  }
0x10d: {  	s15 =	sadd.s32 s3, s15;
	s16 =	sadd.s32 $0x6C0, s26  }
0x10e: {  	[tilespmem:s8], [sflag:$0x7] =	stream.linear.gather [hbm4b:s7+s30], $0x40, $0x38;
	[tilespmem:$0x18400] =	vst v63  }
0x10f: {  	s2 =	sand.u32 $0x1FFFFFF0, s2  }
0x110: {  	[tilespmem:s16], [sflag:$0x3] =	stream.strided.gather [hbm4b:s15+s12], $0x0, s13, s12, $0x38;
	[tilespmem:$0x18400] =	vst v63  }
0x111: {  	s2 =	sadd.s32 s4, s2;
	s7 =	sadd.s32 $0x86C0, s26  }
0x112: {  	[tilespmem:s16], [sflag:$0x3] =	stream.linear.gather [hbm4b:s15+s30], $0x40, $0x38;
	[tilespmem:$0x18400] =	vst v63  }
0x113: {  	s8 =	sand.u32 $0x1FFFFFF0, s11  }
0x114: {  	[tilespmem:s7], [sflag:$0x7] =	stream.strided.gather [hbm4b:s2+s12], $0x0, s13, s12, $0x38;
	[tilespmem:$0x18400] =	vst v63  }
0x115: {  	s11 =	sadd.s32 $0x700, s26;
	s8 =	sadd.s32 s3, s8  }
0x116: {  	[tilespmem:s7], [sflag:$0x7] =	stream.linear.gather [hbm4b:s2+s30], $0x40, $0x38;
	[tilespmem:$0x18400] =	vst v63  }
0x117: {  	_ = 	snop  }
0x118: {  	[tilespmem:s11], [sflag:$0x4] =	stream.strided.gather [hbm4b:s8+s12], $0x0, s13, s12, $0x38;
	[tilespmem:$0x18400] =	vst v63  }
0x119: {  	s2 =	sadd.s32 $0x8700, s26;
	s7 =	sadd.s32 s4, s10  }
0x11a: {  	[tilespmem:s11], [sflag:$0x4] =	stream.linear.gather [hbm4b:s8+s30], $0x40, $0x38;
	[tilespmem:$0x18400] =	vst v63  }
0x11b: {  	_ = 	snop  }
0x11c: {  	[tilespmem:s2], [sflag:$0x8] =	stream.strided.gather [hbm4b:s7+s12], $0x0, s13, s12, $0x38;
	[tilespmem:$0x18400] =	vst v63  }
0x11d: {  	s1 =	sadd.s32 s3, s1;
	s8 =	sadd.s32 $0x740, s26  }
0x11e: {  	[tilespmem:s2], [sflag:$0x8] =	stream.linear.gather [hbm4b:s7+s30], $0x40, $0x38;
	[tilespmem:$0x18400] =	vst v63  }
0x11f: {  	_ = 	snop  }
0x120: {  	[tilespmem:s8], [sflag:$0x4] =	stream.strided.gather [hbm4b:s1+s12], $0x0, s13, s12, $0x38;
	[tilespmem:$0x18400] =	vst v63  }
0x121: {  	s6 =	sadd.s32 s4, s6;
	s2 =	sadd.s32 $0x8740, s26  }
0x122: {  	[tilespmem:s8], [sflag:$0x4] =	stream.linear.gather [hbm4b:s1+s30], $0x40, $0x38;
	[tilespmem:$0x18400] =	vst v63  }
0x123: {  	_ = 	snop  }
0x124: {  	[tilespmem:s2], [sflag:$0x8] =	stream.strided.gather [hbm4b:s6+s12], $0x0, s13, s12, $0x38;
	[tilespmem:$0x18400] =	vst v63  }
0x125: {  	s5 =	sadd.s32 s3, s5;
	s1 =	sadd.s32 $0x780, s26  }
0x126: {  	[tilespmem:s2], [sflag:$0x8] =	stream.linear.gather [hbm4b:s6+s30], $0x40, $0x38;
	[tilespmem:$0x18400] =	vst v63  }
0x127: {  	_ = 	snop  }
0x128: {  	[tilespmem:s1], [sflag:$0x4] =	stream.strided.gather [hbm4b:s5+s12], $0x0, s13, s12, $0x38;
	[tilespmem:$0x18400] =	vst v63  }
0x129: {  	s2 =	sadd.s32 $0x8780, s26;
	s6 =	sadd.s32 s4, s9  }
0x12a: {  	[tilespmem:s1], [sflag:$0x4] =	stream.linear.gather [hbm4b:s5+s30], $0x40, $0x38;
	[tilespmem:$0x18400] =	vst v63  }
0x12b: {  	_ = 	snop  }
0x12c: {  	[tilespmem:s2], [sflag:$0x8] =	stream.strided.gather [hbm4b:s6+s12], $0x0, s13, s12, $0x38;
	[tilespmem:$0x18400] =	vst v63  }
0x12d: {  	s7 =	sadd.s32 s3, s28;
	s5 =	sadd.s32 $0x7C0, s26  }
0x12e: {  	[tilespmem:s2], [sflag:$0x8] =	stream.linear.gather [hbm4b:s6+s30], $0x40, $0x38;
	[tilespmem:$0x18400] =	vst v63  }
0x12f: {  	_ = 	snop  }
0x130: {  	[tilespmem:s5], [sflag:$0x4] =	stream.strided.gather [hbm4b:s7+s12], $0x0, s13, s12, $0x38;
	[tilespmem:$0x18400] =	vst v63  }
.Ltmp0:
0x131: {  	_ = 	snop;
	(pc) =	sbr.rel @p0 .LBB2_2-.Ltmp0, $4  }
0x132: {  	s1 =	sadd.s32 $0x87C0, s26;
	s2 =	sadd.s32 s4, s29  }
0x133: {  	[tilespmem:s5], [sflag:$0x4] =	stream.linear.gather [hbm4b:s7+s30], $0x40, $0x38;
	[tilespmem:$0x18400] =	vst v63  }
0x134: {  	_ = 	snop  }
0x135: {  	[tilespmem:s1], [sflag:$0x8] =	stream.strided.gather [hbm4b:s2+s12], $0x0, s13, s12, $0x38;
	[tilespmem:$0x18400] =	vst v63  }
0x136: {  	[tilespmem:s1], [sflag:$0x8] =	stream.linear.gather [hbm4b:s2+s30], $0x40, $0x38;
	[tilespmem:$0x18400] =	vst v63  }
0x137: {  	s0 =	simm.s32 $0x100;
	s25 =	simm.s32 $0x300;
	s9 =	rddreg [dreg:$0x9]  }
0x138: {  	s7 =	stileid.u32;
	s8 =	rddreg [dreg:$0xa];
	s10 =	simm.s32 $0x10  }
.LBB2_4:
0x139: {  	v0 =	vld [tilespmem:s0+$0x0];
	_ =	sdelay $0x4  }
0x13a: {  	v0 =	vshll.u32 v0, $0x4  }
0x13b: {  	(v2sf) =	vpush v0, $0x0;
	_ =	sdelay $0xd  }
0x13c: {  	v1 =	vld [tilespmem:s25+$0x0]  }
0x13d: {  	s1 =	sshra.s32 s30, $0x2;
	s2 =	spop (v2sf)  }
0x13e: {  	s5 =	sshll.u32 s7, $0x6;
	s31 =	sadd.s32 s1, s9;
	s2 =	sand.u32 $0x1FFFFFF0, s2  }
0x13f: {  	s26 =	sor.u32 $0x1C09, s5;
	s6 =	sshrl.u32 s31, $0x3;
	s2 =	sadd.s32 s3, s2  }
0x140: {  	[spmem:s6@s10], [sflag:s26] =	dma.strided [hbm:s2@s12], $0x0, s14, $0x10   }
0x141: {  	v1 =	vshll.u32 v1, $0x4;
	[spmem:s6], [sflag:s26] =	dma.local [hbm:s2], $0x8  }
0x142: {  	(v2sf) =	vpush v1, $0x0;
	_ =	sdelay $0xe  }
0x143: {  	s2 =	spop (v2sf)  }
0x144: {  	s6 =	sadd.s32 s1, s8;
	s2 =	sand.u32 $0x1FFFFFF0, s2  }
0x145: {  	s5 =	sor.u32 $0x1C0A, s5;
	s11 =	sshrl.u32 s6, $0x3;
	s1 =	sadd.s32 s4, s2  }
0x146: {  	[spmem:s11@s10], [sflag:s5] =	dma.strided [hbm:s1@s12], $0x0, s14, $0x10   }
0x147: {  	[spmem:s11], [sflag:s5] =	dma.local [hbm:s1], $0x8  }
0x148: {  	(v2sf) =	vpush v0, $0x1;
	_ =	sdelay $0xe  }
0x149: {  	s1 =	spop (v2sf)  }
0x14a: {  	s15 =	sadd.s32 $0x40, s31;
	s1 =	sand.u32 $0x1FFFFFF0, s1  }
0x14b: {  	s2 =	sshrl.u32 s15, $0x3;
	s1 =	sadd.s32 s3, s1  }
0x14c: {  	[spmem:s2@s10], [sflag:s26] =	dma.strided [hbm:s1@s12], $0x0, s14, $0x10   }
0x14d: {  	[spmem:s2], [sflag:s26] =	dma.local [hbm:s1], $0x8  }
0x14e: {  	(v2sf) =	vpush v1, $0x1;
	_ =	sdelay $0xe  }
0x14f: {  	s1 =	spop (v2sf)  }
0x150: {  	s16 =	sadd.s32 $0x40, s6;
	s1 =	sand.u32 $0x1FFFFFF0, s1  }
0x151: {  	s2 =	sshrl.u32 s16, $0x3;
	s1 =	sadd.s32 s4, s1  }
0x152: {  	[spmem:s2@s10], [sflag:s5] =	dma.strided [hbm:s1@s12], $0x0, s14, $0x10   }
0x153: {  	[spmem:s2], [sflag:s5] =	dma.local [hbm:s1], $0x8  }
0x154: {  	(v2sf) =	vpush v0, $0x2;
	_ =	sdelay $0xe  }
0x155: {  	s1 =	spop (v2sf)  }
0x156: {  	s17 =	sadd.s32 $0x80, s31;
	s1 =	sand.u32 $0x1FFFFFF0, s1  }
0x157: {  	s2 =	sshrl.u32 s17, $0x3;
	s1 =	sadd.s32 s3, s1  }
0x158: {  	[spmem:s2@s10], [sflag:s26] =	dma.strided [hbm:s1@s12], $0x0, s14, $0x10   }
0x159: {  	[spmem:s2], [sflag:s26] =	dma.local [hbm:s1], $0x8  }
0x15a: {  	(v2sf) =	vpush v1, $0x2;
	_ =	sdelay $0xe  }
0x15b: {  	s1 =	spop (v2sf)  }
0x15c: {  	s18 =	sadd.s32 $0x80, s6;
	s1 =	sand.u32 $0x1FFFFFF0, s1  }
0x15d: {  	s2 =	sshrl.u32 s18, $0x3;
	s1 =	sadd.s32 s4, s1  }
0x15e: {  	[spmem:s2@s10], [sflag:s5] =	dma.strided [hbm:s1@s12], $0x0, s14, $0x10   }
0x15f: {  	[spmem:s2], [sflag:s5] =	dma.local [hbm:s1], $0x8  }
0x160: {  	(v2sf) =	vpush v0, $0x3;
	_ =	sdelay $0xe  }
0x161: {  	s1 =	spop (v2sf)  }
0x162: {  	s19 =	sadd.s32 $0xC0, s31;
	s1 =	sand.u32 $0x1FFFFFF0, s1  }
0x163: {  	s2 =	sshrl.u32 s19, $0x3;
	s1 =	sadd.s32 s3, s1  }
0x164: {  	[spmem:s2@s10], [sflag:s26] =	dma.strided [hbm:s1@s12], $0x0, s14, $0x10   }
0x165: {  	[spmem:s2], [sflag:s26] =	dma.local [hbm:s1], $0x8  }
0x166: {  	(v2sf) =	vpush v1, $0x3;
	_ =	sdelay $0xe  }
0x167: {  	s1 =	spop (v2sf)  }
0x168: {  	s20 =	sadd.s32 $0xC0, s6;
	s1 =	sand.u32 $0x1FFFFFF0, s1  }
0x169: {  	s2 =	sshrl.u32 s20, $0x3;
	s1 =	sadd.s32 s4, s1  }
0x16a: {  	[spmem:s2@s10], [sflag:s5] =	dma.strided [hbm:s1@s12], $0x0, s14, $0x10   }
0x16b: {  	[spmem:s2], [sflag:s5] =	dma.local [hbm:s1], $0x8  }
0x16c: {  	(v2sf) =	vpush v0, $0x4;
	_ =	sdelay $0xe  }
0x16d: {  	s1 =	spop (v2sf)  }
0x16e: {  	s21 =	sadd.s32 $0x100, s31;
	s1 =	sand.u32 $0x1FFFFFF0, s1  }
0x16f: {  	s2 =	sshrl.u32 s21, $0x3;
	s1 =	sadd.s32 s3, s1  }
0x170: {  	[spmem:s2@s10], [sflag:s26] =	dma.strided [hbm:s1@s12], $0x0, s14, $0x10   }
0x171: {  	[spmem:s2], [sflag:s26] =	dma.local [hbm:s1], $0x8  }
0x172: {  	(v2sf) =	vpush v1, $0x4;
	_ =	sdelay $0xe  }
0x173: {  	s1 =	spop (v2sf)  }
0x174: {  	s28 =	sadd.s32 $0x100, s6;
	s1 =	sand.u32 $0x1FFFFFF0, s1  }
0x175: {  	s2 =	sshrl.u32 s28, $0x3;
	s1 =	sadd.s32 s4, s1  }
0x176: {  	[spmem:s2@s10], [sflag:s5] =	dma.strided [hbm:s1@s12], $0x0, s14, $0x10   }
0x177: {  	[spmem:s2], [sflag:s5] =	dma.local [hbm:s1], $0x8  }
0x178: {  	(v2sf) =	vpush v0, $0x5;
	_ =	sdelay $0xe  }
0x179: {  	s1 =	spop (v2sf)  }
0x17a: {  	s29 =	sadd.s32 $0x140, s31;
	s1 =	sand.u32 $0x1FFFFFF0, s1  }
0x17b: {  	s2 =	sshrl.u32 s29, $0x3;
	s1 =	sadd.s32 s3, s1  }
0x17c: {  	[spmem:s2@s10], [sflag:s26] =	dma.strided [hbm:s1@s12], $0x0, s14, $0x10   }
0x17d: {  	[spmem:s2], [sflag:s26] =	dma.local [hbm:s1], $0x8  }
0x17e: {  	(v2sf) =	vpush v1, $0x5;
	_ =	sdelay $0xe  }
0x17f: {  	s1 =	spop (v2sf)  }
0x180: {  	s11 =	sadd.s32 $0x140, s6;
	s1 =	sand.u32 $0x1FFFFFF0, s1  }
0x181: {  	s2 =	sshrl.u32 s11, $0x3;
	s1 =	sadd.s32 s4, s1  }
0x182: {  	[spmem:s2@s10], [sflag:s5] =	dma.strided [hbm:s1@s12], $0x0, s14, $0x10   }
0x183: {  	[spmem:s2], [sflag:s5] =	dma.local [hbm:s1], $0x8  }
0x184: {  	(v2sf) =	vpush v0, $0x6;
	_ =	sdelay $0xe  }
0x185: {  	s1 =	spop (v2sf)  }
0x186: {  	s15 =	sadd.s32 $0x180, s31;
	s1 =	sand.u32 $0x1FFFFFF0, s1  }
0x187: {  	s2 =	sshrl.u32 s15, $0x3;
	s1 =	sadd.s32 s3, s1  }
0x188: {  	[spmem:s2@s10], [sflag:s26] =	dma.strided [hbm:s1@s12], $0x0, s14, $0x10   }
0x189: {  	[spmem:s2], [sflag:s26] =	dma.local [hbm:s1], $0x8  }
0x18a: {  	(v2sf) =	vpush v1, $0x6;
	_ =	sdelay $0xe  }
0x18b: {  	s1 =	spop (v2sf)  }
0x18c: {  	s16 =	sadd.s32 $0x180, s6;
	s1 =	sand.u32 $0x1FFFFFF0, s1  }
0x18d: {  	s2 =	sshrl.u32 s16, $0x3;
	s1 =	sadd.s32 s4, s1  }
0x18e: {  	[spmem:s2@s10], [sflag:s5] =	dma.strided [hbm:s1@s12], $0x0, s14, $0x10   }
0x18f: {  	[spmem:s2], [sflag:s5] =	dma.local [hbm:s1], $0x8  }
0x190: {  	(v2sf) =	vpush v0, $0x7;
	_ =	sdelay $0xe  }
0x191: {  	s1 =	spop (v2sf)  }
0x192: {  	s17 =	sadd.s32 $0x1C0, s31;
	s1 =	sand.u32 $0x1FFFFFF0, s1  }
0x193: {  	s2 =	sshrl.u32 s17, $0x3;
	s1 =	sadd.s32 s3, s1  }
0x194: {  	[spmem:s2@s10], [sflag:s26] =	dma.strided [hbm:s1@s12], $0x0, s14, $0x10   }
0x195: {  	[spmem:s2], [sflag:s26] =	dma.local [hbm:s1], $0x8  }
0x196: {  	(v2sf) =	vpush v1, $0x7;
	_ =	sdelay $0xe  }
0x197: {  	s1 =	spop (v2sf)  }
0x198: {  	s18 =	sadd.s32 $0x1C0, s6;
	s1 =	sand.u32 $0x1FFFFFF0, s1  }
0x199: {  	s2 =	sshrl.u32 s18, $0x3;
	s1 =	sadd.s32 s4, s1  }
0x19a: {  	[spmem:s2@s10], [sflag:s5] =	dma.strided [hbm:s1@s12], $0x0, s14, $0x10   }
0x19b: {  	[spmem:s2], [sflag:s5] =	dma.local [hbm:s1], $0x8  }
0x19c: {  	(v2sf) =	vpush v0, $0x8;
	_ =	sdelay $0xe  }
0x19d: {  	s1 =	spop (v2sf)  }
0x19e: {  	s19 =	sadd.s32 $0x200, s31;
	s1 =	sand.u32 $0x1FFFFFF0, s1  }
0x19f: {  	s2 =	sshrl.u32 s19, $0x3;
	s1 =	sadd.s32 s3, s1  }
0x1a0: {  	[spmem:s2@s10], [sflag:s26] =	dma.strided [hbm:s1@s12], $0x0, s14, $0x10   }
0x1a1: {  	[spmem:s2], [sflag:s26] =	dma.local [hbm:s1], $0x8  }
0x1a2: {  	(v2sf) =	vpush v1, $0x8;
	_ =	sdelay $0xe  }
0x1a3: {  	s1 =	spop (v2sf)  }
0x1a4: {  	s20 =	sadd.s32 $0x200, s6;
	s1 =	sand.u32 $0x1FFFFFF0, s1  }
0x1a5: {  	s2 =	sshrl.u32 s20, $0x3;
	s1 =	sadd.s32 s4, s1  }
0x1a6: {  	[spmem:s2@s10], [sflag:s5] =	dma.strided [hbm:s1@s12], $0x0, s14, $0x10   }
0x1a7: {  	[spmem:s2], [sflag:s5] =	dma.local [hbm:s1], $0x8  }
0x1a8: {  	(v2sf) =	vpush v0, $0x9;
	_ =	sdelay $0xe  }
0x1a9: {  	s1 =	spop (v2sf)  }
0x1aa: {  	s21 =	sadd.s32 $0x240, s31;
	s1 =	sand.u32 $0x1FFFFFF0, s1  }
0x1ab: {  	s2 =	sshrl.u32 s21, $0x3;
	s1 =	sadd.s32 s3, s1  }
0x1ac: {  	[spmem:s2@s10], [sflag:s26] =	dma.strided [hbm:s1@s12], $0x0, s14, $0x10   }
0x1ad: {  	[spmem:s2], [sflag:s26] =	dma.local [hbm:s1], $0x8  }
0x1ae: {  	(v2sf) =	vpush v1, $0x9;
	_ =	sdelay $0xe  }
0x1af: {  	s1 =	spop (v2sf)  }
0x1b0: {  	s28 =	sadd.s32 $0x240, s6;
	s1 =	sand.u32 $0x1FFFFFF0, s1  }
0x1b1: {  	s2 =	sshrl.u32 s28, $0x3;
	s1 =	sadd.s32 s4, s1  }
0x1b2: {  	[spmem:s2@s10], [sflag:s5] =	dma.strided [hbm:s1@s12], $0x0, s14, $0x10   }
0x1b3: {  	[spmem:s2], [sflag:s5] =	dma.local [hbm:s1], $0x8  }
0x1b4: {  	(v2sf) =	vpush v0, $0xA;
	_ =	sdelay $0xe  }
0x1b5: {  	s1 =	spop (v2sf)  }
0x1b6: {  	s29 =	sadd.s32 $0x280, s31;
	s1 =	sand.u32 $0x1FFFFFF0, s1  }
0x1b7: {  	s2 =	sshrl.u32 s29, $0x3;
	s1 =	sadd.s32 s3, s1  }
0x1b8: {  	[spmem:s2@s10], [sflag:s26] =	dma.strided [hbm:s1@s12], $0x0, s14, $0x10   }
0x1b9: {  	[spmem:s2], [sflag:s26] =	dma.local [hbm:s1], $0x8  }
0x1ba: {  	(v2sf) =	vpush v1, $0xA;
	_ =	sdelay $0xe  }
0x1bb: {  	s1 =	spop (v2sf)  }
0x1bc: {  	s11 =	sadd.s32 $0x280, s6;
	s1 =	sand.u32 $0x1FFFFFF0, s1  }
0x1bd: {  	s2 =	sshrl.u32 s11, $0x3;
	s1 =	sadd.s32 s4, s1  }
0x1be: {  	[spmem:s2@s10], [sflag:s5] =	dma.strided [hbm:s1@s12], $0x0, s14, $0x10   }
0x1bf: {  	[spmem:s2], [sflag:s5] =	dma.local [hbm:s1], $0x8  }
0x1c0: {  	(v2sf) =	vpush v0, $0xB;
	_ =	sdelay $0xe  }
0x1c1: {  	s1 =	spop (v2sf)  }
0x1c2: {  	s15 =	sadd.s32 $0x2C0, s31;
	s1 =	sand.u32 $0x1FFFFFF0, s1  }
0x1c3: {  	s2 =	sshrl.u32 s15, $0x3;
	s1 =	sadd.s32 s3, s1  }
0x1c4: {  	[spmem:s2@s10], [sflag:s26] =	dma.strided [hbm:s1@s12], $0x0, s14, $0x10   }
0x1c5: {  	[spmem:s2], [sflag:s26] =	dma.local [hbm:s1], $0x8  }
0x1c6: {  	(v2sf) =	vpush v1, $0xB;
	_ =	sdelay $0xe  }
0x1c7: {  	s1 =	spop (v2sf)  }
0x1c8: {  	s16 =	sadd.s32 $0x2C0, s6;
	s1 =	sand.u32 $0x1FFFFFF0, s1  }
0x1c9: {  	s2 =	sshrl.u32 s16, $0x3;
	s1 =	sadd.s32 s4, s1  }
0x1ca: {  	[spmem:s2@s10], [sflag:s5] =	dma.strided [hbm:s1@s12], $0x0, s14, $0x10   }
0x1cb: {  	[spmem:s2], [sflag:s5] =	dma.local [hbm:s1], $0x8  }
0x1cc: {  	(v2sf) =	vpush v0, $0xC;
	_ =	sdelay $0xe  }
0x1cd: {  	s1 =	spop (v2sf)  }
0x1ce: {  	s17 =	sadd.s32 $0x300, s31;
	s1 =	sand.u32 $0x1FFFFFF0, s1  }
0x1cf: {  	s2 =	sshrl.u32 s17, $0x3;
	s1 =	sadd.s32 s3, s1  }
0x1d0: {  	[spmem:s2@s10], [sflag:s26] =	dma.strided [hbm:s1@s12], $0x0, s14, $0x10   }
0x1d1: {  	[spmem:s2], [sflag:s26] =	dma.local [hbm:s1], $0x8  }
0x1d2: {  	(v2sf) =	vpush v1, $0xC;
	_ =	sdelay $0xe  }
0x1d3: {  	s1 =	spop (v2sf)  }
0x1d4: {  	s18 =	sadd.s32 $0x300, s6;
	s1 =	sand.u32 $0x1FFFFFF0, s1  }
0x1d5: {  	s2 =	sshrl.u32 s18, $0x3;
	s1 =	sadd.s32 s4, s1  }
0x1d6: {  	[spmem:s2@s10], [sflag:s5] =	dma.strided [hbm:s1@s12], $0x0, s14, $0x10   }
0x1d7: {  	[spmem:s2], [sflag:s5] =	dma.local [hbm:s1], $0x8  }
0x1d8: {  	(v2sf) =	vpush v0, $0xD;
	_ =	sdelay $0xe  }
0x1d9: {  	s1 =	spop (v2sf)  }
0x1da: {  	s19 =	sadd.s32 $0x340, s31;
	s1 =	sand.u32 $0x1FFFFFF0, s1  }
0x1db: {  	s2 =	sshrl.u32 s19, $0x3;
	s1 =	sadd.s32 s3, s1  }
0x1dc: {  	[spmem:s2@s10], [sflag:s26] =	dma.strided [hbm:s1@s12], $0x0, s14, $0x10   }
0x1dd: {  	[spmem:s2], [sflag:s26] =	dma.local [hbm:s1], $0x8  }
0x1de: {  	(v2sf) =	vpush v1, $0xD;
	_ =	sdelay $0xe  }
0x1df: {  	s1 =	spop (v2sf)  }
0x1e0: {  	s20 =	sadd.s32 $0x340, s6;
	s1 =	sand.u32 $0x1FFFFFF0, s1  }
0x1e1: {  	s2 =	sshrl.u32 s20, $0x3;
	s1 =	sadd.s32 s4, s1  }
0x1e2: {  	[spmem:s2@s10], [sflag:s5] =	dma.strided [hbm:s1@s12], $0x0, s14, $0x10   }
0x1e3: {  	[spmem:s2], [sflag:s5] =	dma.local [hbm:s1], $0x8  }
0x1e4: {  	(v2sf) =	vpush v0, $0xE;
	_ =	sdelay $0xe  }
0x1e5: {  	s1 =	spop (v2sf)  }
0x1e6: {  	s21 =	sadd.s32 $0x380, s31;
	s1 =	sand.u32 $0x1FFFFFF0, s1  }
0x1e7: {  	s2 =	sshrl.u32 s21, $0x3;
	s1 =	sadd.s32 s3, s1  }
0x1e8: {  	[spmem:s2@s10], [sflag:s26] =	dma.strided [hbm:s1@s12], $0x0, s14, $0x10   }
0x1e9: {  	[spmem:s2], [sflag:s26] =	dma.local [hbm:s1], $0x8  }
0x1ea: {  	(v2sf) =	vpush v1, $0xE;
	_ =	sdelay $0xe  }
0x1eb: {  	s1 =	spop (v2sf)  }
0x1ec: {  	s28 =	sadd.s32 $0x380, s6;
	s1 =	sand.u32 $0x1FFFFFF0, s1  }
0x1ed: {  	s2 =	sshrl.u32 s28, $0x3;
	s1 =	sadd.s32 s4, s1  }
0x1ee: {  	[spmem:s2@s10], [sflag:s5] =	dma.strided [hbm:s1@s12], $0x0, s14, $0x10   }
0x1ef: {  	[spmem:s2], [sflag:s5] =	dma.local [hbm:s1], $0x8  }
0x1f0: {  	(v2sf) =	vpush v0, $0xF;
	_ =	sdelay $0xe  }
0x1f1: {  	s1 =	spop (v2sf)  }
0x1f2: {  	s29 =	sadd.s32 $0x3C0, s31;
	s1 =	sand.u32 $0x1FFFFFF0, s1  }
0x1f3: {  	s2 =	sshrl.u32 s29, $0x3;
	s1 =	sadd.s32 s3, s1  }
0x1f4: {  	[spmem:s2@s10], [sflag:s26] =	dma.strided [hbm:s1@s12], $0x0, s14, $0x10   }
0x1f5: {  	[spmem:s2], [sflag:s26] =	dma.local [hbm:s1], $0x8  }
0x1f6: {  	(v2sf) =	vpush v1, $0xF;
	_ =	sdelay $0xd  }
0x1f7: {  	p0 =	sne.s32 s30, $0xF000  }
.Ltmp1:
0x1f8: {  	s0 =	sadd.s32 $0x10, s0;
	s1 =	spop (v2sf);
	(pc) =	sbr.rel @p0 .LBB2_4-.Ltmp1, $4  }
0x1f9: {  	s25 =	sadd.s32 $0x10, s25;
	s31 =	sadd.s32 $0x3C0, s6;
	s1 =	sand.u32 $0x1FFFFFF0, s1  }
0x1fa: {  	s30 =	sadd.s32 $0x1000, s30;
	s2 =	sshrl.u32 s31, $0x3;
	s1 =	sadd.s32 s4, s1  }
0x1fb: {  	[spmem:s2@s10], [sflag:s5] =	dma.strided [hbm:s1@s12], $0x0, s14, $0x10   }
0x1fc: {  	[spmem:s2], [sflag:s5] =	dma.local [hbm:s1], $0x8  }
0x1fd: {  	_ =	swait.ge [sflag:s14], $0x40  }
0x1fe: {  	[sflag:s14] =	ssyncset.done $0x0  }
0x1ff: {  	s1 =	simm.s32 $0x5;
	[sflag:s14] =	ssyncadd.s32 $0xFFFFFFC0  }
0x200: {  	_ =	swait.ge [sflag:s1], $0x40  }
0x201: {  	[sflag:s1] =	ssyncset.done $0x0  }
0x202: {  	s2 =	simm.s32 $0x2;
	[sflag:s1] =	ssyncadd.s32 $0xFFFFFFC0  }
0x203: {  	_ =	swait.ge [sflag:s2], $0x40  }
0x204: {  	[sflag:s2] =	ssyncset.done $0x0  }
0x205: {  	s5 =	simm.s32 $0x6;
	[sflag:s2] =	ssyncadd.s32 $0xFFFFFFC0  }
0x206: {  	_ =	swait.ge [sflag:s5], $0x40  }
0x207: {  	[sflag:s5] =	ssyncset.done $0x0  }
0x208: {  	s6 =	simm.s32 $0x3;
	[sflag:s5] =	ssyncadd.s32 $0xFFFFFFC0  }
0x209: {  	_ =	swait.ge [sflag:s6], $0x40  }
0x20a: {  	[sflag:s6] =	ssyncset.done $0x0  }
0x20b: {  	s10 =	simm.s32 $0x7;
	[sflag:s6] =	ssyncadd.s32 $0xFFFFFFC0  }
0x20c: {  	_ =	swait.ge [sflag:s10], $0x40  }
0x20d: {  	[sflag:s10] =	ssyncset.done $0x0  }
0x20e: {  	s11 =	simm.s32 $0x4;
	[sflag:s10] =	ssyncadd.s32 $0xFFFFFFC0  }
0x20f: {  	_ =	swait.ge [sflag:s11], $0x40  }
0x210: {  	[sflag:s11] =	ssyncset.done $0x0  }
0x211: {  	[sflag:s11] =	ssyncadd.s32 $0xFFFFFFC0  }
0x212: {  	_ =	swait.ge [sflag:s22], $0x40  }
0x213: {  	[sflag:s22] =	ssyncset.done $0x0  }
0x214: {  	[sflag:s22] =	ssyncadd.s32 $0xFFFFFFC0  }
0x215: {  	_ =	swait.ge [sflag:s23], $0x20  }
0x216: {  	[sflag:s23] =	ssyncset.done $0x0  }
0x217: {  	[sflag:s23] =	ssyncadd.s32 $0xFFFFFFE0  }
0x218: {  	_ =	swait.ge [sflag:s24], $0x20  }
0x219: {  	s0 =	simm.s32 $0x3F;
	[sflag:s24] =	ssyncset.done $0x0  }
.LBB2_6:
0x21a: {  	p0 =	sne.s32 s0, $0x1;
	s0 =	sadd.s32 $0xFFFFFFFF, s0;
	[sflag:s24] =	ssyncadd.s32 $0xFFFFFFE0  }
0x21b: {  	_ =	swait.ge [sflag:s14], $0x40  }
0x21c: {  	[sflag:s14] =	ssyncset.done $0x0  }
0x21d: {  	[sflag:s14] =	ssyncadd.s32 $0xFFFFFFC0  }
0x21e: {  	_ =	swait.ge [sflag:s1], $0x40  }
0x21f: {  	[sflag:s1] =	ssyncset.done $0x0  }
0x220: {  	[sflag:s1] =	ssyncadd.s32 $0xFFFFFFC0  }
0x221: {  	_ =	swait.ge [sflag:s2], $0x40  }
0x222: {  	[sflag:s2] =	ssyncset.done $0x0  }
0x223: {  	[sflag:s2] =	ssyncadd.s32 $0xFFFFFFC0  }
0x224: {  	_ =	swait.ge [sflag:s5], $0x40  }
0x225: {  	[sflag:s5] =	ssyncset.done $0x0  }
0x226: {  	[sflag:s5] =	ssyncadd.s32 $0xFFFFFFC0  }
0x227: {  	_ =	swait.ge [sflag:s6], $0x40  }
0x228: {  	[sflag:s6] =	ssyncset.done $0x0  }
0x229: {  	[sflag:s6] =	ssyncadd.s32 $0xFFFFFFC0  }
0x22a: {  	_ =	swait.ge [sflag:s10], $0x40  }
0x22b: {  	[sflag:s10] =	ssyncset.done $0x0  }
0x22c: {  	[sflag:s10] =	ssyncadd.s32 $0xFFFFFFC0  }
0x22d: {  	_ =	swait.ge [sflag:s11], $0x40  }
0x22e: {  	[sflag:s11] =	ssyncset.done $0x0  }
0x22f: {  	[sflag:s11] =	ssyncadd.s32 $0xFFFFFFC0  }
0x230: {  	_ =	swait.ge [sflag:s22], $0x40  }
0x231: {  	[sflag:s22] =	ssyncset.done $0x0  }
0x232: {  	[sflag:s22] =	ssyncadd.s32 $0xFFFFFFC0  }
.Ltmp2:
0x233: {  	_ =	swait.ge [sflag:s23], $0x20;
	(pc) =	sbr.rel @p0 .LBB2_6-.Ltmp2, $4  }
0x234: {  	[sflag:s23] =	ssyncset.done $0x0  }
0x235: {  	[sflag:s23] =	ssyncadd.s32 $0xFFFFFFE0  }
0x236: {  	_ =	swait.ge [sflag:s24], $0x20  }
0x237: {  	[sflag:s24] =	ssyncset.done $0x0  }
0x238: {  	[sflag:s24] =	ssyncadd.s32 $0xFFFFFFE0;
	s0 =	simm.s32 $0x4400  }
0x239: {  	[tilespmem:s0], [sflag:$0xB] =	stream.linear.gather [spmem:s9], $0x4000, $0x38;
	[tilespmem:$0x18400] =	vst v63  }
0x23a: {  	s30 =	simm.s32 $0xC400;
	s31 =	simm.s32 $0xB  }
0x23b: {  	[tilespmem:s30], [sflag:$0xB] =	stream.linear.gather [spmem:s8], $0x4000, $0x38;
	[tilespmem:$0x18400] =	vst v63  }
0x23c: {  	_ =	swait.ge [sflag:s31], $0x4000  }
0x23d: {  	[sflag:s31] =	ssyncset.done $0x0  }
0x23e: {  	[sflag:s31] =	ssyncadd.s32 $0xFFFFC000  }
0x23f: {  	_ =	swait.ge [sflag:s31], $0x4000  }
0x240: {  	[sflag:s31] =	ssyncset.done $0x0  }
0x241: {  	s0 =	simm.s32 $0x0;
	[sflag:s31] =	ssyncadd.s32 $0xFFFFC000  }
0x242: {  	v7 =	vld [tilespmem:s0+$0x8400]  }
0x243: {  	v11 =	vld [tilespmem:s0+$0x8410]  }
0x244: {  	v5 =	vld [tilespmem:s0+$0x8420]  }
0x245: {  	v4 =	vld [tilespmem:s0+$0x8430]  }
0x246: {  	v3 =	vld [tilespmem:s0+$0x8440]  }
0x247: {  	v2 =	vld [tilespmem:s0+$0x8450]  }
0x248: {  	v1 =	vld [tilespmem:s0+$0x8460]  }
0x249: {  	v0 =	vld [tilespmem:s0+$0x8470]  }
0x24a: {  	v12 =	vld [tilespmem:s0+$0x400]  }
0x24b: {  	v13 =	vld [tilespmem:s0+$0x410]  }
0x24c: {  	v10 =	vld [tilespmem:s0+$0x420]  }
0x24d: {  	v9 =	vld [tilespmem:s0+$0x430]  }
0x24e: {  	v8 =	vld [tilespmem:s0+$0x440]  }
0x24f: {  	v6 =	vld [tilespmem:s0+$0x450];
	v12 =	vmul.f32 v7, v12  }
0x250: {  	s1 =	simm.s32 $0x200;
	s15 =	simm.s32 $0x0;
	v11 =	vmul.f32 v11, v13;
	v7 =	vld [tilespmem:s0+$0x460]  }
.LBB2_8:
0x251: {  	s2 =	sshra.s32 s1, $0x2;
	p0 =	sne.s32 s1, $0x1FE00;
	[tilespmem:s0+$0x400] =	vst v12;
	v5 =	vmul.f32 v5, v10;
	v10 =	vld [tilespmem:s0+$0x470]  }
0x252: {  	v12 =	vld [tilespmem:s2+$0x8400];
	[tilespmem:s0+$0x410] =	vst v11;
	v4 =	vmul.f32 v4, v9  }
0x253: {  	v11 =	vld [tilespmem:s2+$0x8410];
	[tilespmem:s0+$0x420] =	vst v5;
	v3 =	vmul.f32 v3, v8  }
0x254: {  	v5 =	vld [tilespmem:s2+$0x8420];
	[tilespmem:s0+$0x430] =	vst v4;
	v2 =	vmul.f32 v2, v6  }
0x255: {  	v4 =	vld [tilespmem:s2+$0x8430];
	[tilespmem:s0+$0x440] =	vst v3;
	v1 =	vmul.f32 v1, v7  }
0x256: {  	v3 =	vld [tilespmem:s2+$0x8440];
	[tilespmem:s0+$0x450] =	vst v2;
	v0 =	vmul.f32 v0, v10  }
0x257: {  	v2 =	vld [tilespmem:s2+$0x8450];
	[tilespmem:s0+$0x460] =	vst v1  }
0x258: {  	v1 =	vld [tilespmem:s2+$0x8460];
	[tilespmem:s0+$0x470] =	vst v0;
	s0 =	smov.u32 s2  }
0x259: {  	v0 =	vld [tilespmem:s0+$0x8470]  }
0x25a: {  	v6 =	vld [tilespmem:s0+$0x400]  }
0x25b: {  	v7 =	vld [tilespmem:s0+$0x410]  }
.Ltmp3:
0x25c: {  	v10 =	vld [tilespmem:s0+$0x420];
	(pc) =	sbr.rel @p0 .LBB2_8-.Ltmp3, $4  }
0x25d: {  	v9 =	vld [tilespmem:s0+$0x430]  }
0x25e: {  	v8 =	vld [tilespmem:s0+$0x440]  }
0x25f: {  	v12 =	vmul.f32 v12, v6;
	v6 =	vld [tilespmem:s0+$0x450]  }
0x260: {  	s1 =	sadd.s32 $0x200, s1;
	v11 =	vmul.f32 v11, v7;
	v7 =	vld [tilespmem:s0+$0x460]  }
0x261: {  	[tilespmem:s0+$0x400] =	vst v12;
	v5 =	vmul.f32 v5, v10;
	v63 =	vld [tilespmem:s0+$0x470]  }
0x262: {  	[tilespmem:s0+$0x410] =	vst v11;
	v4 =	vmul.f32 v4, v9  }
0x263: {  	[tilespmem:s0+$0x420] =	vst v5;
	v3 =	vmul.f32 v3, v8  }
0x264: {  	[tilespmem:s0+$0x430] =	vst v4;
	v2 =	vmul.f32 v2, v6  }
0x265: {  	[tilespmem:s0+$0x440] =	vst v3;
	v1 =	vmul.f32 v1, v7  }
0x266: {  	[tilespmem:s0+$0x450] =	vst v2;
	v0 =	vmul.f32 v0, v63  }
0x267: {  	[tilespmem:s0+$0x460] =	vst v1  }
0x268: {  	s30 =	rddreg [dreg:$0xb];
	s1 =	simm.s32 $0xC;
	[tilespmem:s0+$0x470] =	vst v0  }
0x269: {  	[hbm4b:s30+s15] =	stream.linear.scatter [tilespmem:s13], [sflag:$0xC], $0x8000, $0x38;
	[tilespmem:$0x18400] =	vst v63  }
0x26a: {  	_ =	swait.ge [sflag:s1], $0x8000  }
0x26b: {  	s2 =	rddreg [dreg:$0xd]  }
0x26c: {  	s31 =	rddreg [dreg:$0xc];
	s2 =	sadd.s32 $0x1, s2  }
0x26d: {  	p0 =	sne.s32 s2, s31  }
.Ltmp4:
0x26e: {  	_ = 	snop;
	(pc) =	sbr.rel @p0 .LBB2_1-.Ltmp4, $3  }
0x26f: {  	_ =	sdelay $0x1  }
0x270: {  	[sflag:s1] =	ssyncset.done $0x0  }
0x271: {  	[sflag:s1] =	ssyncadd.s32 $0xFFFF8000  }
0x272: {  	_ =	sfence.sel $0x180000  }
0x273: {  	[bflag:$0x0] =	sbarrier.arrive $0xFFFF  }
0x274: {  	_ =	strace $0x90000047  }
0x275: {  	[bflag:$0x2] =	sbarrier.arrive $0xFFFF  }
0x276: {  	p0 =	sne.s32 s7, $0x0;
	s0 =	rddreg [dreg:$0x6]  }
0x277: {  	s0 =	sadd.s32 @!p0 $0x100000, s0  }
0x278: {  	[sflag:s0] =	ssyncadd.tile.s32 @!p0 $0x1;
	_ =	shalt  }
.Lfunc_end2:
_tile_overlayer_lowered:
.L_overlay_start_2:
0x279: {  	(tag) =	ssettag $0x2  }
0x27a: {  	s0 =	rddreg [dreg:$0x0];
	s2 =	stileid.u32  }
0x27b: {  	s1 =	rddreg [dreg:$0x1];
	p0 =	sne.s32 s2, $0x0  }
0x27c: {  	s3 =	rddreg [dreg:$0x2];
	[bflag:$0x3] =	sbarrier.arrive $0xFFFF;
	s2 =	simm.s32 @!p0 $0x1C0C  }
0x27d: {  	[timem:s3], [sflag:s2] =	dma.local @!p0 [hbm:s0], s1  }
0x27e: {  	s0 =	simm.s32 @!p0 $0xC  }
0x27f: {  	_ =	swait.ge @!p0 [sflag:s0], s1  }
0x280: {  	s1 =	ssub.s32 @!p0 $0x0, s1;
	[sflag:s0] =	ssyncset.done @!p0 $0x0  }
0x281: {  	[sflag:s0] =	ssyncadd.s32 @!p0 s1  }
0x282: {  	[bflag:$0x3] =	sbarrier.arrive $0xFFFF  }
0x283: {  	_ =	shalt  }

</sc_bundles>
